<compile_context>
chip_gen: v7x
topology: tpu7x:2x2x1
jax: 0.10.2.dev20260603
libtpu: 0.0.44.dev20260713+nightly
codegen_flags: <defaults>
</compile_context>

<pallas_src>
import functools
import math

import jax
import jax.numpy as jnp
from jax import lax
from jax.experimental import pallas as pl
from jax.experimental.pallas import tpu as pltpu
from jax.experimental.pallas import tpu_sc as plsc

_ALPHA = 0.2
_EPS = 1e-5
_B = 16384
_D = 64
_T = 200
_BLK = 2048
_NB = _B // _BLK
_PR = _BLK // 2
_OR = _BLK // 128
_CB = 2048
_NPB = _B // _CB
_CH = 128
_L2A = math.log2(1.0 - _ALPHA)


_SMALL_ROWS = 2216
_CAT_OFF = 208
_STORE_OFF = 1216


def _sc_gather_small(time_i, rel, cat_off, store_off, small_tab):
  info = plsc.get_sparse_core_info()
  nc, ns = info.num_cores, info.num_subcores
  nw = nc * ns
  bpw = _B // nw
  nch = bpw // _CH
  mesh = plsc.VectorSubcoreMesh(core_axis_name="c", subcore_axis_name="s")
  out_type = tuple(
      jax.ShapeDtypeStruct((_B, _D), jnp.float32) for _ in range(4))

  @functools.partial(
      pl.kernel,
      mesh=mesh,
      out_type=out_type,
      compiler_params=pltpu.CompilerParams(use_tc_tiling_on_sc=False),
      scratch_types=[
          pltpu.VMEM((4, bpw), jnp.int32),
          pltpu.VMEM((bpw, _D), jnp.float32),
          pltpu.VMEM((bpw, _D), jnp.float32),
          pltpu.VMEM_SHARED((_SMALL_ROWS, _D), jnp.float32),
          pltpu.SemaphoreType.DMA,
          pltpu.SemaphoreType.DMA,
      ],
  )
  def gather_kernel(i0_h, i1_h, i2_h, i3_h, tab_h,
                    o0, o1, o2, o3,
                    idx_v, rows_a, rows_b, tab_s, sem_a, sem_b):
    wid = lax.axis_index("s") * nc + lax.axis_index("c")
    base = wid * bpw
    idxs = (i0_h, i1_h, i2_h, i3_h)
    outs = (o0, o1, o2, o3)
    bufs = (rows_a, rows_b)
    sems = (sem_a, sem_b)

    @pl.when(lax.axis_index("s") == 0)
    def _stage():
      pltpu.sync_copy(tab_h, tab_s)

    for t in range(4):
      pltpu.sync_copy(idxs[t].at[pl.ds(base, bpw)], idx_v.at[t])
    plsc.subcore_barrier()

    def fire(t):
      buf = bufs[t % 2]
      sem = sems[t % 2]
      handles = []
      for j in range(nch):
        handles.append(
            pltpu.async_copy(tab_s.at[idx_v.at[t, pl.ds(j * _CH, _CH)]],
                             buf.at[pl.ds(j * _CH, _CH)], sem))
      return handles

    pending = fire(0)
    for t in range(4):
      for h in pending:
        h.wait()
      cur = bufs[t % 2]
      if t + 1 < 4:
        pending = fire(t + 1)
      pltpu.sync_copy(cur, outs[t].at[pl.ds(base, bpw)])

  return gather_kernel(time_i, rel, cat_off, store_off, small_tab)


def _sc_gather_item(item, item_table):
  info = plsc.get_sparse_core_info()
  nc, ns = info.num_cores, info.num_subcores
  nw = nc * ns
  bpw = _B // nw
  nch = bpw // _CH
  mesh = plsc.VectorSubcoreMesh(core_axis_name="c", subcore_axis_name="s")

  @functools.partial(
      pl.kernel,
      mesh=mesh,
      out_type=jax.ShapeDtypeStruct((_B, _D), jnp.float32),
      compiler_params=pltpu.CompilerParams(use_tc_tiling_on_sc=False),
      scratch_types=[
          pltpu.VMEM((bpw,), jnp.int32),
          pltpu.VMEM((bpw, _D), jnp.float32),
          pltpu.SemaphoreType.DMA,
      ],
  )
  def gather_kernel(idx_h, tab_h, out_h, idx_v, rows_v, sem):
    wid = lax.axis_index("s") * nc + lax.axis_index("c")
    base = wid * bpw
    pltpu.sync_copy(idx_h.at[pl.ds(base, bpw)], idx_v)
    handles = []
    for j in range(nch):
      handles.append(
          pltpu.async_copy(tab_h.at[idx_v.at[pl.ds(j * _CH, _CH)]],
                           rows_v.at[pl.ds(j * _CH, _CH)], sem))
    for h in handles:
      h.wait()
    pltpu.sync_copy(rows_v, out_h.at[pl.ds(base, bpw)])

  return gather_kernel(item, item_table)


_TCOLS = 4096


def _item_repack(item_t):
  n = item_t.shape[1]
  nblk = (n + _TCOLS - 1) // _TCOLS

  def body(src_ref, out_ref):
    s = src_ref[...]
    col = (lax.broadcasted_iota(jnp.int32, (_D, _TCOLS), 1)
           + pl.program_id(0) * _TCOLS)
    s = jnp.where(col < n, s, 0.0)
    lane = lax.broadcasted_iota(jnp.int32, (_D, 128), 1)
    sub = lax.broadcasted_iota(jnp.int32, (_D, 128), 0)
    se = (lane == 2 * sub).astype(jnp.float32)
    so = (lane == 2 * sub + 1).astype(jnp.float32)
    dn = (((1,), (1,)), ((), ()))
    chunks = []
    for q in range(_TCOLS // 128):
      sq = s[:, q * 128:(q + 1) * 128]
      left = lax.dot_general(se, sq, dn)
      right = lax.dot_general(so, sq, dn)
      chunks.append(jnp.concatenate([left, right], axis=1))
    out_ref[...] = jnp.concatenate(chunks, axis=0)

  out = pl.pallas_call(
      body,
      grid=(nblk,),
      in_specs=[pl.BlockSpec((_D, _TCOLS), lambda b: (0, b))],
      out_specs=pl.BlockSpec((_TCOLS // 2, 128), lambda b: (b, 0)),
      out_shape=jax.ShapeDtypeStruct((nblk * _TCOLS // 2, 128), jnp.float32),
  )(item_t)
  return out.reshape(nblk * _TCOLS, _D)


def _pop_body(ph_ref, tf_ref, out_ref):
  ph = ph_ref[...]
  tb = tf_ref[...].reshape(1, _CB)
  tb = jnp.maximum(tb - 1.0, 0.0)
  k = lax.broadcasted_iota(jnp.int32, (_T, 1), 0).astype(jnp.float32)
  col = jnp.exp2(tb * _L2A)
  row = jnp.exp2(k * (-_L2A))
  w = col * row
  coef = jnp.where(k > tb, 0.0, jnp.where(k == 0.0, w, _ALPHA * w))
  pop = jnp.sum(coef * ph, axis=0, keepdims=True)
  out_ref[...] = pop.reshape(1, 1, _CB)


def _fold(v):
  return v[:, 0:_D] + v[:, _D:2 * _D]


def _stats_body(ie_ref, te_ref, re_ref, ce_ref, se_ref, out_ref, acc_ref):
  b = pl.program_id(0)

  @pl.when(b == 0)
  def _init():
    acc_ref[...] = jnp.zeros_like(acc_ref)

  ie = ie_ref[...]
  te = te_ref[...]
  re = re_ref[...]
  ce = ce_ref[...]
  se = se_ref[...]
  gap = re - te
  cols = (ie, te, re, ce, se)
  sums = [_fold(jnp.sum(x, axis=0, keepdims=True)) for x in cols]
  sqs = [_fold(jnp.sum(x * x, axis=0, keepdims=True)) for x in cols]
  gsum = _fold(jnp.sum(gap, axis=0, keepdims=True))
  gsq = _fold(jnp.sum(gap * gap, axis=0, keepdims=True))
  z = jnp.zeros((4, _D), jnp.float32)
  acc_ref[...] += jnp.concatenate(sums + sqs + [gsum, gsq, z], axis=0)

  @pl.when(b == _NB - 1)
  def _emit():
    out_ref[...] = acc_ref[...]


def _final_body(st_ref, pop_ref, ie_ref, te_ref, re_ref, ce_ref, se_ref,
                gt_ref, bt_ref, wt_ref, bt0_ref,
                gs_ref, bs_ref, ws_ref, bs0_ref, aw_ref,
                opop_ref, otime_ref, oside_ref, oout_ref):
  st = st_ref[...]
  inv_n = 1.0 / _B
  mu = st[0:5] * inv_n
  ex2 = st[5:10] * inv_n
  mu_g = st[10:11] * inv_n
  ex2_g = st[11:12] * inv_n
  var = ex2 - mu * mu
  var_g = ex2_g - mu_g * mu_g
  mu_t = jnp.concatenate([mu_g, mu[0:1], mu[1:2], mu[2:3]], axis=0)
  var_t = jnp.concatenate([var_g, var[0:1], var[1:2], var[2:3]], axis=0)
  w4 = wt_ref[...]
  v4 = gt_ref[...] * w4 * lax.rsqrt(var_t + _EPS)
  c_t = jnp.sum(bt_ref[...] * w4) - jnp.sum(mu_t * v4) + bt0_ref[...]
  w2 = ws_ref[...]
  v2 = gs_ref[...] * w2 * lax.rsqrt(var[3:5] + _EPS)
  c_s = jnp.sum(bs_ref[...] * w2) - jnp.sum(mu[3:5] * v2) + bs0_ref[...]
  aw = aw_ref[...]
  e = jnp.exp(aw - jnp.max(aw))
  wsm = e / jnp.sum(e)
  wa = wsm[0:1, 0:1]
  wb = wsm[0:1, 1:2]
  wc = wsm[0:1, 2:3]

  vv4 = jnp.concatenate([v4, v4], axis=1)
  vv2 = jnp.concatenate([v2, v2], axis=1)
  ie = ie_ref[...]
  te = te_ref[...]
  re = re_ref[...]
  gap = re - te
  yt = (gap * vv4[0:1] + ie * vv4[1:2] + te * vv4[2:3] + re * vv4[3:4])
  ys = ce_ref[...] * vv2[0:1] + se_ref[...] * vv2[1:2]
  dte = jnp.sum(yt[:, 0:_D], axis=1, keepdims=True)
  dto = jnp.sum(yt[:, _D:], axis=1, keepdims=True)
  dse = jnp.sum(ys[:, 0:_D], axis=1, keepdims=True)
  dso = jnp.sum(ys[:, _D:], axis=1, keepdims=True)

  lane = lax.broadcasted_iota(jnp.int32, (_D, 128), 1)
  sub = lax.broadcasted_iota(jnp.int32, (_D, 128), 0)
  pe = (lane == 2 * sub).astype(jnp.float32)
  po = (lane == 2 * sub + 1).astype(jnp.float32)
  dn = (((1,), (0,)), ((), ()))

  def interleave(ev, od):
    evq = ev.reshape(_OR, _D)
    odq = od.reshape(_OR, _D)
    return lax.dot_general(evq, pe, dn) + lax.dot_general(odq, po, dn)

  dt = interleave(dte, dto)
  ds = interleave(dse, dso)

  t_out = jnp.maximum(dt + c_t, 0.0)
  s_out = ds + c_s
  w_pop = pop_ref[...] * wa
  w_time = t_out * wb
  w_side = s_out * wc
  opop_ref[...] = w_pop
  otime_ref[...] = w_time
  oside_ref[...] = w_side
  oout_ref[...] = w_pop + w_time + w_side


def kernel(pop_history, item, time, release_time, category, store,
           item_table, time_table, cat_table, store_table,
           gamma_time, beta_time, W_time, b_time,
           gamma_side, beta_side, W_side, b_side, attn_w):
  i32 = jnp.int32
  z7 = jnp.zeros((7, _D), jnp.float32)
  small_tab = jnp.concatenate([time_table, z7, cat_table, z7, store_table],
                              axis=0)
  time_e, rel_e, cat_e, store_e = _sc_gather_small(
      time.astype(i32), release_time.astype(i32),
      category.astype(i32) + _CAT_OFF, store.astype(i32) + _STORE_OFF,
      small_tab)
  item_e = _sc_gather_item(item.astype(i32), _item_repack(item_table.T))
  packed = [x.reshape(_B // 2, 128)
            for x in (item_e, time_e, rel_e, cat_e, store_e)]

  tf = time.astype(jnp.float32).reshape(_NPB, 1, _CB)
  pop3 = pl.pallas_call(
      _pop_body,
      grid=(_NPB,),
      in_specs=[
          pl.BlockSpec((_T, _CB), lambda b: (0, b)),
          pl.BlockSpec((1, 1, _CB), lambda b: (b, 0, 0)),
      ],
      out_specs=pl.BlockSpec((1, 1, _CB), lambda b: (b, 0, 0)),
      out_shape=jax.ShapeDtypeStruct((_NPB, 1, _CB), jnp.float32),
  )(pop_history.T, tf)
  pop_pk = pop3.reshape(128, 128)

  blk = lambda b: (b, 0)
  full = lambda b: (0, 0)
  espec = pl.BlockSpec((_PR, 128), blk)
  stats = pl.pallas_call(
      _stats_body,
      grid=(_NB,),
      in_specs=[espec] * 5,
      out_specs=pl.BlockSpec((16, _D), full),
      out_shape=jax.ShapeDtypeStruct((16, _D), jnp.float32),
      scratch_shapes=[pltpu.VMEM((16, _D), jnp.float32)],
  )(*packed)

  gt = gamma_time.reshape(4, _D)
  bt = beta_time.reshape(4, _D)
  wt = W_time.reshape(4, _D)
  bt0 = b_time.reshape(1, 1)
  gs = gamma_side.reshape(2, _D)
  bs = beta_side.reshape(2, _D)
  ws = W_side.reshape(2, _D)
  bs0 = b_side.reshape(1, 1)
  aw = attn_w.reshape(1, 3)

  out_spec = pl.BlockSpec((_OR, 128), blk)
  w_pop, w_time, w_side, output = pl.pallas_call(
      _final_body,
      grid=(_NB,),
      in_specs=[
          pl.BlockSpec((16, _D), full),
          pl.BlockSpec((_OR, 128), blk),
          espec, espec, espec, espec, espec,
          pl.BlockSpec((4, _D), full),
          pl.BlockSpec((4, _D), full),
          pl.BlockSpec((4, _D), full),
          pl.BlockSpec((1, 1), full),
          pl.BlockSpec((2, _D), full),
          pl.BlockSpec((2, _D), full),
          pl.BlockSpec((2, _D), full),
          pl.BlockSpec((1, 1), full),
          pl.BlockSpec((1, 3), full),
      ],
      out_specs=[out_spec] * 4,
      out_shape=[jax.ShapeDtypeStruct((128, 128), jnp.float32)] * 4,
  )(stats, pop_pk, *packed,
    gt, bt, wt, bt0, gs, bs, ws, bs0, aw)

  return tuple(o.reshape(_B, 1) for o in (w_pop, w_time, w_side, output))

# --- scband reference (transcript-rebuilt; emitter-appended) ---
"""Pipeline reference for scband-pop-predict-87823491269059 (READ-ONLY COPY).

The authoritative reference and input builder live on the scoring server;
editing this copy changes nothing except your own understanding.
"""

import jax, jax.numpy as jnp
import numpy as np

ALPHA = 0.2
EPS = 1e-5


def _ema(ph, alpha=ALPHA):
    # ema[:,0] = ph[:,0]; ema[:,t] = (1-a)*ema[:,t-1] + a*ph[:,t]
    def step(carry, x):
        new = (1.0 - alpha) * carry + alpha * x
        return new, new
    init = ph[:, 0]
    _, rest = jax.lax.scan(step, init, ph[:, 1:].T)
    return jnp.concatenate([init[:, None], rest.T], axis=1)


def _bn(x, gamma, beta, eps=EPS):
    # BatchNorm1d in training mode: batch statistics, biased variance
    mean = jnp.mean(x, axis=0)
    var = jnp.var(x, axis=0)
    return (x - mean) / jnp.sqrt(var + eps) * gamma + beta


def setup_inputs(seed: int = 0) -> dict:
    key = jax.random.key(seed)
    ks = jax.random.split(key, 16)
    B, D, T = 16384, 64, 200
    num_items, num_cats, num_stores, max_time = 100000, 1000, 1000, 200
    inp = {}
    inp['pop_history'] = jax.random.uniform(ks[0], (B, T), dtype=jnp.float32)
    inp['item'] = jax.random.randint(ks[1], (B,), 0, num_items + 1)
    inp['time'] = jax.random.randint(ks[2], (B,), 0, max_time + 1)
    inp['release_time'] = jax.random.randint(ks[3], (B,), 0, max_time + 1)
    inp['category'] = jax.random.randint(ks[4], (B,), 0, num_cats + 1)
    inp['store'] = jax.random.randint(ks[5], (B,), 0, num_stores)
    # learned parameters
    inp['item_table'] = jax.random.normal(ks[6], (num_items + 1, D), dtype=jnp.float32) * 0.02
    inp['time_table'] = jax.random.normal(ks[7], (max_time + 1, D), dtype=jnp.float32) * 0.02
    inp['cat_table'] = jax.random.normal(ks[8], (num_cats + 1, D), dtype=jnp.float32) * 0.02
    inp['store_table'] = jax.random.normal(ks[9], (num_stores, D), dtype=jnp.float32) * 0.02
    inp['gamma_time'] = jnp.ones((4 * D,), dtype=jnp.float32)
    inp['beta_time'] = jnp.zeros((4 * D,), dtype=jnp.float32)
    inp['W_time'] = jax.random.normal(ks[10], (1, 4 * D), dtype=jnp.float32) * (2.0 / np.sqrt(4 * D))
    inp['b_time'] = jnp.zeros((1,), dtype=jnp.float32)
    inp['gamma_side'] = jnp.ones((2 * D,), dtype=jnp.float32)
    inp['beta_side'] = jnp.zeros((2 * D,), dtype=jnp.float32)
    inp['W_side'] = jax.random.normal(ks[11], (1, 2 * D), dtype=jnp.float32) * (2.0 / np.sqrt(2 * D))
    inp['b_side'] = jnp.zeros((1,), dtype=jnp.float32)
    inp['attn_w'] = jnp.ones((3, 1), dtype=jnp.float32) / 3.0
    return inp


def reference(pop_history, item, time, release_time, category, store,
              item_table, time_table, cat_table, store_table,
              gamma_time, beta_time, W_time, b_time,
              gamma_side, beta_side, W_side, b_side, attn_w):
    # embedding gathers
    item_e = jnp.take(item_table, item, axis=0)
    time_e = jnp.take(time_table, time, axis=0)
    rel_e = jnp.take(time_table, release_time, axis=0)
    cat_e = jnp.take(cat_table, category, axis=0)
    store_e = jnp.take(store_table, store, axis=0)
    # pop history module (EMA + gather at time-1)
    history_ema = _ema(pop_history)
    time_before = jnp.clip(time - 1, 0, None)
    pop_out = jnp.take_along_axis(history_ema, time_before[:, None], axis=1)
    # time module
    gap = rel_e - time_e
    xt = jnp.concatenate([gap, item_e, time_e, rel_e], axis=1)
    xt = _bn(xt, gamma_time, beta_time)
    time_out = jax.nn.relu(xt @ W_time.T + b_time)
    # side info module
    xs = jnp.concatenate([cat_e, store_e], axis=1)
    xs = _bn(xs, gamma_side, beta_side)
    side_out = xs @ W_side.T + b_side
    # attention-weighted combination
    w = jax.nn.softmax(attn_w, axis=0)
    w_pop = pop_out * w[0]
    w_time = time_out * w[1]
    w_side = side_out * w[2]
    output = w_pop + w_time + w_side
    return (w_pop, w_time, w_side, output)

if __name__ == "__main__":
    import jax
    _d = setup_inputs()
    print(jax.jit(kernel)(*tuple(_d.values())))

</pallas_src>

<mosaic_0001>
#map = affine_map<(d0, d1) -> (0)>
#map1 = affine_map<(d0, d1) -> (0, 0)>
module attributes {stable_mosaic.version = 14 : i64} {
  func.func @gather_kernel(%arg0: i32, %arg1: i32, %arg2: memref<16384xi32, #tpu.memory_space<hbm>>, %arg3: memref<102400x64xf32, #tpu.memory_space<hbm>>, %arg4: memref<16384x64xf32, #tpu.memory_space<hbm>>, %arg5: memref<512xi32, #tpu.memory_space<vmem>>, %arg6: memref<512x64xf32, #tpu.memory_space<vmem>>, %arg7: memref<!tpu.dma_semaphore, #tpu.memory_space<semaphore_mem>>) attributes {dimension_semantics = [#tpu.dimension_semantics<core_parallel>, #tpu.dimension_semantics<subcore_parallel>], iteration_bounds = array<i64: 2, 16>, scalar_prefetch = 0 : i64, scratch_operands = 3 : i64, tpu.core_type = #tpu.core_type<sc_vector_subcore>, window_params = [{transform_indices = #map}, {transform_indices = #map1}, {transform_indices = #map1}]} {
    %mul3A = arith.constant 2 : i32
    %mul3A_0 = arith.muli %arg1, %mul3A : i32
    %add3A = arith.addi %mul3A_0, %arg0 : i32
    %mul3A_1 = arith.constant 512 : i32
    %mul3A_2 = arith.muli %add3A, %mul3A_1 : i32
    "tpu.region"() ({
      %run_scoped3A = tpu.sem_alloc : memref<!tpu.dma_semaphore, #tpu.memory_space<semaphore_mem>>
      %dma_start3A_65 = tpu.memref_slice %arg2[%mul3A_2] : memref<16384xi32, #tpu.memory_space<hbm>> -> memref<512xi32, #tpu.memory_space<hbm>>
      %dma_start3A_66 = tpu.memref_slice %arg2[%mul3A_2] : memref<16384xi32, #tpu.memory_space<hbm>> -> memref<512xi32, #tpu.memory_space<hbm>>
      tpu.enqueue_dma source(%dma_start3A_66 : memref<512xi32, #tpu.memory_space<hbm>>) target(%arg5 : memref<512xi32, #tpu.memory_space<vmem>>) target_semaphore(%run_scoped3A : memref<!tpu.dma_semaphore, #tpu.memory_space<semaphore_mem>>)
      %dma_wait3A_67 = tpu.memref_slice %arg2[%mul3A_2] : memref<16384xi32, #tpu.memory_space<hbm>> -> memref<512xi32, #tpu.memory_space<hbm>>
      %dma_wait3A_68 = tpu.memref_slice %arg2[%mul3A_2] : memref<16384xi32, #tpu.memory_space<hbm>> -> memref<512xi32, #tpu.memory_space<hbm>>
      tpu.wait_dma2 semaphore(%run_scoped3A : memref<!tpu.dma_semaphore, #tpu.memory_space<semaphore_mem>>) src(%dma_wait3A_68 : memref<512xi32, #tpu.memory_space<hbm>>) dst(%arg5 : memref<512xi32, #tpu.memory_space<vmem>>)
      tpu.yield
    }) : () -> ()
    %dma_start3A = arith.constant 0 : i32
    %dma_start3A_3 = arith.constant 0 : i32
    %dma_start3A_4 = tpu.memref_slice %arg6[%dma_start3A, %dma_start3A_3] : memref<512x64xf32, #tpu.memory_space<vmem>> -> memref<128x64xf32, #tpu.memory_space<vmem>>
    %dma_start3A_5 = arith.constant 0 : i32
    %dma_start3A_6 = tpu.memref_slice %arg5[%dma_start3A_5] : memref<512xi32, #tpu.memory_space<vmem>> -> memref<128xi32, #tpu.memory_space<vmem>>
    %dma_start3A_7 = arith.constant 0 : i32
    %dma_start3A_8 = arith.constant 0 : i32
    %dma_start3A_9 = tpu.memref_slice %arg3[%dma_start3A_7, %dma_start3A_8] : memref<102400x64xf32, #tpu.memory_space<hbm>> -> memref<102400x64xf32, #tpu.memory_space<hbm>>
    tpu.enqueue_indirect_dma source(%dma_start3A_9 : memref<102400x64xf32, #tpu.memory_space<hbm>>) target(%dma_start3A_4 : memref<128x64xf32, #tpu.memory_space<vmem>>) offsets(%dma_start3A_6 : memref<128xi32, #tpu.memory_space<vmem>>) semaphore(%arg7 : memref<!tpu.dma_semaphore, #tpu.memory_space<semaphore_mem>>)
    %dma_start3A_10 = arith.constant 128 : i32
    %dma_start3A_11 = arith.constant 0 : i32
    %dma_start3A_12 = tpu.memref_slice %arg6[%dma_start3A_10, %dma_start3A_11] : memref<512x64xf32, #tpu.memory_space<vmem>> -> memref<128x64xf32, #tpu.memory_space<vmem>>
    %dma_start3A_13 = arith.constant 128 : i32
    %dma_start3A_14 = tpu.memref_slice %arg5[%dma_start3A_13] : memref<512xi32, #tpu.memory_space<vmem>> -> memref<128xi32, #tpu.memory_space<vmem>>
    %dma_start3A_15 = arith.constant 0 : i32
    %dma_start3A_16 = arith.constant 0 : i32
    %dma_start3A_17 = tpu.memref_slice %arg3[%dma_start3A_15, %dma_start3A_16] : memref<102400x64xf32, #tpu.memory_space<hbm>> -> memref<102400x64xf32, #tpu.memory_space<hbm>>
    tpu.enqueue_indirect_dma source(%dma_start3A_17 : memref<102400x64xf32, #tpu.memory_space<hbm>>) target(%dma_start3A_12 : memref<128x64xf32, #tpu.memory_space<vmem>>) offsets(%dma_start3A_14 : memref<128xi32, #tpu.memory_space<vmem>>) semaphore(%arg7 : memref<!tpu.dma_semaphore, #tpu.memory_space<semaphore_mem>>)
    %dma_start3A_18 = arith.constant 256 : i32
    %dma_start3A_19 = arith.constant 0 : i32
    %dma_start3A_20 = tpu.memref_slice %arg6[%dma_start3A_18, %dma_start3A_19] : memref<512x64xf32, #tpu.memory_space<vmem>> -> memref<128x64xf32, #tpu.memory_space<vmem>>
    %dma_start3A_21 = arith.constant 256 : i32
    %dma_start3A_22 = tpu.memref_slice %arg5[%dma_start3A_21] : memref<512xi32, #tpu.memory_space<vmem>> -> memref<128xi32, #tpu.memory_space<vmem>>
    %dma_start3A_23 = arith.constant 0 : i32
    %dma_start3A_24 = arith.constant 0 : i32
    %dma_start3A_25 = tpu.memref_slice %arg3[%dma_start3A_23, %dma_start3A_24] : memref<102400x64xf32, #tpu.memory_space<hbm>> -> memref<102400x64xf32, #tpu.memory_space<hbm>>
    tpu.enqueue_indirect_dma source(%dma_start3A_25 : memref<102400x64xf32, #tpu.memory_space<hbm>>) target(%dma_start3A_20 : memref<128x64xf32, #tpu.memory_space<vmem>>) offsets(%dma_start3A_22 : memref<128xi32, #tpu.memory_space<vmem>>) semaphore(%arg7 : memref<!tpu.dma_semaphore, #tpu.memory_space<semaphore_mem>>)
    %dma_start3A_26 = arith.constant 384 : i32
    %dma_start3A_27 = arith.constant 0 : i32
    %dma_start3A_28 = tpu.memref_slice %arg6[%dma_start3A_26, %dma_start3A_27] : memref<512x64xf32, #tpu.memory_space<vmem>> -> memref<128x64xf32, #tpu.memory_space<vmem>>
    %dma_start3A_29 = arith.constant 384 : i32
    %dma_start3A_30 = tpu.memref_slice %arg5[%dma_start3A_29] : memref<512xi32, #tpu.memory_space<vmem>> -> memref<128xi32, #tpu.memory_space<vmem>>
    %dma_start3A_31 = arith.constant 0 : i32
    %dma_start3A_32 = arith.constant 0 : i32
    %dma_start3A_33 = tpu.memref_slice %arg3[%dma_start3A_31, %dma_start3A_32] : memref<102400x64xf32, #tpu.memory_space<hbm>> -> memref<102400x64xf32, #tpu.memory_space<hbm>>
    tpu.enqueue_indirect_dma source(%dma_start3A_33 : memref<102400x64xf32, #tpu.memory_space<hbm>>) target(%dma_start3A_28 : memref<128x64xf32, #tpu.memory_space<vmem>>) offsets(%dma_start3A_30 : memref<128xi32, #tpu.memory_space<vmem>>) semaphore(%arg7 : memref<!tpu.dma_semaphore, #tpu.memory_space<semaphore_mem>>)
    %dma_wait3A = arith.constant 0 : i32
    %dma_wait3A_34 = arith.constant 0 : i32
    %dma_wait3A_35 = tpu.memref_slice %arg6[%dma_wait3A, %dma_wait3A_34] : memref<512x64xf32, #tpu.memory_space<vmem>> -> memref<128x64xf32, #tpu.memory_space<vmem>>
    %dma_wait3A_36 = arith.constant 0 : i32
    %dma_wait3A_37 = tpu.memref_slice %arg5[%dma_wait3A_36] : memref<512xi32, #tpu.memory_space<vmem>> -> memref<128xi32, #tpu.memory_space<vmem>>
    %dma_wait3A_38 = arith.constant 0 : i32
    %dma_wait3A_39 = arith.constant 0 : i32
    %dma_wait3A_40 = tpu.memref_slice %arg3[%dma_wait3A_38, %dma_wait3A_39] : memref<102400x64xf32, #tpu.memory_space<hbm>> -> memref<102400x64xf32, #tpu.memory_space<hbm>>
    tpu.wait_indirect_dma semaphore(%arg7 : memref<!tpu.dma_semaphore, #tpu.memory_space<semaphore_mem>>) src(%dma_wait3A_40 : memref<102400x64xf32, #tpu.memory_space<hbm>>) dst(%dma_wait3A_35 : memref<128x64xf32, #tpu.memory_space<vmem>>)
    %dma_wait3A_41 = arith.constant 128 : i32
    %dma_wait3A_42 = arith.constant 0 : i32
    %dma_wait3A_43 = tpu.memref_slice %arg6[%dma_wait3A_41, %dma_wait3A_42] : memref<512x64xf32, #tpu.memory_space<vmem>> -> memref<128x64xf32, #tpu.memory_space<vmem>>
    %dma_wait3A_44 = arith.constant 128 : i32
    %dma_wait3A_45 = tpu.memref_slice %arg5[%dma_wait3A_44] : memref<512xi32, #tpu.memory_space<vmem>> -> memref<128xi32, #tpu.memory_space<vmem>>
    %dma_wait3A_46 = arith.constant 0 : i32
    %dma_wait3A_47 = arith.constant 0 : i32
    %dma_wait3A_48 = tpu.memref_slice %arg3[%dma_wait3A_46, %dma_wait3A_47] : memref<102400x64xf32, #tpu.memory_space<hbm>> -> memref<102400x64xf32, #tpu.memory_space<hbm>>
    tpu.wait_indirect_dma semaphore(%arg7 : memref<!tpu.dma_semaphore, #tpu.memory_space<semaphore_mem>>) src(%dma_wait3A_48 : memref<102400x64xf32, #tpu.memory_space<hbm>>) dst(%dma_wait3A_43 : memref<128x64xf32, #tpu.memory_space<vmem>>)
    %dma_wait3A_49 = arith.constant 256 : i32
    %dma_wait3A_50 = arith.constant 0 : i32
    %dma_wait3A_51 = tpu.memref_slice %arg6[%dma_wait3A_49, %dma_wait3A_50] : memref<512x64xf32, #tpu.memory_space<vmem>> -> memref<128x64xf32, #tpu.memory_space<vmem>>
    %dma_wait3A_52 = arith.constant 256 : i32
    %dma_wait3A_53 = tpu.memref_slice %arg5[%dma_wait3A_52] : memref<512xi32, #tpu.memory_space<vmem>> -> memref<128xi32, #tpu.memory_space<vmem>>
    %dma_wait3A_54 = arith.constant 0 : i32
    %dma_wait3A_55 = arith.constant 0 : i32
    %dma_wait3A_56 = tpu.memref_slice %arg3[%dma_wait3A_54, %dma_wait3A_55] : memref<102400x64xf32, #tpu.memory_space<hbm>> -> memref<102400x64xf32, #tpu.memory_space<hbm>>
    tpu.wait_indirect_dma semaphore(%arg7 : memref<!tpu.dma_semaphore, #tpu.memory_space<semaphore_mem>>) src(%dma_wait3A_56 : memref<102400x64xf32, #tpu.memory_space<hbm>>) dst(%dma_wait3A_51 : memref<128x64xf32, #tpu.memory_space<vmem>>)
    %dma_wait3A_57 = arith.constant 384 : i32
    %dma_wait3A_58 = arith.constant 0 : i32
    %dma_wait3A_59 = tpu.memref_slice %arg6[%dma_wait3A_57, %dma_wait3A_58] : memref<512x64xf32, #tpu.memory_space<vmem>> -> memref<128x64xf32, #tpu.memory_space<vmem>>
    %dma_wait3A_60 = arith.constant 384 : i32
    %dma_wait3A_61 = tpu.memref_slice %arg5[%dma_wait3A_60] : memref<512xi32, #tpu.memory_space<vmem>> -> memref<128xi32, #tpu.memory_space<vmem>>
    %dma_wait3A_62 = arith.constant 0 : i32
    %dma_wait3A_63 = arith.constant 0 : i32
    %dma_wait3A_64 = tpu.memref_slice %arg3[%dma_wait3A_62, %dma_wait3A_63] : memref<102400x64xf32, #tpu.memory_space<hbm>> -> memref<102400x64xf32, #tpu.memory_space<hbm>>
    tpu.wait_indirect_dma semaphore(%arg7 : memref<!tpu.dma_semaphore, #tpu.memory_space<semaphore_mem>>) src(%dma_wait3A_64 : memref<102400x64xf32, #tpu.memory_space<hbm>>) dst(%dma_wait3A_59 : memref<128x64xf32, #tpu.memory_space<vmem>>)
    "tpu.region"() ({
      %run_scoped3A = tpu.sem_alloc : memref<!tpu.dma_semaphore, #tpu.memory_space<semaphore_mem>>
      %dma_start3A_65 = arith.constant 0 : i32
      %dma_start3A_66 = tpu.memref_slice %arg4[%mul3A_2, %dma_start3A_65] : memref<16384x64xf32, #tpu.memory_space<hbm>> -> memref<512x64xf32, #tpu.memory_space<hbm>>
      %dma_start3A_67 = arith.constant 0 : i32
      %dma_start3A_68 = tpu.memref_slice %arg4[%mul3A_2, %dma_start3A_67] : memref<16384x64xf32, #tpu.memory_space<hbm>> -> memref<512x64xf32, #tpu.memory_space<hbm>>
      tpu.enqueue_dma source(%arg6 : memref<512x64xf32, #tpu.memory_space<vmem>>) target(%dma_start3A_68 : memref<512x64xf32, #tpu.memory_space<hbm>>) target_semaphore(%run_scoped3A : memref<!tpu.dma_semaphore, #tpu.memory_space<semaphore_mem>>)
      %dma_wait3A_69 = arith.constant 0 : i32
      %dma_wait3A_70 = tpu.memref_slice %arg4[%mul3A_2, %dma_wait3A_69] : memref<16384x64xf32, #tpu.memory_space<hbm>> -> memref<512x64xf32, #tpu.memory_space<hbm>>
      %dma_wait3A_71 = arith.constant 0 : i32
      %dma_wait3A_72 = tpu.memref_slice %arg4[%mul3A_2, %dma_wait3A_71] : memref<16384x64xf32, #tpu.memory_space<hbm>> -> memref<512x64xf32, #tpu.memory_space<hbm>>
      tpu.wait_dma2 semaphore(%run_scoped3A : memref<!tpu.dma_semaphore, #tpu.memory_space<semaphore_mem>>) src(%arg6 : memref<512x64xf32, #tpu.memory_space<vmem>>) dst(%dma_wait3A_72 : memref<512x64xf32, #tpu.memory_space<hbm>>)
      tpu.yield
    }) : () -> ()
    return
  }
}

#map = affine_map<(d0, d1) -> (0)>
#map1 = affine_map<(d0, d1) -> (0, 0)>
module attributes {stable_mosaic.version = 14 : i64} {
  func.func @gather_kernel(%arg0: i32, %arg1: i32, %arg2: memref<16384xi32, #tpu.memory_space<hbm>>, %arg3: memref<16384xi32, #tpu.memory_space<hbm>>, %arg4: memref<16384xi32, #tpu.memory_space<hbm>>, %arg5: memref<16384xi32, #tpu.memory_space<hbm>>, %arg6: memref<2216x64xf32, #tpu.memory_space<hbm>>, %arg7: memref<16384x64xf32, #tpu.memory_space<hbm>>, %arg8: memref<16384x64xf32, #tpu.memory_space<hbm>>, %arg9: memref<16384x64xf32, #tpu.memory_space<hbm>>, %arg10: memref<16384x64xf32, #tpu.memory_space<hbm>>, %arg11: memref<4x512xi32, #tpu.memory_space<vmem>>, %arg12: memref<512x64xf32, #tpu.memory_space<vmem>>, %arg13: memref<512x64xf32, #tpu.memory_space<vmem>>, %arg14: memref<2216x64xf32, #tpu.memory_space<vmem_shared>>, %arg15: memref<!tpu.dma_semaphore, #tpu.memory_space<semaphore_mem>>, %arg16: memref<!tpu.dma_semaphore, #tpu.memory_space<semaphore_mem>>) attributes {dimension_semantics = [#tpu.dimension_semantics<core_parallel>, #tpu.dimension_semantics<subcore_parallel>], iteration_bounds = array<i64: 2, 16>, scalar_prefetch = 0 : i64, scratch_operands = 6 : i64, tpu.core_type = #tpu.core_type<sc_vector_subcore>, window_params = [{transform_indices = #map}, {transform_indices = #map}, {transform_indices = #map}, {transform_indices = #map}, {transform_indices = #map1}, {transform_indices = #map1}, {transform_indices = #map1}, {transform_indices = #map1}, {transform_indices = #map1}]} {
    %mul3A = arith.constant 2 : i32
    %mul3A_0 = arith.muli %arg1, %mul3A : i32
    %add3A = arith.addi %mul3A_0, %arg0 : i32
    %mul3A_1 = arith.constant 512 : i32
    %mul3A_2 = arith.muli %add3A, %mul3A_1 : i32
    %eq3A = arith.constant 0 : i32
    %eq3A_3 = arith.cmpi eq, %arg1, %eq3A : i32
    %convert_element_type3A = arith.extui %eq3A_3 : i1 to i32
    %cond3A = arith.constant 0 : i32
    %cond3A_4 = arith.cmpi ne, %convert_element_type3A, %cond3A : i32
    scf.if %cond3A_4 {
      "tpu.region"() ({
        %run_scoped3A_326 = tpu.sem_alloc : memref<!tpu.dma_semaphore, #tpu.memory_space<semaphore_mem>>
        tpu.enqueue_dma source(%arg6 : memref<2216x64xf32, #tpu.memory_space<hbm>>) target(%arg14 : memref<2216x64xf32, #tpu.memory_space<vmem_shared>>) target_semaphore(%run_scoped3A_326 : memref<!tpu.dma_semaphore, #tpu.memory_space<semaphore_mem>>)
        tpu.wait_dma2 semaphore(%run_scoped3A_326 : memref<!tpu.dma_semaphore, #tpu.memory_space<semaphore_mem>>) src(%arg6 : memref<2216x64xf32, #tpu.memory_space<hbm>>) dst(%arg14 : memref<2216x64xf32, #tpu.memory_space<vmem_shared>>)
        tpu.yield
      }) : () -> ()
    } else {
    }
    %run_scoped3A = arith.constant 0 : i32
    "tpu.region"() ({
      %run_scoped3A_326 = tpu.sem_alloc : memref<!tpu.dma_semaphore, #tpu.memory_space<semaphore_mem>>
      %dma_start3A_327 = arith.constant 0 : i32
      %dma_start3A_328 = tpu.memref_slice %arg11[%run_scoped3A, %dma_start3A_327] : memref<4x512xi32, #tpu.memory_space<vmem>> -> memref<1x512xi32, #tpu.memory_space<vmem>>
      %dma_start3A_329 = tpu.memref_squeeze %dma_start3A_328 : memref<1x512xi32, #tpu.memory_space<vmem>> -> memref<512xi32, #tpu.memory_space<vmem>>
      %dma_start3A_330 = tpu.memref_slice %arg2[%mul3A_2] : memref<16384xi32, #tpu.memory_space<hbm>> -> memref<512xi32, #tpu.memory_space<hbm>>
      %dma_start3A_331 = arith.constant 0 : i32
      %dma_start3A_332 = tpu.memref_slice %arg11[%run_scoped3A, %dma_start3A_331] : memref<4x512xi32, #tpu.memory_space<vmem>> -> memref<1x512xi32, #tpu.memory_space<vmem>>
      %dma_start3A_333 = tpu.memref_squeeze %dma_start3A_332 : memref<1x512xi32, #tpu.memory_space<vmem>> -> memref<512xi32, #tpu.memory_space<vmem>>
      %dma_start3A_334 = tpu.memref_slice %arg2[%mul3A_2] : memref<16384xi32, #tpu.memory_space<hbm>> -> memref<512xi32, #tpu.memory_space<hbm>>
      tpu.enqueue_dma source(%dma_start3A_334 : memref<512xi32, #tpu.memory_space<hbm>>) target(%dma_start3A_333 : memref<512xi32, #tpu.memory_space<vmem>>) target_semaphore(%run_scoped3A_326 : memref<!tpu.dma_semaphore, #tpu.memory_space<semaphore_mem>>)
      %dma_wait3A_335 = arith.constant 0 : i32
      %dma_wait3A_336 = tpu.memref_slice %arg11[%run_scoped3A, %dma_wait3A_335] : memref<4x512xi32, #tpu.memory_space<vmem>> -> memref<1x512xi32, #tpu.memory_space<vmem>>
      %dma_wait3A_337 = tpu.memref_squeeze %dma_wait3A_336 : memref<1x512xi32, #tpu.memory_space<vmem>> -> memref<512xi32, #tpu.memory_space<vmem>>
      %dma_wait3A_338 = tpu.memref_slice %arg2[%mul3A_2] : memref<16384xi32, #tpu.memory_space<hbm>> -> memref<512xi32, #tpu.memory_space<hbm>>
      %dma_wait3A_339 = arith.constant 0 : i32
      %dma_wait3A_340 = tpu.memref_slice %arg11[%run_scoped3A, %dma_wait3A_339] : memref<4x512xi32, #tpu.memory_space<vmem>> -> memref<1x512xi32, #tpu.memory_space<vmem>>
      %dma_wait3A_341 = tpu.memref_squeeze %dma_wait3A_340 : memref<1x512xi32, #tpu.memory_space<vmem>> -> memref<512xi32, #tpu.memory_space<vmem>>
      %dma_wait3A_342 = tpu.memref_slice %arg2[%mul3A_2] : memref<16384xi32, #tpu.memory_space<hbm>> -> memref<512xi32, #tpu.memory_space<hbm>>
      tpu.wait_dma2 semaphore(%run_scoped3A_326 : memref<!tpu.dma_semaphore, #tpu.memory_space<semaphore_mem>>) src(%dma_wait3A_342 : memref<512xi32, #tpu.memory_space<hbm>>) dst(%dma_wait3A_341 : memref<512xi32, #tpu.memory_space<vmem>>)
      tpu.yield
    }) : () -> ()
    %run_scoped3A_5 = arith.constant 1 : i32
    "tpu.region"() ({
      %run_scoped3A_326 = tpu.sem_alloc : memref<!tpu.dma_semaphore, #tpu.memory_space<semaphore_mem>>
      %dma_start3A_327 = arith.constant 0 : i32
      %dma_start3A_328 = tpu.memref_slice %arg11[%run_scoped3A_5, %dma_start3A_327] : memref<4x512xi32, #tpu.memory_space<vmem>> -> memref<1x512xi32, #tpu.memory_space<vmem>>
      %dma_start3A_329 = tpu.memref_squeeze %dma_start3A_328 : memref<1x512xi32, #tpu.memory_space<vmem>> -> memref<512xi32, #tpu.memory_space<vmem>>
      %dma_start3A_330 = tpu.memref_slice %arg3[%mul3A_2] : memref<16384xi32, #tpu.memory_space<hbm>> -> memref<512xi32, #tpu.memory_space<hbm>>
      %dma_start3A_331 = arith.constant 0 : i32
      %dma_start3A_332 = tpu.memref_slice %arg11[%run_scoped3A_5, %dma_start3A_331] : memref<4x512xi32, #tpu.memory_space<vmem>> -> memref<1x512xi32, #tpu.memory_space<vmem>>
      %dma_start3A_333 = tpu.memref_squeeze %dma_start3A_332 : memref<1x512xi32, #tpu.memory_space<vmem>> -> memref<512xi32, #tpu.memory_space<vmem>>
      %dma_start3A_334 = tpu.memref_slice %arg3[%mul3A_2] : memref<16384xi32, #tpu.memory_space<hbm>> -> memref<512xi32, #tpu.memory_space<hbm>>
      tpu.enqueue_dma source(%dma_start3A_334 : memref<512xi32, #tpu.memory_space<hbm>>) target(%dma_start3A_333 : memref<512xi32, #tpu.memory_space<vmem>>) target_semaphore(%run_scoped3A_326 : memref<!tpu.dma_semaphore, #tpu.memory_space<semaphore_mem>>)
      %dma_wait3A_335 = arith.constant 0 : i32
      %dma_wait3A_336 = tpu.memref_slice %arg11[%run_scoped3A_5, %dma_wait3A_335] : memref<4x512xi32, #tpu.memory_space<vmem>> -> memref<1x512xi32, #tpu.memory_space<vmem>>
      %dma_wait3A_337 = tpu.memref_squeeze %dma_wait3A_336 : memref<1x512xi32, #tpu.memory_space<vmem>> -> memref<512xi32, #tpu.memory_space<vmem>>
      %dma_wait3A_338 = tpu.memref_slice %arg3[%mul3A_2] : memref<16384xi32, #tpu.memory_space<hbm>> -> memref<512xi32, #tpu.memory_space<hbm>>
      %dma_wait3A_339 = arith.constant 0 : i32
      %dma_wait3A_340 = tpu.memref_slice %arg11[%run_scoped3A_5, %dma_wait3A_339] : memref<4x512xi32, #tpu.memory_space<vmem>> -> memref<1x512xi32, #tpu.memory_space<vmem>>
      %dma_wait3A_341 = tpu.memref_squeeze %dma_wait3A_340 : memref<1x512xi32, #tpu.memory_space<vmem>> -> memref<512xi32, #tpu.memory_space<vmem>>
      %dma_wait3A_342 = tpu.memref_slice %arg3[%mul3A_2] : memref<16384xi32, #tpu.memory_space<hbm>> -> memref<512xi32, #tpu.memory_space<hbm>>
      tpu.wait_dma2 semaphore(%run_scoped3A_326 : memref<!tpu.dma_semaphore, #tpu.memory_space<semaphore_mem>>) src(%dma_wait3A_342 : memref<512xi32, #tpu.memory_space<hbm>>) dst(%dma_wait3A_341 : memref<512xi32, #tpu.memory_space<vmem>>)
      tpu.yield
    }) : () -> ()
    %run_scoped3A_6 = arith.constant 2 : i32
    "tpu.region"() ({
      %run_scoped3A_326 = tpu.sem_alloc : memref<!tpu.dma_semaphore, #tpu.memory_space<semaphore_mem>>
      %dma_start3A_327 = arith.constant 0 : i32
      %dma_start3A_328 = tpu.memref_slice %arg11[%run_scoped3A_6, %dma_start3A_327] : memref<4x512xi32, #tpu.memory_space<vmem>> -> memref<1x512xi32, #tpu.memory_space<vmem>>
      %dma_start3A_329 = tpu.memref_squeeze %dma_start3A_328 : memref<1x512xi32, #tpu.memory_space<vmem>> -> memref<512xi32, #tpu.memory_space<vmem>>
      %dma_start3A_330 = tpu.memref_slice %arg4[%mul3A_2] : memref<16384xi32, #tpu.memory_space<hbm>> -> memref<512xi32, #tpu.memory_space<hbm>>
      %dma_start3A_331 = arith.constant 0 : i32
      %dma_start3A_332 = tpu.memref_slice %arg11[%run_scoped3A_6, %dma_start3A_331] : memref<4x512xi32, #tpu.memory_space<vmem>> -> memref<1x512xi32, #tpu.memory_space<vmem>>
      %dma_start3A_333 = tpu.memref_squeeze %dma_start3A_332 : memref<1x512xi32, #tpu.memory_space<vmem>> -> memref<512xi32, #tpu.memory_space<vmem>>
      %dma_start3A_334 = tpu.memref_slice %arg4[%mul3A_2] : memref<16384xi32, #tpu.memory_space<hbm>> -> memref<512xi32, #tpu.memory_space<hbm>>
      tpu.enqueue_dma source(%dma_start3A_334 : memref<512xi32, #tpu.memory_space<hbm>>) target(%dma_start3A_333 : memref<512xi32, #tpu.memory_space<vmem>>) target_semaphore(%run_scoped3A_326 : memref<!tpu.dma_semaphore, #tpu.memory_space<semaphore_mem>>)
      %dma_wait3A_335 = arith.constant 0 : i32
      %dma_wait3A_336 = tpu.memref_slice %arg11[%run_scoped3A_6, %dma_wait3A_335] : memref<4x512xi32, #tpu.memory_space<vmem>> -> memref<1x512xi32, #tpu.memory_space<vmem>>
      %dma_wait3A_337 = tpu.memref_squeeze %dma_wait3A_336 : memref<1x512xi32, #tpu.memory_space<vmem>> -> memref<512xi32, #tpu.memory_space<vmem>>
      %dma_wait3A_338 = tpu.memref_slice %arg4[%mul3A_2] : memref<16384xi32, #tpu.memory_space<hbm>> -> memref<512xi32, #tpu.memory_space<hbm>>
      %dma_wait3A_339 = arith.constant 0 : i32
      %dma_wait3A_340 = tpu.memref_slice %arg11[%run_scoped3A_6, %dma_wait3A_339] : memref<4x512xi32, #tpu.memory_space<vmem>> -> memref<1x512xi32, #tpu.memory_space<vmem>>
      %dma_wait3A_341 = tpu.memref_squeeze %dma_wait3A_340 : memref<1x512xi32, #tpu.memory_space<vmem>> -> memref<512xi32, #tpu.memory_space<vmem>>
      %dma_wait3A_342 = tpu.memref_slice %arg4[%mul3A_2] : memref<16384xi32, #tpu.memory_space<hbm>> -> memref<512xi32, #tpu.memory_space<hbm>>
      tpu.wait_dma2 semaphore(%run_scoped3A_326 : memref<!tpu.dma_semaphore, #tpu.memory_space<semaphore_mem>>) src(%dma_wait3A_342 : memref<512xi32, #tpu.memory_space<hbm>>) dst(%dma_wait3A_341 : memref<512xi32, #tpu.memory_space<vmem>>)
      tpu.yield
    }) : () -> ()
    %run_scoped3A_7 = arith.constant 3 : i32
    "tpu.region"() ({
      %run_scoped3A_326 = tpu.sem_alloc : memref<!tpu.dma_semaphore, #tpu.memory_space<semaphore_mem>>
      %dma_start3A_327 = arith.constant 0 : i32
      %dma_start3A_328 = tpu.memref_slice %arg11[%run_scoped3A_7, %dma_start3A_327] : memref<4x512xi32, #tpu.memory_space<vmem>> -> memref<1x512xi32, #tpu.memory_space<vmem>>
      %dma_start3A_329 = tpu.memref_squeeze %dma_start3A_328 : memref<1x512xi32, #tpu.memory_space<vmem>> -> memref<512xi32, #tpu.memory_space<vmem>>
      %dma_start3A_330 = tpu.memref_slice %arg5[%mul3A_2] : memref<16384xi32, #tpu.memory_space<hbm>> -> memref<512xi32, #tpu.memory_space<hbm>>
      %dma_start3A_331 = arith.constant 0 : i32
      %dma_start3A_332 = tpu.memref_slice %arg11[%run_scoped3A_7, %dma_start3A_331] : memref<4x512xi32, #tpu.memory_space<vmem>> -> memref<1x512xi32, #tpu.memory_space<vmem>>
      %dma_start3A_333 = tpu.memref_squeeze %dma_start3A_332 : memref<1x512xi32, #tpu.memory_space<vmem>> -> memref<512xi32, #tpu.memory_space<vmem>>
      %dma_start3A_334 = tpu.memref_slice %arg5[%mul3A_2] : memref<16384xi32, #tpu.memory_space<hbm>> -> memref<512xi32, #tpu.memory_space<hbm>>
      tpu.enqueue_dma source(%dma_start3A_334 : memref<512xi32, #tpu.memory_space<hbm>>) target(%dma_start3A_333 : memref<512xi32, #tpu.memory_space<vmem>>) target_semaphore(%run_scoped3A_326 : memref<!tpu.dma_semaphore, #tpu.memory_space<semaphore_mem>>)
      %dma_wait3A_335 = arith.constant 0 : i32
      %dma_wait3A_336 = tpu.memref_slice %arg11[%run_scoped3A_7, %dma_wait3A_335] : memref<4x512xi32, #tpu.memory_space<vmem>> -> memref<1x512xi32, #tpu.memory_space<vmem>>
      %dma_wait3A_337 = tpu.memref_squeeze %dma_wait3A_336 : memref<1x512xi32, #tpu.memory_space<vmem>> -> memref<512xi32, #tpu.memory_space<vmem>>
      %dma_wait3A_338 = tpu.memref_slice %arg5[%mul3A_2] : memref<16384xi32, #tpu.memory_space<hbm>> -> memref<512xi32, #tpu.memory_space<hbm>>
      %dma_wait3A_339 = arith.constant 0 : i32
      %dma_wait3A_340 = tpu.memref_slice %arg11[%run_scoped3A_7, %dma_wait3A_339] : memref<4x512xi32, #tpu.memory_space<vmem>> -> memref<1x512xi32, #tpu.memory_space<vmem>>
      %dma_wait3A_341 = tpu.memref_squeeze %dma_wait3A_340 : memref<1x512xi32, #tpu.memory_space<vmem>> -> memref<512xi32, #tpu.memory_space<vmem>>
      %dma_wait3A_342 = tpu.memref_slice %arg5[%mul3A_2] : memref<16384xi32, #tpu.memory_space<hbm>> -> memref<512xi32, #tpu.memory_space<hbm>>
      tpu.wait_dma2 semaphore(%run_scoped3A_326 : memref<!tpu.dma_semaphore, #tpu.memory_space<semaphore_mem>>) src(%dma_wait3A_342 : memref<512xi32, #tpu.memory_space<hbm>>) dst(%dma_wait3A_341 : memref<512xi32, #tpu.memory_space<vmem>>)
      tpu.yield
    }) : () -> ()
    %barrier3A = arith.constant 0 : index
    tpu.barrier barrier_id(%barrier3A)
    %dma_start3A = arith.constant 0 : i32
    %dma_start3A_8 = arith.constant 0 : i32
    %dma_start3A_9 = arith.constant 0 : i32
    %dma_start3A_10 = tpu.memref_slice %arg12[%dma_start3A_8, %dma_start3A_9] : memref<512x64xf32, #tpu.memory_space<vmem>> -> memref<128x64xf32, #tpu.memory_space<vmem>>
    %dma_start3A_11 = arith.constant 0 : i32
    %dma_start3A_12 = tpu.memref_slice %arg11[%dma_start3A, %dma_start3A_11] : memref<4x512xi32, #tpu.memory_space<vmem>> -> memref<1x128xi32, #tpu.memory_space<vmem>>
    %dma_start3A_13 = tpu.memref_squeeze %dma_start3A_12 : memref<1x128xi32, #tpu.memory_space<vmem>> -> memref<128xi32, #tpu.memory_space<vmem>>
    %dma_start3A_14 = arith.constant 0 : i32
    %dma_start3A_15 = arith.constant 0 : i32
    %dma_start3A_16 = tpu.memref_slice %arg14[%dma_start3A_14, %dma_start3A_15] : memref<2216x64xf32, #tpu.memory_space<vmem_shared>> -> memref<2216x64xf32, #tpu.memory_space<vmem_shared>>
    tpu.enqueue_indirect_dma source(%dma_start3A_16 : memref<2216x64xf32, #tpu.memory_space<vmem_shared>>) target(%dma_start3A_10 : memref<128x64xf32, #tpu.memory_space<vmem>>) offsets(%dma_start3A_13 : memref<128xi32, #tpu.memory_space<vmem>>) semaphore(%arg15 : memref<!tpu.dma_semaphore, #tpu.memory_space<semaphore_mem>>)
    %dma_start3A_17 = arith.constant 0 : i32
    %dma_start3A_18 = arith.constant 128 : i32
    %dma_start3A_19 = arith.constant 0 : i32
    %dma_start3A_20 = tpu.memref_slice %arg12[%dma_start3A_18, %dma_start3A_19] : memref<512x64xf32, #tpu.memory_space<vmem>> -> memref<128x64xf32, #tpu.memory_space<vmem>>
    %dma_start3A_21 = arith.constant 128 : i32
    %dma_start3A_22 = tpu.memref_slice %arg11[%dma_start3A_17, %dma_start3A_21] : memref<4x512xi32, #tpu.memory_space<vmem>> -> memref<1x128xi32, #tpu.memory_space<vmem>>
    %dma_start3A_23 = tpu.memref_squeeze %dma_start3A_22 : memref<1x128xi32, #tpu.memory_space<vmem>> -> memref<128xi32, #tpu.memory_space<vmem>>
    %dma_start3A_24 = arith.constant 0 : i32
    %dma_start3A_25 = arith.constant 0 : i32
    %dma_start3A_26 = tpu.memref_slice %arg14[%dma_start3A_24, %dma_start3A_25] : memref<2216x64xf32, #tpu.memory_space<vmem_shared>> -> memref<2216x64xf32, #tpu.memory_space<vmem_shared>>
    tpu.enqueue_indirect_dma source(%dma_start3A_26 : memref<2216x64xf32, #tpu.memory_space<vmem_shared>>) target(%dma_start3A_20 : memref<128x64xf32, #tpu.memory_space<vmem>>) offsets(%dma_start3A_23 : memref<128xi32, #tpu.memory_space<vmem>>) semaphore(%arg15 : memref<!tpu.dma_semaphore, #tpu.memory_space<semaphore_mem>>)
    %dma_start3A_27 = arith.constant 0 : i32
    %dma_start3A_28 = arith.constant 256 : i32
    %dma_start3A_29 = arith.constant 0 : i32
    %dma_start3A_30 = tpu.memref_slice %arg12[%dma_start3A_28, %dma_start3A_29] : memref<512x64xf32, #tpu.memory_space<vmem>> -> memref<128x64xf32, #tpu.memory_space<vmem>>
    %dma_start3A_31 = arith.constant 256 : i32
    %dma_start3A_32 = tpu.memref_slice %arg11[%dma_start3A_27, %dma_start3A_31] : memref<4x512xi32, #tpu.memory_space<vmem>> -> memref<1x128xi32, #tpu.memory_space<vmem>>
    %dma_start3A_33 = tpu.memref_squeeze %dma_start3A_32 : memref<1x128xi32, #tpu.memory_space<vmem>> -> memref<128xi32, #tpu.memory_space<vmem>>
    %dma_start3A_34 = arith.constant 0 : i32
    %dma_start3A_35 = arith.constant 0 : i32
    %dma_start3A_36 = tpu.memref_slice %arg14[%dma_start3A_34, %dma_start3A_35] : memref<2216x64xf32, #tpu.memory_space<vmem_shared>> -> memref<2216x64xf32, #tpu.memory_space<vmem_shared>>
    tpu.enqueue_indirect_dma source(%dma_start3A_36 : memref<2216x64xf32, #tpu.memory_space<vmem_shared>>) target(%dma_start3A_30 : memref<128x64xf32, #tpu.memory_space<vmem>>) offsets(%dma_start3A_33 : memref<128xi32, #tpu.memory_space<vmem>>) semaphore(%arg15 : memref<!tpu.dma_semaphore, #tpu.memory_space<semaphore_mem>>)
    %dma_start3A_37 = arith.constant 0 : i32
    %dma_start3A_38 = arith.constant 384 : i32
    %dma_start3A_39 = arith.constant 0 : i32
    %dma_start3A_40 = tpu.memref_slice %arg12[%dma_start3A_38, %dma_start3A_39] : memref<512x64xf32, #tpu.memory_space<vmem>> -> memref<128x64xf32, #tpu.memory_space<vmem>>
    %dma_start3A_41 = arith.constant 384 : i32
    %dma_start3A_42 = tpu.memref_slice %arg11[%dma_start3A_37, %dma_start3A_41] : memref<4x512xi32, #tpu.memory_space<vmem>> -> memref<1x128xi32, #tpu.memory_space<vmem>>
    %dma_start3A_43 = tpu.memref_squeeze %dma_start3A_42 : memref<1x128xi32, #tpu.memory_space<vmem>> -> memref<128xi32, #tpu.memory_space<vmem>>
    %dma_start3A_44 = arith.constant 0 : i32
    %dma_start3A_45 = arith.constant 0 : i32
    %dma_start3A_46 = tpu.memref_slice %arg14[%dma_start3A_44, %dma_start3A_45] : memref<2216x64xf32, #tpu.memory_space<vmem_shared>> -> memref<2216x64xf32, #tpu.memory_space<vmem_shared>>
    tpu.enqueue_indirect_dma source(%dma_start3A_46 : memref<2216x64xf32, #tpu.memory_space<vmem_shared>>) target(%dma_start3A_40 : memref<128x64xf32, #tpu.memory_space<vmem>>) offsets(%dma_start3A_43 : memref<128xi32, #tpu.memory_space<vmem>>) semaphore(%arg15 : memref<!tpu.dma_semaphore, #tpu.memory_space<semaphore_mem>>)
    %dma_wait3A = arith.constant 0 : i32
    %dma_wait3A_47 = arith.constant 0 : i32
    %dma_wait3A_48 = arith.constant 0 : i32
    %dma_wait3A_49 = tpu.memref_slice %arg12[%dma_wait3A_47, %dma_wait3A_48] : memref<512x64xf32, #tpu.memory_space<vmem>> -> memref<128x64xf32, #tpu.memory_space<vmem>>
    %dma_wait3A_50 = arith.constant 0 : i32
    %dma_wait3A_51 = tpu.memref_slice %arg11[%dma_wait3A, %dma_wait3A_50] : memref<4x512xi32, #tpu.memory_space<vmem>> -> memref<1x128xi32, #tpu.memory_space<vmem>>
    %dma_wait3A_52 = tpu.memref_squeeze %dma_wait3A_51 : memref<1x128xi32, #tpu.memory_space<vmem>> -> memref<128xi32, #tpu.memory_space<vmem>>
    %dma_wait3A_53 = arith.constant 0 : i32
    %dma_wait3A_54 = arith.constant 0 : i32
    %dma_wait3A_55 = tpu.memref_slice %arg14[%dma_wait3A_53, %dma_wait3A_54] : memref<2216x64xf32, #tpu.memory_space<vmem_shared>> -> memref<2216x64xf32, #tpu.memory_space<vmem_shared>>
    tpu.wait_indirect_dma semaphore(%arg15 : memref<!tpu.dma_semaphore, #tpu.memory_space<semaphore_mem>>) src(%dma_wait3A_55 : memref<2216x64xf32, #tpu.memory_space<vmem_shared>>) dst(%dma_wait3A_49 : memref<128x64xf32, #tpu.memory_space<vmem>>)
    %dma_wait3A_56 = arith.constant 0 : i32
    %dma_wait3A_57 = arith.constant 128 : i32
    %dma_wait3A_58 = arith.constant 0 : i32
    %dma_wait3A_59 = tpu.memref_slice %arg12[%dma_wait3A_57, %dma_wait3A_58] : memref<512x64xf32, #tpu.memory_space<vmem>> -> memref<128x64xf32, #tpu.memory_space<vmem>>
    %dma_wait3A_60 = arith.constant 128 : i32
    %dma_wait3A_61 = tpu.memref_slice %arg11[%dma_wait3A_56, %dma_wait3A_60] : memref<4x512xi32, #tpu.memory_space<vmem>> -> memref<1x128xi32, #tpu.memory_space<vmem>>
    %dma_wait3A_62 = tpu.memref_squeeze %dma_wait3A_61 : memref<1x128xi32, #tpu.memory_space<vmem>> -> memref<128xi32, #tpu.memory_space<vmem>>
    %dma_wait3A_63 = arith.constant 0 : i32
    %dma_wait3A_64 = arith.constant 0 : i32
    %dma_wait3A_65 = tpu.memref_slice %arg14[%dma_wait3A_63, %dma_wait3A_64] : memref<2216x64xf32, #tpu.memory_space<vmem_shared>> -> memref<2216x64xf32, #tpu.memory_space<vmem_shared>>
    tpu.wait_indirect_dma semaphore(%arg15 : memref<!tpu.dma_semaphore, #tpu.memory_space<semaphore_mem>>) src(%dma_wait3A_65 : memref<2216x64xf32, #tpu.memory_space<vmem_shared>>) dst(%dma_wait3A_59 : memref<128x64xf32, #tpu.memory_space<vmem>>)
    %dma_wait3A_66 = arith.constant 0 : i32
    %dma_wait3A_67 = arith.constant 256 : i32
    %dma_wait3A_68 = arith.constant 0 : i32
    %dma_wait3A_69 = tpu.memref_slice %arg12[%dma_wait3A_67, %dma_wait3A_68] : memref<512x64xf32, #tpu.memory_space<vmem>> -> memref<128x64xf32, #tpu.memory_space<vmem>>
    %dma_wait3A_70 = arith.constant 256 : i32
    %dma_wait3A_71 = tpu.memref_slice %arg11[%dma_wait3A_66, %dma_wait3A_70] : memref<4x512xi32, #tpu.memory_space<vmem>> -> memref<1x128xi32, #tpu.memory_space<vmem>>
    %dma_wait3A_72 = tpu.memref_squeeze %dma_wait3A_71 : memref<1x128xi32, #tpu.memory_space<vmem>> -> memref<128xi32, #tpu.memory_space<vmem>>
    %dma_wait3A_73 = arith.constant 0 : i32
    %dma_wait3A_74 = arith.constant 0 : i32
    %dma_wait3A_75 = tpu.memref_slice %arg14[%dma_wait3A_73, %dma_wait3A_74] : memref<2216x64xf32, #tpu.memory_space<vmem_shared>> -> memref<2216x64xf32, #tpu.memory_space<vmem_shared>>
    tpu.wait_indirect_dma semaphore(%arg15 : memref<!tpu.dma_semaphore, #tpu.memory_space<semaphore_mem>>) src(%dma_wait3A_75 : memref<2216x64xf32, #tpu.memory_space<vmem_shared>>) dst(%dma_wait3A_69 : memref<128x64xf32, #tpu.memory_space<vmem>>)
    %dma_wait3A_76 = arith.constant 0 : i32
    %dma_wait3A_77 = arith.constant 384 : i32
    %dma_wait3A_78 = arith.constant 0 : i32
    %dma_wait3A_79 = tpu.memref_slice %arg12[%dma_wait3A_77, %dma_wait3A_78] : memref<512x64xf32, #tpu.memory_space<vmem>> -> memref<128x64xf32, #tpu.memory_space<vmem>>
    %dma_wait3A_80 = arith.constant 384 : i32
    %dma_wait3A_81 = tpu.memref_slice %arg11[%dma_wait3A_76, %dma_wait3A_80] : memref<4x512xi32, #tpu.memory_space<vmem>> -> memref<1x128xi32, #tpu.memory_space<vmem>>
    %dma_wait3A_82 = tpu.memref_squeeze %dma_wait3A_81 : memref<1x128xi32, #tpu.memory_space<vmem>> -> memref<128xi32, #tpu.memory_space<vmem>>
    %dma_wait3A_83 = arith.constant 0 : i32
    %dma_wait3A_84 = arith.constant 0 : i32
    %dma_wait3A_85 = tpu.memref_slice %arg14[%dma_wait3A_83, %dma_wait3A_84] : memref<2216x64xf32, #tpu.memory_space<vmem_shared>> -> memref<2216x64xf32, #tpu.memory_space<vmem_shared>>
    tpu.wait_indirect_dma semaphore(%arg15 : memref<!tpu.dma_semaphore, #tpu.memory_space<semaphore_mem>>) src(%dma_wait3A_85 : memref<2216x64xf32, #tpu.memory_space<vmem_shared>>) dst(%dma_wait3A_79 : memref<128x64xf32, #tpu.memory_space<vmem>>)
    %dma_start3A_86 = arith.constant 1 : i32
    %dma_start3A_87 = arith.constant 0 : i32
    %dma_start3A_88 = arith.constant 0 : i32
    %dma_start3A_89 = tpu.memref_slice %arg13[%dma_start3A_87, %dma_start3A_88] : memref<512x64xf32, #tpu.memory_space<vmem>> -> memref<128x64xf32, #tpu.memory_space<vmem>>
    %dma_start3A_90 = arith.constant 0 : i32
    %dma_start3A_91 = tpu.memref_slice %arg11[%dma_start3A_86, %dma_start3A_90] : memref<4x512xi32, #tpu.memory_space<vmem>> -> memref<1x128xi32, #tpu.memory_space<vmem>>
    %dma_start3A_92 = tpu.memref_squeeze %dma_start3A_91 : memref<1x128xi32, #tpu.memory_space<vmem>> -> memref<128xi32, #tpu.memory_space<vmem>>
    %dma_start3A_93 = arith.constant 0 : i32
    %dma_start3A_94 = arith.constant 0 : i32
    %dma_start3A_95 = tpu.memref_slice %arg14[%dma_start3A_93, %dma_start3A_94] : memref<2216x64xf32, #tpu.memory_space<vmem_shared>> -> memref<2216x64xf32, #tpu.memory_space<vmem_shared>>
    tpu.enqueue_indirect_dma source(%dma_start3A_95 : memref<2216x64xf32, #tpu.memory_space<vmem_shared>>) target(%dma_start3A_89 : memref<128x64xf32, #tpu.memory_space<vmem>>) offsets(%dma_start3A_92 : memref<128xi32, #tpu.memory_space<vmem>>) semaphore(%arg16 : memref<!tpu.dma_semaphore, #tpu.memory_space<semaphore_mem>>)
    %dma_start3A_96 = arith.constant 1 : i32
    %dma_start3A_97 = arith.constant 128 : i32
    %dma_start3A_98 = arith.constant 0 : i32
    %dma_start3A_99 = tpu.memref_slice %arg13[%dma_start3A_97, %dma_start3A_98] : memref<512x64xf32, #tpu.memory_space<vmem>> -> memref<128x64xf32, #tpu.memory_space<vmem>>
    %dma_start3A_100 = arith.constant 128 : i32
    %dma_start3A_101 = tpu.memref_slice %arg11[%dma_start3A_96, %dma_start3A_100] : memref<4x512xi32, #tpu.memory_space<vmem>> -> memref<1x128xi32, #tpu.memory_space<vmem>>
    %dma_start3A_102 = tpu.memref_squeeze %dma_start3A_101 : memref<1x128xi32, #tpu.memory_space<vmem>> -> memref<128xi32, #tpu.memory_space<vmem>>
    %dma_start3A_103 = arith.constant 0 : i32
    %dma_start3A_104 = arith.constant 0 : i32
    %dma_start3A_105 = tpu.memref_slice %arg14[%dma_start3A_103, %dma_start3A_104] : memref<2216x64xf32, #tpu.memory_space<vmem_shared>> -> memref<2216x64xf32, #tpu.memory_space<vmem_shared>>
    tpu.enqueue_indirect_dma source(%dma_start3A_105 : memref<2216x64xf32, #tpu.memory_space<vmem_shared>>) target(%dma_start3A_99 : memref<128x64xf32, #tpu.memory_space<vmem>>) offsets(%dma_start3A_102 : memref<128xi32, #tpu.memory_space<vmem>>) semaphore(%arg16 : memref<!tpu.dma_semaphore, #tpu.memory_space<semaphore_mem>>)
    %dma_start3A_106 = arith.constant 1 : i32
    %dma_start3A_107 = arith.constant 256 : i32
    %dma_start3A_108 = arith.constant 0 : i32
    %dma_start3A_109 = tpu.memref_slice %arg13[%dma_start3A_107, %dma_start3A_108] : memref<512x64xf32, #tpu.memory_space<vmem>> -> memref<128x64xf32, #tpu.memory_space<vmem>>
    %dma_start3A_110 = arith.constant 256 : i32
    %dma_start3A_111 = tpu.memref_slice %arg11[%dma_start3A_106, %dma_start3A_110] : memref<4x512xi32, #tpu.memory_space<vmem>> -> memref<1x128xi32, #tpu.memory_space<vmem>>
    %dma_start3A_112 = tpu.memref_squeeze %dma_start3A_111 : memref<1x128xi32, #tpu.memory_space<vmem>> -> memref<128xi32, #tpu.memory_space<vmem>>
    %dma_start3A_113 = arith.constant 0 : i32
    %dma_start3A_114 = arith.constant 0 : i32
    %dma_start3A_115 = tpu.memref_slice %arg14[%dma_start3A_113, %dma_start3A_114] : memref<2216x64xf32, #tpu.memory_space<vmem_shared>> -> memref<2216x64xf32, #tpu.memory_space<vmem_shared>>
    tpu.enqueue_indirect_dma source(%dma_start3A_115 : memref<2216x64xf32, #tpu.memory_space<vmem_shared>>) target(%dma_start3A_109 : memref<128x64xf32, #tpu.memory_space<vmem>>) offsets(%dma_start3A_112 : memref<128xi32, #tpu.memory_space<vmem>>) semaphore(%arg16 : memref<!tpu.dma_semaphore, #tpu.memory_space<semaphore_mem>>)
    %dma_start3A_116 = arith.constant 1 : i32
    %dma_start3A_117 = arith.constant 384 : i32
    %dma_start3A_118 = arith.constant 0 : i32
    %dma_start3A_119 = tpu.memref_slice %arg13[%dma_start3A_117, %dma_start3A_118] : memref<512x64xf32, #tpu.memory_space<vmem>> -> memref<128x64xf32, #tpu.memory_space<vmem>>
    %dma_start3A_120 = arith.constant 384 : i32
    %dma_start3A_121 = tpu.memref_slice %arg11[%dma_start3A_116, %dma_start3A_120] : memref<4x512xi32, #tpu.memory_space<vmem>> -> memref<1x128xi32, #tpu.memory_space<vmem>>
    %dma_start3A_122 = tpu.memref_squeeze %dma_start3A_121 : memref<1x128xi32, #tpu.memory_space<vmem>> -> memref<128xi32, #tpu.memory_space<vmem>>
    %dma_start3A_123 = arith.constant 0 : i32
    %dma_start3A_124 = arith.constant 0 : i32
    %dma_start3A_125 = tpu.memref_slice %arg14[%dma_start3A_123, %dma_start3A_124] : memref<2216x64xf32, #tpu.memory_space<vmem_shared>> -> memref<2216x64xf32, #tpu.memory_space<vmem_shared>>
    tpu.enqueue_indirect_dma source(%dma_start3A_125 : memref<2216x64xf32, #tpu.memory_space<vmem_shared>>) target(%dma_start3A_119 : memref<128x64xf32, #tpu.memory_space<vmem>>) offsets(%dma_start3A_122 : memref<128xi32, #tpu.memory_space<vmem>>) semaphore(%arg16 : memref<!tpu.dma_semaphore, #tpu.memory_space<semaphore_mem>>)
    "tpu.region"() ({
      %run_scoped3A_326 = tpu.sem_alloc : memref<!tpu.dma_semaphore, #tpu.memory_space<semaphore_mem>>
      %dma_start3A_327 = arith.constant 0 : i32
      %dma_start3A_328 = tpu.memref_slice %arg7[%mul3A_2, %dma_start3A_327] : memref<16384x64xf32, #tpu.memory_space<hbm>> -> memref<512x64xf32, #tpu.memory_space<hbm>>
      %dma_start3A_329 = arith.constant 0 : i32
      %dma_start3A_330 = tpu.memref_slice %arg7[%mul3A_2, %dma_start3A_329] : memref<16384x64xf32, #tpu.memory_space<hbm>> -> memref<512x64xf32, #tpu.memory_space<hbm>>
      tpu.enqueue_dma source(%arg12 : memref<512x64xf32, #tpu.memory_space<vmem>>) target(%dma_start3A_330 : memref<512x64xf32, #tpu.memory_space<hbm>>) target_semaphore(%run_scoped3A_326 : memref<!tpu.dma_semaphore, #tpu.memory_space<semaphore_mem>>)
      %dma_wait3A_331 = arith.constant 0 : i32
      %dma_wait3A_332 = tpu.memref_slice %arg7[%mul3A_2, %dma_wait3A_331] : memref<16384x64xf32, #tpu.memory_space<hbm>> -> memref<512x64xf32, #tpu.memory_space<hbm>>
      %dma_wait3A_333 = arith.constant 0 : i32
      %dma_wait3A_334 = tpu.memref_slice %arg7[%mul3A_2, %dma_wait3A_333] : memref<16384x64xf32, #tpu.memory_space<hbm>> -> memref<512x64xf32, #tpu.memory_space<hbm>>
      tpu.wait_dma2 semaphore(%run_scoped3A_326 : memref<!tpu.dma_semaphore, #tpu.memory_space<semaphore_mem>>) src(%arg12 : memref<512x64xf32, #tpu.memory_space<vmem>>) dst(%dma_wait3A_334 : memref<512x64xf32, #tpu.memory_space<hbm>>)
      tpu.yield
    }) : () -> ()
    %dma_wait3A_126 = arith.constant 1 : i32
    %dma_wait3A_127 = arith.constant 0 : i32
    %dma_wait3A_128 = arith.constant 0 : i32
    %dma_wait3A_129 = tpu.memref_slice %arg13[%dma_wait3A_127, %dma_wait3A_128] : memref<512x64xf32, #tpu.memory_space<vmem>> -> memref<128x64xf32, #tpu.memory_space<vmem>>
    %dma_wait3A_130 = arith.constant 0 : i32
    %dma_wait3A_131 = tpu.memref_slice %arg11[%dma_wait3A_126, %dma_wait3A_130] : memref<4x512xi32, #tpu.memory_space<vmem>> -> memref<1x128xi32, #tpu.memory_space<vmem>>
    %dma_wait3A_132 = tpu.memref_squeeze %dma_wait3A_131 : memref<1x128xi32, #tpu.memory_space<vmem>> -> memref<128xi32, #tpu.memory_space<vmem>>
    %dma_wait3A_133 = arith.constant 0 : i32
    %dma_wait3A_134 = arith.constant 0 : i32
    %dma_wait3A_135 = tpu.memref_slice %arg14[%dma_wait3A_133, %dma_wait3A_134] : memref<2216x64xf32, #tpu.memory_space<vmem_shared>> -> memref<2216x64xf32, #tpu.memory_space<vmem_shared>>
    tpu.wait_indirect_dma semaphore(%arg16 : memref<!tpu.dma_semaphore, #tpu.memory_space<semaphore_mem>>) src(%dma_wait3A_135 : memref<2216x64xf32, #tpu.memory_space<vmem_shared>>) dst(%dma_wait3A_129 : memref<128x64xf32, #tpu.memory_space<vmem>>)
    %dma_wait3A_136 = arith.constant 1 : i32
    %dma_wait3A_137 = arith.constant 128 : i32
    %dma_wait3A_138 = arith.constant 0 : i32
    %dma_wait3A_139 = tpu.memref_slice %arg13[%dma_wait3A_137, %dma_wait3A_138] : memref<512x64xf32, #tpu.memory_space<vmem>> -> memref<128x64xf32, #tpu.memory_space<vmem>>
    %dma_wait3A_140 = arith.constant 128 : i32
    %dma_wait3A_141 = tpu.memref_slice %arg11[%dma_wait3A_136, %dma_wait3A_140] : memref<4x512xi32, #tpu.memory_space<vmem>> -> memref<1x128xi32, #tpu.memory_space<vmem>>
    %dma_wait3A_142 = tpu.memref_squeeze %dma_wait3A_141 : memref<1x128xi32, #tpu.memory_space<vmem>> -> memref<128xi32, #tpu.memory_space<vmem>>
    %dma_wait3A_143 = arith.constant 0 : i32
    %dma_wait3A_144 = arith.constant 0 : i32
    %dma_wait3A_145 = tpu.memref_slice %arg14[%dma_wait3A_143, %dma_wait3A_144] : memref<2216x64xf32, #tpu.memory_space<vmem_shared>> -> memref<2216x64xf32, #tpu.memory_space<vmem_shared>>
    tpu.wait_indirect_dma semaphore(%arg16 : memref<!tpu.dma_semaphore, #tpu.memory_space<semaphore_mem>>) src(%dma_wait3A_145 : memref<2216x64xf32, #tpu.memory_space<vmem_shared>>) dst(%dma_wait3A_139 : memref<128x64xf32, #tpu.memory_space<vmem>>)
    %dma_wait3A_146 = arith.constant 1 : i32
    %dma_wait3A_147 = arith.constant 256 : i32
    %dma_wait3A_148 = arith.constant 0 : i32
    %dma_wait3A_149 = tpu.memref_slice %arg13[%dma_wait3A_147, %dma_wait3A_148] : memref<512x64xf32, #tpu.memory_space<vmem>> -> memref<128x64xf32, #tpu.memory_space<vmem>>
    %dma_wait3A_150 = arith.constant 256 : i32
    %dma_wait3A_151 = tpu.memref_slice %arg11[%dma_wait3A_146, %dma_wait3A_150] : memref<4x512xi32, #tpu.memory_space<vmem>> -> memref<1x128xi32, #tpu.memory_space<vmem>>
    %dma_wait3A_152 = tpu.memref_squeeze %dma_wait3A_151 : memref<1x128xi32, #tpu.memory_space<vmem>> -> memref<128xi32, #tpu.memory_space<vmem>>
    %dma_wait3A_153 = arith.constant 0 : i32
    %dma_wait3A_154 = arith.constant 0 : i32
    %dma_wait3A_155 = tpu.memref_slice %arg14[%dma_wait3A_153, %dma_wait3A_154] : memref<2216x64xf32, #tpu.memory_space<vmem_shared>> -> memref<2216x64xf32, #tpu.memory_space<vmem_shared>>
    tpu.wait_indirect_dma semaphore(%arg16 : memref<!tpu.dma_semaphore, #tpu.memory_space<semaphore_mem>>) src(%dma_wait3A_155 : memref<2216x64xf32, #tpu.memory_space<vmem_shared>>) dst(%dma_wait3A_149 : memref<128x64xf32, #tpu.memory_space<vmem>>)
    %dma_wait3A_156 = arith.constant 1 : i32
    %dma_wait3A_157 = arith.constant 384 : i32
    %dma_wait3A_158 = arith.constant 0 : i32
    %dma_wait3A_159 = tpu.memref_slice %arg13[%dma_wait3A_157, %dma_wait3A_158] : memref<512x64xf32, #tpu.memory_space<vmem>> -> memref<128x64xf32, #tpu.memory_space<vmem>>
    %dma_wait3A_160 = arith.constant 384 : i32
    %dma_wait3A_161 = tpu.memref_slice %arg11[%dma_wait3A_156, %dma_wait3A_160] : memref<4x512xi32, #tpu.memory_space<vmem>> -> memref<1x128xi32, #tpu.memory_space<vmem>>
    %dma_wait3A_162 = tpu.memref_squeeze %dma_wait3A_161 : memref<1x128xi32, #tpu.memory_space<vmem>> -> memref<128xi32, #tpu.memory_space<vmem>>
    %dma_wait3A_163 = arith.constant 0 : i32
    %dma_wait3A_164 = arith.constant 0 : i32
    %dma_wait3A_165 = tpu.memref_slice %arg14[%dma_wait3A_163, %dma_wait3A_164] : memref<2216x64xf32, #tpu.memory_space<vmem_shared>> -> memref<2216x64xf32, #tpu.memory_space<vmem_shared>>
    tpu.wait_indirect_dma semaphore(%arg16 : memref<!tpu.dma_semaphore, #tpu.memory_space<semaphore_mem>>) src(%dma_wait3A_165 : memref<2216x64xf32, #tpu.memory_space<vmem_shared>>) dst(%dma_wait3A_159 : memref<128x64xf32, #tpu.memory_space<vmem>>)
    %dma_start3A_166 = arith.constant 2 : i32
    %dma_start3A_167 = arith.constant 0 : i32
    %dma_start3A_168 = arith.constant 0 : i32
    %dma_start3A_169 = tpu.memref_slice %arg12[%dma_start3A_167, %dma_start3A_168] : memref<512x64xf32, #tpu.memory_space<vmem>> -> memref<128x64xf32, #tpu.memory_space<vmem>>
    %dma_start3A_170 = arith.constant 0 : i32
    %dma_start3A_171 = tpu.memref_slice %arg11[%dma_start3A_166, %dma_start3A_170] : memref<4x512xi32, #tpu.memory_space<vmem>> -> memref<1x128xi32, #tpu.memory_space<vmem>>
    %dma_start3A_172 = tpu.memref_squeeze %dma_start3A_171 : memref<1x128xi32, #tpu.memory_space<vmem>> -> memref<128xi32, #tpu.memory_space<vmem>>
    %dma_start3A_173 = arith.constant 0 : i32
    %dma_start3A_174 = arith.constant 0 : i32
    %dma_start3A_175 = tpu.memref_slice %arg14[%dma_start3A_173, %dma_start3A_174] : memref<2216x64xf32, #tpu.memory_space<vmem_shared>> -> memref<2216x64xf32, #tpu.memory_space<vmem_shared>>
    tpu.enqueue_indirect_dma source(%dma_start3A_175 : memref<2216x64xf32, #tpu.memory_space<vmem_shared>>) target(%dma_start3A_169 : memref<128x64xf32, #tpu.memory_space<vmem>>) offsets(%dma_start3A_172 : memref<128xi32, #tpu.memory_space<vmem>>) semaphore(%arg15 : memref<!tpu.dma_semaphore, #tpu.memory_space<semaphore_mem>>)
    %dma_start3A_176 = arith.constant 2 : i32
    %dma_start3A_177 = arith.constant 128 : i32
    %dma_start3A_178 = arith.constant 0 : i32
    %dma_start3A_179 = tpu.memref_slice %arg12[%dma_start3A_177, %dma_start3A_178] : memref<512x64xf32, #tpu.memory_space<vmem>> -> memref<128x64xf32, #tpu.memory_space<vmem>>
    %dma_start3A_180 = arith.constant 128 : i32
    %dma_start3A_181 = tpu.memref_slice %arg11[%dma_start3A_176, %dma_start3A_180] : memref<4x512xi32, #tpu.memory_space<vmem>> -> memref<1x128xi32, #tpu.memory_space<vmem>>
    %dma_start3A_182 = tpu.memref_squeeze %dma_start3A_181 : memref<1x128xi32, #tpu.memory_space<vmem>> -> memref<128xi32, #tpu.memory_space<vmem>>
    %dma_start3A_183 = arith.constant 0 : i32
    %dma_start3A_184 = arith.constant 0 : i32
    %dma_start3A_185 = tpu.memref_slice %arg14[%dma_start3A_183, %dma_start3A_184] : memref<2216x64xf32, #tpu.memory_space<vmem_shared>> -> memref<2216x64xf32, #tpu.memory_space<vmem_shared>>
    tpu.enqueue_indirect_dma source(%dma_start3A_185 : memref<2216x64xf32, #tpu.memory_space<vmem_shared>>) target(%dma_start3A_179 : memref<128x64xf32, #tpu.memory_space<vmem>>) offsets(%dma_start3A_182 : memref<128xi32, #tpu.memory_space<vmem>>) semaphore(%arg15 : memref<!tpu.dma_semaphore, #tpu.memory_space<semaphore_mem>>)
    %dma_start3A_186 = arith.constant 2 : i32
    %dma_start3A_187 = arith.constant 256 : i32
    %dma_start3A_188 = arith.constant 0 : i32
    %dma_start3A_189 = tpu.memref_slice %arg12[%dma_start3A_187, %dma_start3A_188] : memref<512x64xf32, #tpu.memory_space<vmem>> -> memref<128x64xf32, #tpu.memory_space<vmem>>
    %dma_start3A_190 = arith.constant 256 : i32
    %dma_start3A_191 = tpu.memref_slice %arg11[%dma_start3A_186, %dma_start3A_190] : memref<4x512xi32, #tpu.memory_space<vmem>> -> memref<1x128xi32, #tpu.memory_space<vmem>>
    %dma_start3A_192 = tpu.memref_squeeze %dma_start3A_191 : memref<1x128xi32, #tpu.memory_space<vmem>> -> memref<128xi32, #tpu.memory_space<vmem>>
    %dma_start3A_193 = arith.constant 0 : i32
    %dma_start3A_194 = arith.constant 0 : i32
    %dma_start3A_195 = tpu.memref_slice %arg14[%dma_start3A_193, %dma_start3A_194] : memref<2216x64xf32, #tpu.memory_space<vmem_shared>> -> memref<2216x64xf32, #tpu.memory_space<vmem_shared>>
    tpu.enqueue_indirect_dma source(%dma_start3A_195 : memref<2216x64xf32, #tpu.memory_space<vmem_shared>>) target(%dma_start3A_189 : memref<128x64xf32, #tpu.memory_space<vmem>>) offsets(%dma_start3A_192 : memref<128xi32, #tpu.memory_space<vmem>>) semaphore(%arg15 : memref<!tpu.dma_semaphore, #tpu.memory_space<semaphore_mem>>)
    %dma_start3A_196 = arith.constant 2 : i32
    %dma_start3A_197 = arith.constant 384 : i32
    %dma_start3A_198 = arith.constant 0 : i32
    %dma_start3A_199 = tpu.memref_slice %arg12[%dma_start3A_197, %dma_start3A_198] : memref<512x64xf32, #tpu.memory_space<vmem>> -> memref<128x64xf32, #tpu.memory_space<vmem>>
    %dma_start3A_200 = arith.constant 384 : i32
    %dma_start3A_201 = tpu.memref_slice %arg11[%dma_start3A_196, %dma_start3A_200] : memref<4x512xi32, #tpu.memory_space<vmem>> -> memref<1x128xi32, #tpu.memory_space<vmem>>
    %dma_start3A_202 = tpu.memref_squeeze %dma_start3A_201 : memref<1x128xi32, #tpu.memory_space<vmem>> -> memref<128xi32, #tpu.memory_space<vmem>>
    %dma_start3A_203 = arith.constant 0 : i32
    %dma_start3A_204 = arith.constant 0 : i32
    %dma_start3A_205 = tpu.memref_slice %arg14[%dma_start3A_203, %dma_start3A_204] : memref<2216x64xf32, #tpu.memory_space<vmem_shared>> -> memref<2216x64xf32, #tpu.memory_space<vmem_shared>>
    tpu.enqueue_indirect_dma source(%dma_start3A_205 : memref<2216x64xf32, #tpu.memory_space<vmem_shared>>) target(%dma_start3A_199 : memref<128x64xf32, #tpu.memory_space<vmem>>) offsets(%dma_start3A_202 : memref<128xi32, #tpu.memory_space<vmem>>) semaphore(%arg15 : memref<!tpu.dma_semaphore, #tpu.memory_space<semaphore_mem>>)
    "tpu.region"() ({
      %run_scoped3A_326 = tpu.sem_alloc : memref<!tpu.dma_semaphore, #tpu.memory_space<semaphore_mem>>
      %dma_start3A_327 = arith.constant 0 : i32
      %dma_start3A_328 = tpu.memref_slice %arg8[%mul3A_2, %dma_start3A_327] : memref<16384x64xf32, #tpu.memory_space<hbm>> -> memref<512x64xf32, #tpu.memory_space<hbm>>
      %dma_start3A_329 = arith.constant 0 : i32
      %dma_start3A_330 = tpu.memref_slice %arg8[%mul3A_2, %dma_start3A_329] : memref<16384x64xf32, #tpu.memory_space<hbm>> -> memref<512x64xf32, #tpu.memory_space<hbm>>
      tpu.enqueue_dma source(%arg13 : memref<512x64xf32, #tpu.memory_space<vmem>>) target(%dma_start3A_330 : memref<512x64xf32, #tpu.memory_space<hbm>>) target_semaphore(%run_scoped3A_326 : memref<!tpu.dma_semaphore, #tpu.memory_space<semaphore_mem>>)
      %dma_wait3A_331 = arith.constant 0 : i32
      %dma_wait3A_332 = tpu.memref_slice %arg8[%mul3A_2, %dma_wait3A_331] : memref<16384x64xf32, #tpu.memory_space<hbm>> -> memref<512x64xf32, #tpu.memory_space<hbm>>
      %dma_wait3A_333 = arith.constant 0 : i32
      %dma_wait3A_334 = tpu.memref_slice %arg8[%mul3A_2, %dma_wait3A_333] : memref<16384x64xf32, #tpu.memory_space<hbm>> -> memref<512x64xf32, #tpu.memory_space<hbm>>
      tpu.wait_dma2 semaphore(%run_scoped3A_326 : memref<!tpu.dma_semaphore, #tpu.memory_space<semaphore_mem>>) src(%arg13 : memref<512x64xf32, #tpu.memory_space<vmem>>) dst(%dma_wait3A_334 : memref<512x64xf32, #tpu.memory_space<hbm>>)
      tpu.yield
    }) : () -> ()
    %dma_wait3A_206 = arith.constant 2 : i32
    %dma_wait3A_207 = arith.constant 0 : i32
    %dma_wait3A_208 = arith.constant 0 : i32
    %dma_wait3A_209 = tpu.memref_slice %arg12[%dma_wait3A_207, %dma_wait3A_208] : memref<512x64xf32, #tpu.memory_space<vmem>> -> memref<128x64xf32, #tpu.memory_space<vmem>>
    %dma_wait3A_210 = arith.constant 0 : i32
    %dma_wait3A_211 = tpu.memref_slice %arg11[%dma_wait3A_206, %dma_wait3A_210] : memref<4x512xi32, #tpu.memory_space<vmem>> -> memref<1x128xi32, #tpu.memory_space<vmem>>
    %dma_wait3A_212 = tpu.memref_squeeze %dma_wait3A_211 : memref<1x128xi32, #tpu.memory_space<vmem>> -> memref<128xi32, #tpu.memory_space<vmem>>
    %dma_wait3A_213 = arith.constant 0 : i32
    %dma_wait3A_214 = arith.constant 0 : i32
    %dma_wait3A_215 = tpu.memref_slice %arg14[%dma_wait3A_213, %dma_wait3A_214] : memref<2216x64xf32, #tpu.memory_space<vmem_shared>> -> memref<2216x64xf32, #tpu.memory_space<vmem_shared>>
    tpu.wait_indirect_dma semaphore(%arg15 : memref<!tpu.dma_semaphore, #tpu.memory_space<semaphore_mem>>) src(%dma_wait3A_215 : memref<2216x64xf32, #tpu.memory_space<vmem_shared>>) dst(%dma_wait3A_209 : memref<128x64xf32, #tpu.memory_space<vmem>>)
    %dma_wait3A_216 = arith.constant 2 : i32
    %dma_wait3A_217 = arith.constant 128 : i32
    %dma_wait3A_218 = arith.constant 0 : i32
    %dma_wait3A_219 = tpu.memref_slice %arg12[%dma_wait3A_217, %dma_wait3A_218] : memref<512x64xf32, #tpu.memory_space<vmem>> -> memref<128x64xf32, #tpu.memory_space<vmem>>
    %dma_wait3A_220 = arith.constant 128 : i32
    %dma_wait3A_221 = tpu.memref_slice %arg11[%dma_wait3A_216, %dma_wait3A_220] : memref<4x512xi32, #tpu.memory_space<vmem>> -> memref<1x128xi32, #tpu.memory_space<vmem>>
    %dma_wait3A_222 = tpu.memref_squeeze %dma_wait3A_221 : memref<1x128xi32, #tpu.memory_space<vmem>> -> memref<128xi32, #tpu.memory_space<vmem>>
    %dma_wait3A_223 = arith.constant 0 : i32
    %dma_wait3A_224 = arith.constant 0 : i32
    %dma_wait3A_225 = tpu.memref_slice %arg14[%dma_wait3A_223, %dma_wait3A_224] : memref<2216x64xf32, #tpu.memory_space<vmem_shared>> -> memref<2216x64xf32, #tpu.memory_space<vmem_shared>>
    tpu.wait_indirect_dma semaphore(%arg15 : memref<!tpu.dma_semaphore, #tpu.memory_space<semaphore_mem>>) src(%dma_wait3A_225 : memref<2216x64xf32, #tpu.memory_space<vmem_shared>>) dst(%dma_wait3A_219 : memref<128x64xf32, #tpu.memory_space<vmem>>)
    %dma_wait3A_226 = arith.constant 2 : i32
    %dma_wait3A_227 = arith.constant 256 : i32
    %dma_wait3A_228 = arith.constant 0 : i32
    %dma_wait3A_229 = tpu.memref_slice %arg12[%dma_wait3A_227, %dma_wait3A_228] : memref<512x64xf32, #tpu.memory_space<vmem>> -> memref<128x64xf32, #tpu.memory_space<vmem>>
    %dma_wait3A_230 = arith.constant 256 : i32
    %dma_wait3A_231 = tpu.memref_slice %arg11[%dma_wait3A_226, %dma_wait3A_230] : memref<4x512xi32, #tpu.memory_space<vmem>> -> memref<1x128xi32, #tpu.memory_space<vmem>>
    %dma_wait3A_232 = tpu.memref_squeeze %dma_wait3A_231 : memref<1x128xi32, #tpu.memory_space<vmem>> -> memref<128xi32, #tpu.memory_space<vmem>>
    %dma_wait3A_233 = arith.constant 0 : i32
    %dma_wait3A_234 = arith.constant 0 : i32
    %dma_wait3A_235 = tpu.memref_slice %arg14[%dma_wait3A_233, %dma_wait3A_234] : memref<2216x64xf32, #tpu.memory_space<vmem_shared>> -> memref<2216x64xf32, #tpu.memory_space<vmem_shared>>
    tpu.wait_indirect_dma semaphore(%arg15 : memref<!tpu.dma_semaphore, #tpu.memory_space<semaphore_mem>>) src(%dma_wait3A_235 : memref<2216x64xf32, #tpu.memory_space<vmem_shared>>) dst(%dma_wait3A_229 : memref<128x64xf32, #tpu.memory_space<vmem>>)
    %dma_wait3A_236 = arith.constant 2 : i32
    %dma_wait3A_237 = arith.constant 384 : i32
    %dma_wait3A_238 = arith.constant 0 : i32
    %dma_wait3A_239 = tpu.memref_slice %arg12[%dma_wait3A_237, %dma_wait3A_238] : memref<512x64xf32, #tpu.memory_space<vmem>> -> memref<128x64xf32, #tpu.memory_space<vmem>>
    %dma_wait3A_240 = arith.constant 384 : i32
    %dma_wait3A_241 = tpu.memref_slice %arg11[%dma_wait3A_236, %dma_wait3A_240] : memref<4x512xi32, #tpu.memory_space<vmem>> -> memref<1x128xi32, #tpu.memory_space<vmem>>
    %dma_wait3A_242 = tpu.memref_squeeze %dma_wait3A_241 : memref<1x128xi32, #tpu.memory_space<vmem>> -> memref<128xi32, #tpu.memory_space<vmem>>
    %dma_wait3A_243 = arith.constant 0 : i32
    %dma_wait3A_244 = arith.constant 0 : i32
    %dma_wait3A_245 = tpu.memref_slice %arg14[%dma_wait3A_243, %dma_wait3A_244] : memref<2216x64xf32, #tpu.memory_space<vmem_shared>> -> memref<2216x64xf32, #tpu.memory_space<vmem_shared>>
    tpu.wait_indirect_dma semaphore(%arg15 : memref<!tpu.dma_semaphore, #tpu.memory_space<semaphore_mem>>) src(%dma_wait3A_245 : memref<2216x64xf32, #tpu.memory_space<vmem_shared>>) dst(%dma_wait3A_239 : memref<128x64xf32, #tpu.memory_space<vmem>>)
    %dma_start3A_246 = arith.constant 3 : i32
    %dma_start3A_247 = arith.constant 0 : i32
    %dma_start3A_248 = arith.constant 0 : i32
    %dma_start3A_249 = tpu.memref_slice %arg13[%dma_start3A_247, %dma_start3A_248] : memref<512x64xf32, #tpu.memory_space<vmem>> -> memref<128x64xf32, #tpu.memory_space<vmem>>
    %dma_start3A_250 = arith.constant 0 : i32
    %dma_start3A_251 = tpu.memref_slice %arg11[%dma_start3A_246, %dma_start3A_250] : memref<4x512xi32, #tpu.memory_space<vmem>> -> memref<1x128xi32, #tpu.memory_space<vmem>>
    %dma_start3A_252 = tpu.memref_squeeze %dma_start3A_251 : memref<1x128xi32, #tpu.memory_space<vmem>> -> memref<128xi32, #tpu.memory_space<vmem>>
    %dma_start3A_253 = arith.constant 0 : i32
    %dma_start3A_254 = arith.constant 0 : i32
    %dma_start3A_255 = tpu.memref_slice %arg14[%dma_start3A_253, %dma_start3A_254] : memref<2216x64xf32, #tpu.memory_space<vmem_shared>> -> memref<2216x64xf32, #tpu.memory_space<vmem_shared>>
    tpu.enqueue_indirect_dma source(%dma_start3A_255 : memref<2216x64xf32, #tpu.memory_space<vmem_shared>>) target(%dma_start3A_249 : memref<128x64xf32, #tpu.memory_space<vmem>>) offsets(%dma_start3A_252 : memref<128xi32, #tpu.memory_space<vmem>>) semaphore(%arg16 : memref<!tpu.dma_semaphore, #tpu.memory_space<semaphore_mem>>)
    %dma_start3A_256 = arith.constant 3 : i32
    %dma_start3A_257 = arith.constant 128 : i32
    %dma_start3A_258 = arith.constant 0 : i32
    %dma_start3A_259 = tpu.memref_slice %arg13[%dma_start3A_257, %dma_start3A_258] : memref<512x64xf32, #tpu.memory_space<vmem>> -> memref<128x64xf32, #tpu.memory_space<vmem>>
    %dma_start3A_260 = arith.constant 128 : i32
    %dma_start3A_261 = tpu.memref_slice %arg11[%dma_start3A_256, %dma_start3A_260] : memref<4x512xi32, #tpu.memory_space<vmem>> -> memref<1x128xi32, #tpu.memory_space<vmem>>
    %dma_start3A_262 = tpu.memref_squeeze %dma_start3A_261 : memref<1x128xi32, #tpu.memory_space<vmem>> -> memref<128xi32, #tpu.memory_space<vmem>>
    %dma_start3A_263 = arith.constant 0 : i32
    %dma_start3A_264 = arith.constant 0 : i32
    %dma_start3A_265 = tpu.memref_slice %arg14[%dma_start3A_263, %dma_start3A_264] : memref<2216x64xf32, #tpu.memory_space<vmem_shared>> -> memref<2216x64xf32, #tpu.memory_space<vmem_shared>>
    tpu.enqueue_indirect_dma source(%dma_start3A_265 : memref<2216x64xf32, #tpu.memory_space<vmem_shared>>) target(%dma_start3A_259 : memref<128x64xf32, #tpu.memory_space<vmem>>) offsets(%dma_start3A_262 : memref<128xi32, #tpu.memory_space<vmem>>) semaphore(%arg16 : memref<!tpu.dma_semaphore, #tpu.memory_space<semaphore_mem>>)
    %dma_start3A_266 = arith.constant 3 : i32
    %dma_start3A_267 = arith.constant 256 : i32
    %dma_start3A_268 = arith.constant 0 : i32
    %dma_start3A_269 = tpu.memref_slice %arg13[%dma_start3A_267, %dma_start3A_268] : memref<512x64xf32, #tpu.memory_space<vmem>> -> memref<128x64xf32, #tpu.memory_space<vmem>>
    %dma_start3A_270 = arith.constant 256 : i32
    %dma_start3A_271 = tpu.memref_slice %arg11[%dma_start3A_266, %dma_start3A_270] : memref<4x512xi32, #tpu.memory_space<vmem>> -> memref<1x128xi32, #tpu.memory_space<vmem>>
    %dma_start3A_272 = tpu.memref_squeeze %dma_start3A_271 : memref<1x128xi32, #tpu.memory_space<vmem>> -> memref<128xi32, #tpu.memory_space<vmem>>
    %dma_start3A_273 = arith.constant 0 : i32
    %dma_start3A_274 = arith.constant 0 : i32
    %dma_start3A_275 = tpu.memref_slice %arg14[%dma_start3A_273, %dma_start3A_274] : memref<2216x64xf32, #tpu.memory_space<vmem_shared>> -> memref<2216x64xf32, #tpu.memory_space<vmem_shared>>
    tpu.enqueue_indirect_dma source(%dma_start3A_275 : memref<2216x64xf32, #tpu.memory_space<vmem_shared>>) target(%dma_start3A_269 : memref<128x64xf32, #tpu.memory_space<vmem>>) offsets(%dma_start3A_272 : memref<128xi32, #tpu.memory_space<vmem>>) semaphore(%arg16 : memref<!tpu.dma_semaphore, #tpu.memory_space<semaphore_mem>>)
    %dma_start3A_276 = arith.constant 3 : i32
    %dma_start3A_277 = arith.constant 384 : i32
    %dma_start3A_278 = arith.constant 0 : i32
    %dma_start3A_279 = tpu.memref_slice %arg13[%dma_start3A_277, %dma_start3A_278] : memref<512x64xf32, #tpu.memory_space<vmem>> -> memref<128x64xf32, #tpu.memory_space<vmem>>
    %dma_start3A_280 = arith.constant 384 : i32
    %dma_start3A_281 = tpu.memref_slice %arg11[%dma_start3A_276, %dma_start3A_280] : memref<4x512xi32, #tpu.memory_space<vmem>> -> memref<1x128xi32, #tpu.memory_space<vmem>>
    %dma_start3A_282 = tpu.memref_squeeze %dma_start3A_281 : memref<1x128xi32, #tpu.memory_space<vmem>> -> memref<128xi32, #tpu.memory_space<vmem>>
    %dma_start3A_283 = arith.constant 0 : i32
    %dma_start3A_284 = arith.constant 0 : i32
    %dma_start3A_285 = tpu.memref_slice %arg14[%dma_start3A_283, %dma_start3A_284] : memref<2216x64xf32, #tpu.memory_space<vmem_shared>> -> memref<2216x64xf32, #tpu.memory_space<vmem_shared>>
    tpu.enqueue_indirect_dma source(%dma_start3A_285 : memref<2216x64xf32, #tpu.memory_space<vmem_shared>>) target(%dma_start3A_279 : memref<128x64xf32, #tpu.memory_space<vmem>>) offsets(%dma_start3A_282 : memref<128xi32, #tpu.memory_space<vmem>>) semaphore(%arg16 : memref<!tpu.dma_semaphore, #tpu.memory_space<semaphore_mem>>)
    "tpu.region"() ({
      %run_scoped3A_326 = tpu.sem_alloc : memref<!tpu.dma_semaphore, #tpu.memory_space<semaphore_mem>>
      %dma_start3A_327 = arith.constant 0 : i32
      %dma_start3A_328 = tpu.memref_slice %arg9[%mul3A_2, %dma_start3A_327] : memref<16384x64xf32, #tpu.memory_space<hbm>> -> memref<512x64xf32, #tpu.memory_space<hbm>>
      %dma_start3A_329 = arith.constant 0 : i32
      %dma_start3A_330 = tpu.memref_slice %arg9[%mul3A_2, %dma_start3A_329] : memref<16384x64xf32, #tpu.memory_space<hbm>> -> memref<512x64xf32, #tpu.memory_space<hbm>>
      tpu.enqueue_dma source(%arg12 : memref<512x64xf32, #tpu.memory_space<vmem>>) target(%dma_start3A_330 : memref<512x64xf32, #tpu.memory_space<hbm>>) target_semaphore(%run_scoped3A_326 : memref<!tpu.dma_semaphore, #tpu.memory_space<semaphore_mem>>)
      %dma_wait3A_331 = arith.constant 0 : i32
      %dma_wait3A_332 = tpu.memref_slice %arg9[%mul3A_2, %dma_wait3A_331] : memref<16384x64xf32, #tpu.memory_space<hbm>> -> memref<512x64xf32, #tpu.memory_space<hbm>>
      %dma_wait3A_333 = arith.constant 0 : i32
      %dma_wait3A_334 = tpu.memref_slice %arg9[%mul3A_2, %dma_wait3A_333] : memref<16384x64xf32, #tpu.memory_space<hbm>> -> memref<512x64xf32, #tpu.memory_space<hbm>>
      tpu.wait_dma2 semaphore(%run_scoped3A_326 : memref<!tpu.dma_semaphore, #tpu.memory_space<semaphore_mem>>) src(%arg12 : memref<512x64xf32, #tpu.memory_space<vmem>>) dst(%dma_wait3A_334 : memref<512x64xf32, #tpu.memory_space<hbm>>)
      tpu.yield
    }) : () -> ()
    %dma_wait3A_286 = arith.constant 3 : i32
    %dma_wait3A_287 = arith.constant 0 : i32
    %dma_wait3A_288 = arith.constant 0 : i32
    %dma_wait3A_289 = tpu.memref_slice %arg13[%dma_wait3A_287, %dma_wait3A_288] : memref<512x64xf32, #tpu.memory_space<vmem>> -> memref<128x64xf32, #tpu.memory_space<vmem>>
    %dma_wait3A_290 = arith.constant 0 : i32
    %dma_wait3A_291 = tpu.memref_slice %arg11[%dma_wait3A_286, %dma_wait3A_290] : memref<4x512xi32, #tpu.memory_space<vmem>> -> memref<1x128xi32, #tpu.memory_space<vmem>>
    %dma_wait3A_292 = tpu.memref_squeeze %dma_wait3A_291 : memref<1x128xi32, #tpu.memory_space<vmem>> -> memref<128xi32, #tpu.memory_space<vmem>>
    %dma_wait3A_293 = arith.constant 0 : i32
    %dma_wait3A_294 = arith.constant 0 : i32
    %dma_wait3A_295 = tpu.memref_slice %arg14[%dma_wait3A_293, %dma_wait3A_294] : memref<2216x64xf32, #tpu.memory_space<vmem_shared>> -> memref<2216x64xf32, #tpu.memory_space<vmem_shared>>
    tpu.wait_indirect_dma semaphore(%arg16 : memref<!tpu.dma_semaphore, #tpu.memory_space<semaphore_mem>>) src(%dma_wait3A_295 : memref<2216x64xf32, #tpu.memory_space<vmem_shared>>) dst(%dma_wait3A_289 : memref<128x64xf32, #tpu.memory_space<vmem>>)
    %dma_wait3A_296 = arith.constant 3 : i32
    %dma_wait3A_297 = arith.constant 128 : i32
    %dma_wait3A_298 = arith.constant 0 : i32
    %dma_wait3A_299 = tpu.memref_slice %arg13[%dma_wait3A_297, %dma_wait3A_298] : memref<512x64xf32, #tpu.memory_space<vmem>> -> memref<128x64xf32, #tpu.memory_space<vmem>>
    %dma_wait3A_300 = arith.constant 128 : i32
    %dma_wait3A_301 = tpu.memref_slice %arg11[%dma_wait3A_296, %dma_wait3A_300] : memref<4x512xi32, #tpu.memory_space<vmem>> -> memref<1x128xi32, #tpu.memory_space<vmem>>
    %dma_wait3A_302 = tpu.memref_squeeze %dma_wait3A_301 : memref<1x128xi32, #tpu.memory_space<vmem>> -> memref<128xi32, #tpu.memory_space<vmem>>
    %dma_wait3A_303 = arith.constant 0 : i32
    %dma_wait3A_304 = arith.constant 0 : i32
    %dma_wait3A_305 = tpu.memref_slice %arg14[%dma_wait3A_303, %dma_wait3A_304] : memref<2216x64xf32, #tpu.memory_space<vmem_shared>> -> memref<2216x64xf32, #tpu.memory_space<vmem_shared>>
    tpu.wait_indirect_dma semaphore(%arg16 : memref<!tpu.dma_semaphore, #tpu.memory_space<semaphore_mem>>) src(%dma_wait3A_305 : memref<2216x64xf32, #tpu.memory_space<vmem_shared>>) dst(%dma_wait3A_299 : memref<128x64xf32, #tpu.memory_space<vmem>>)
    %dma_wait3A_306 = arith.constant 3 : i32
    %dma_wait3A_307 = arith.constant 256 : i32
    %dma_wait3A_308 = arith.constant 0 : i32
    %dma_wait3A_309 = tpu.memref_slice %arg13[%dma_wait3A_307, %dma_wait3A_308] : memref<512x64xf32, #tpu.memory_space<vmem>> -> memref<128x64xf32, #tpu.memory_space<vmem>>
    %dma_wait3A_310 = arith.constant 256 : i32
    %dma_wait3A_311 = tpu.memref_slice %arg11[%dma_wait3A_306, %dma_wait3A_310] : memref<4x512xi32, #tpu.memory_space<vmem>> -> memref<1x128xi32, #tpu.memory_space<vmem>>
    %dma_wait3A_312 = tpu.memref_squeeze %dma_wait3A_311 : memref<1x128xi32, #tpu.memory_space<vmem>> -> memref<128xi32, #tpu.memory_space<vmem>>
    %dma_wait3A_313 = arith.constant 0 : i32
    %dma_wait3A_314 = arith.constant 0 : i32
    %dma_wait3A_315 = tpu.memref_slice %arg14[%dma_wait3A_313, %dma_wait3A_314] : memref<2216x64xf32, #tpu.memory_space<vmem_shared>> -> memref<2216x64xf32, #tpu.memory_space<vmem_shared>>
    tpu.wait_indirect_dma semaphore(%arg16 : memref<!tpu.dma_semaphore, #tpu.memory_space<semaphore_mem>>) src(%dma_wait3A_315 : memref<2216x64xf32, #tpu.memory_space<vmem_shared>>) dst(%dma_wait3A_309 : memref<128x64xf32, #tpu.memory_space<vmem>>)
    %dma_wait3A_316 = arith.constant 3 : i32
    %dma_wait3A_317 = arith.constant 384 : i32
    %dma_wait3A_318 = arith.constant 0 : i32
    %dma_wait3A_319 = tpu.memref_slice %arg13[%dma_wait3A_317, %dma_wait3A_318] : memref<512x64xf32, #tpu.memory_space<vmem>> -> memref<128x64xf32, #tpu.memory_space<vmem>>
    %dma_wait3A_320 = arith.constant 384 : i32
    %dma_wait3A_321 = tpu.memref_slice %arg11[%dma_wait3A_316, %dma_wait3A_320] : memref<4x512xi32, #tpu.memory_space<vmem>> -> memref<1x128xi32, #tpu.memory_space<vmem>>
    %dma_wait3A_322 = tpu.memref_squeeze %dma_wait3A_321 : memref<1x128xi32, #tpu.memory_space<vmem>> -> memref<128xi32, #tpu.memory_space<vmem>>
    %dma_wait3A_323 = arith.constant 0 : i32
    %dma_wait3A_324 = arith.constant 0 : i32
    %dma_wait3A_325 = tpu.memref_slice %arg14[%dma_wait3A_323, %dma_wait3A_324] : memref<2216x64xf32, #tpu.memory_space<vmem_shared>> -> memref<2216x64xf32, #tpu.memory_space<vmem_shared>>
    tpu.wait_indirect_dma semaphore(%arg16 : memref<!tpu.dma_semaphore, #tpu.memory_space<semaphore_mem>>) src(%dma_wait3A_325 : memref<2216x64xf32, #tpu.memory_space<vmem_shared>>) dst(%dma_wait3A_319 : memref<128x64xf32, #tpu.memory_space<vmem>>)
    "tpu.region"() ({
      %run_scoped3A_326 = tpu.sem_alloc : memref<!tpu.dma_semaphore, #tpu.memory_space<semaphore_mem>>
      %dma_start3A_327 = arith.constant 0 : i32
      %dma_start3A_328 = tpu.memref_slice %arg10[%mul3A_2, %dma_start3A_327] : memref<16384x64xf32, #tpu.memory_space<hbm>> -> memref<512x64xf32, #tpu.memory_space<hbm>>
      %dma_start3A_329 = arith.constant 0 : i32
      %dma_start3A_330 = tpu.memref_slice %arg10[%mul3A_2, %dma_start3A_329] : memref<16384x64xf32, #tpu.memory_space<hbm>> -> memref<512x64xf32, #tpu.memory_space<hbm>>
      tpu.enqueue_dma source(%arg13 : memref<512x64xf32, #tpu.memory_space<vmem>>) target(%dma_start3A_330 : memref<512x64xf32, #tpu.memory_space<hbm>>) target_semaphore(%run_scoped3A_326 : memref<!tpu.dma_semaphore, #tpu.memory_space<semaphore_mem>>)
      %dma_wait3A_331 = arith.constant 0 : i32
      %dma_wait3A_332 = tpu.memref_slice %arg10[%mul3A_2, %dma_wait3A_331] : memref<16384x64xf32, #tpu.memory_space<hbm>> -> memref<512x64xf32, #tpu.memory_space<hbm>>
      %dma_wait3A_333 = arith.constant 0 : i32
      %dma_wait3A_334 = tpu.memref_slice %arg10[%mul3A_2, %dma_wait3A_333] : memref<16384x64xf32, #tpu.memory_space<hbm>> -> memref<512x64xf32, #tpu.memory_space<hbm>>
      tpu.wait_dma2 semaphore(%run_scoped3A_326 : memref<!tpu.dma_semaphore, #tpu.memory_space<semaphore_mem>>) src(%arg13 : memref<512x64xf32, #tpu.memory_space<vmem>>) dst(%dma_wait3A_334 : memref<512x64xf32, #tpu.memory_space<hbm>>)
      tpu.yield
    }) : () -> ()
    return
  }
}

module attributes {stable_mosaic.version = 14 : i64} {
  func.func @body(%arg0: i32, %arg1: memref<64x4096xf32, #tpu.memory_space<vmem>>, %arg2: memref<2048x128xf32, #tpu.memory_space<vmem>>) attributes {dimension_semantics = [#tpu.dimension_semantics<arbitrary>], iteration_bounds = array<i64: 25>, scalar_prefetch = 0 : i64, scratch_operands = 0 : i64, tpu.core_type = #tpu.core_type<tc>, window_params = [{transform_indices = @transform_0, window_bounds = array<i64: 64, 4096>}, {transform_indices = @transform_1, window_bounds = array<i64: 2048, 128>}]} {
    %get3A = arith.constant 0 : index
    %get3A_0 = arith.constant 0 : index
    %get3A_1 = vector.load %arg1[%get3A, %get3A_0] : memref<64x4096xf32, #tpu.memory_space<vmem>>, vector<64x4096xf32>
    %iota3A = tpu.iota {dimensions = array<i32: 1>} : vector<64x4096xi32>
    %mul3A = arith.constant 4096 : i32
    %mul3A_2 = arith.muli %arg0, %mul3A : i32
    %add3A = vector.broadcast %mul3A_2 : i32 to vector<64x4096xi32>
    %add3A_3 = arith.addi %iota3A, %add3A : vector<64x4096xi32>
    %lt3A = arith.constant 100001 : i32
    %lt3A_4 = vector.broadcast %lt3A : i32 to vector<64x4096xi32>
    %lt3A_5 = arith.cmpi slt, %add3A_3, %lt3A_4 : vector<64x4096xi32>
    %jit3A = arith.constant 0.000000e+00 : f32
    %broadcast_in_dim3A = vector.broadcast %jit3A : f32 to vector<64x4096xf32>
    %select_n3A = arith.select %lt3A_5, %get3A_1, %broadcast_in_dim3A : vector<64x4096xi1>, vector<64x4096xf32>
    %iota3A_6 = tpu.iota {dimensions = array<i32: 1>} : vector<64x128xi32>
    %iota3A_7 = tpu.iota {dimensions = array<i32: 0>} : vector<64x128xi32>
    %mul3A_8 = arith.constant 2 : i32
    %mul3A_9 = vector.broadcast %mul3A_8 : i32 to vector<64x128xi32>
    %mul3A_10 = arith.muli %mul3A_9, %iota3A_7 : vector<64x128xi32>
    %eq3A = arith.cmpi eq, %iota3A_6, %mul3A_10 : vector<64x128xi32>
    %convert_element_type3A = arith.extui %eq3A : vector<64x128xi1> to vector<64x128xi32>
    %convert_element_type3A_11 = arith.sitofp %convert_element_type3A : vector<64x128xi32> to vector<64x128xf32>
    %mul3A_12 = arith.constant 2 : i32
    %mul3A_13 = vector.broadcast %mul3A_12 : i32 to vector<64x128xi32>
    %mul3A_14 = arith.muli %mul3A_13, %iota3A_7 : vector<64x128xi32>
    %add3A_15 = arith.constant 1 : i32
    %add3A_16 = vector.broadcast %add3A_15 : i32 to vector<64x128xi32>
    %add3A_17 = arith.addi %mul3A_14, %add3A_16 : vector<64x128xi32>
    %eq3A_18 = arith.cmpi eq, %iota3A_6, %add3A_17 : vector<64x128xi32>
    %convert_element_type3A_19 = arith.extui %eq3A_18 : vector<64x128xi1> to vector<64x128xi32>
    %convert_element_type3A_20 = arith.sitofp %convert_element_type3A_19 : vector<64x128xi32> to vector<64x128xf32>
    %slice3A = vector.extract_strided_slice %select_n3A {offsets = [0, 0], sizes = [64, 128], strides = [1, 1]} : vector<64x4096xf32> to vector<64x128xf32>
    %dot_general3A = arith.constant dense<0.000000e+00> : vector<64x64xf32>
    %dot_general3A_21 = tpu.matmul %convert_element_type3A_11, %slice3A, %dot_general3A {dimension_numbers = #tpu.dot_dimension_numbers<[1], [1], [0], [0], [0, 0, 1, 0], [], []>, transpose_lhs_hint = false} : vector<64x128xf32>, vector<64x128xf32>, vector<64x64xf32> -> vector<64x64xf32>
    %dot_general3A_22 = arith.constant dense<0.000000e+00> : vector<64x64xf32>
    %dot_general3A_23 = tpu.matmul %convert_element_type3A_20, %slice3A, %dot_general3A_22 {dimension_numbers = #tpu.dot_dimension_numbers<[1], [1], [0], [0], [0, 0, 1, 0], [], []>, transpose_lhs_hint = false} : vector<64x128xf32>, vector<64x128xf32>, vector<64x64xf32> -> vector<64x64xf32>
    %concatenate3A = tpu.concatenate %dot_general3A_21, %dot_general3A_23 in 1 : vector<64x64xf32>, vector<64x64xf32> -> vector<64x128xf32>
    %slice3A_24 = vector.extract_strided_slice %select_n3A {offsets = [0, 128], sizes = [64, 128], strides = [1, 1]} : vector<64x4096xf32> to vector<64x128xf32>
    %dot_general3A_25 = arith.constant dense<0.000000e+00> : vector<64x64xf32>
    %dot_general3A_26 = tpu.matmul %convert_element_type3A_11, %slice3A_24, %dot_general3A_25 {dimension_numbers = #tpu.dot_dimension_numbers<[1], [1], [0], [0], [0, 0, 1, 0], [], []>, transpose_lhs_hint = false} : vector<64x128xf32>, vector<64x128xf32>, vector<64x64xf32> -> vector<64x64xf32>
    %dot_general3A_27 = arith.constant dense<0.000000e+00> : vector<64x64xf32>
    %dot_general3A_28 = tpu.matmul %convert_element_type3A_20, %slice3A_24, %dot_general3A_27 {dimension_numbers = #tpu.dot_dimension_numbers<[1], [1], [0], [0], [0, 0, 1, 0], [], []>, transpose_lhs_hint = false} : vector<64x128xf32>, vector<64x128xf32>, vector<64x64xf32> -> vector<64x64xf32>
    %concatenate3A_29 = tpu.concatenate %dot_general3A_26, %dot_general3A_28 in 1 : vector<64x64xf32>, vector<64x64xf32> -> vector<64x128xf32>
    %slice3A_30 = vector.extract_strided_slice %select_n3A {offsets = [0, 256], sizes = [64, 128], strides = [1, 1]} : vector<64x4096xf32> to vector<64x128xf32>
    %dot_general3A_31 = arith.constant dense<0.000000e+00> : vector<64x64xf32>
    %dot_general3A_32 = tpu.matmul %convert_element_type3A_11, %slice3A_30, %dot_general3A_31 {dimension_numbers = #tpu.dot_dimension_numbers<[1], [1], [0], [0], [0, 0, 1, 0], [], []>, transpose_lhs_hint = false} : vector<64x128xf32>, vector<64x128xf32>, vector<64x64xf32> -> vector<64x64xf32>
    %dot_general3A_33 = arith.constant dense<0.000000e+00> : vector<64x64xf32>
    %dot_general3A_34 = tpu.matmul %convert_element_type3A_20, %slice3A_30, %dot_general3A_33 {dimension_numbers = #tpu.dot_dimension_numbers<[1], [1], [0], [0], [0, 0, 1, 0], [], []>, transpose_lhs_hint = false} : vector<64x128xf32>, vector<64x128xf32>, vector<64x64xf32> -> vector<64x64xf32>
    %concatenate3A_35 = tpu.concatenate %dot_general3A_32, %dot_general3A_34 in 1 : vector<64x64xf32>, vector<64x64xf32> -> vector<64x128xf32>
    %slice3A_36 = vector.extract_strided_slice %select_n3A {offsets = [0, 384], sizes = [64, 128], strides = [1, 1]} : vector<64x4096xf32> to vector<64x128xf32>
    %dot_general3A_37 = arith.constant dense<0.000000e+00> : vector<64x64xf32>
    %dot_general3A_38 = tpu.matmul %convert_element_type3A_11, %slice3A_36, %dot_general3A_37 {dimension_numbers = #tpu.dot_dimension_numbers<[1], [1], [0], [0], [0, 0, 1, 0], [], []>, transpose_lhs_hint = false} : vector<64x128xf32>, vector<64x128xf32>, vector<64x64xf32> -> vector<64x64xf32>
    %dot_general3A_39 = arith.constant dense<0.000000e+00> : vector<64x64xf32>
    %dot_general3A_40 = tpu.matmul %convert_element_type3A_20, %slice3A_36, %dot_general3A_39 {dimension_numbers = #tpu.dot_dimension_numbers<[1], [1], [0], [0], [0, 0, 1, 0], [], []>, transpose_lhs_hint = false} : vector<64x128xf32>, vector<64x128xf32>, vector<64x64xf32> -> vector<64x64xf32>
    %concatenate3A_41 = tpu.concatenate %dot_general3A_38, %dot_general3A_40 in 1 : vector<64x64xf32>, vector<64x64xf32> -> vector<64x128xf32>
    %slice3A_42 = vector.extract_strided_slice %select_n3A {offsets = [0, 512], sizes = [64, 128], strides = [1, 1]} : vector<64x4096xf32> to vector<64x128xf32>
    %dot_general3A_43 = arith.constant dense<0.000000e+00> : vector<64x64xf32>
    %dot_general3A_44 = tpu.matmul %convert_element_type3A_11, %slice3A_42, %dot_general3A_43 {dimension_numbers = #tpu.dot_dimension_numbers<[1], [1], [0], [0], [0, 0, 1, 0], [], []>, transpose_lhs_hint = false} : vector<64x128xf32>, vector<64x128xf32>, vector<64x64xf32> -> vector<64x64xf32>
    %dot_general3A_45 = arith.constant dense<0.000000e+00> : vector<64x64xf32>
    %dot_general3A_46 = tpu.matmul %convert_element_type3A_20, %slice3A_42, %dot_general3A_45 {dimension_numbers = #tpu.dot_dimension_numbers<[1], [1], [0], [0], [0, 0, 1, 0], [], []>, transpose_lhs_hint = false} : vector<64x128xf32>, vector<64x128xf32>, vector<64x64xf32> -> vector<64x64xf32>
    %concatenate3A_47 = tpu.concatenate %dot_general3A_44, %dot_general3A_46 in 1 : vector<64x64xf32>, vector<64x64xf32> -> vector<64x128xf32>
    %slice3A_48 = vector.extract_strided_slice %select_n3A {offsets = [0, 640], sizes = [64, 128], strides = [1, 1]} : vector<64x4096xf32> to vector<64x128xf32>
    %dot_general3A_49 = arith.constant dense<0.000000e+00> : vector<64x64xf32>
    %dot_general3A_50 = tpu.matmul %convert_element_type3A_11, %slice3A_48, %dot_general3A_49 {dimension_numbers = #tpu.dot_dimension_numbers<[1], [1], [0], [0], [0, 0, 1, 0], [], []>, transpose_lhs_hint = false} : vector<64x128xf32>, vector<64x128xf32>, vector<64x64xf32> -> vector<64x64xf32>
    %dot_general3A_51 = arith.constant dense<0.000000e+00> : vector<64x64xf32>
    %dot_general3A_52 = tpu.matmul %convert_element_type3A_20, %slice3A_48, %dot_general3A_51 {dimension_numbers = #tpu.dot_dimension_numbers<[1], [1], [0], [0], [0, 0, 1, 0], [], []>, transpose_lhs_hint = false} : vector<64x128xf32>, vector<64x128xf32>, vector<64x64xf32> -> vector<64x64xf32>
    %concatenate3A_53 = tpu.concatenate %dot_general3A_50, %dot_general3A_52 in 1 : vector<64x64xf32>, vector<64x64xf32> -> vector<64x128xf32>
    %slice3A_54 = vector.extract_strided_slice %select_n3A {offsets = [0, 768], sizes = [64, 128], strides = [1, 1]} : vector<64x4096xf32> to vector<64x128xf32>
    %dot_general3A_55 = arith.constant dense<0.000000e+00> : vector<64x64xf32>
    %dot_general3A_56 = tpu.matmul %convert_element_type3A_11, %slice3A_54, %dot_general3A_55 {dimension_numbers = #tpu.dot_dimension_numbers<[1], [1], [0], [0], [0, 0, 1, 0], [], []>, transpose_lhs_hint = false} : vector<64x128xf32>, vector<64x128xf32>, vector<64x64xf32> -> vector<64x64xf32>
    %dot_general3A_57 = arith.constant dense<0.000000e+00> : vector<64x64xf32>
    %dot_general3A_58 = tpu.matmul %convert_element_type3A_20, %slice3A_54, %dot_general3A_57 {dimension_numbers = #tpu.dot_dimension_numbers<[1], [1], [0], [0], [0, 0, 1, 0], [], []>, transpose_lhs_hint = false} : vector<64x128xf32>, vector<64x128xf32>, vector<64x64xf32> -> vector<64x64xf32>
    %concatenate3A_59 = tpu.concatenate %dot_general3A_56, %dot_general3A_58 in 1 : vector<64x64xf32>, vector<64x64xf32> -> vector<64x128xf32>
    %slice3A_60 = vector.extract_strided_slice %select_n3A {offsets = [0, 896], sizes = [64, 128], strides = [1, 1]} : vector<64x4096xf32> to vector<64x128xf32>
    %dot_general3A_61 = arith.constant dense<0.000000e+00> : vector<64x64xf32>
    %dot_general3A_62 = tpu.matmul %convert_element_type3A_11, %slice3A_60, %dot_general3A_61 {dimension_numbers = #tpu.dot_dimension_numbers<[1], [1], [0], [0], [0, 0, 1, 0], [], []>, transpose_lhs_hint = false} : vector<64x128xf32>, vector<64x128xf32>, vector<64x64xf32> -> vector<64x64xf32>
    %dot_general3A_63 = arith.constant dense<0.000000e+00> : vector<64x64xf32>
    %dot_general3A_64 = tpu.matmul %convert_element_type3A_20, %slice3A_60, %dot_general3A_63 {dimension_numbers = #tpu.dot_dimension_numbers<[1], [1], [0], [0], [0, 0, 1, 0], [], []>, transpose_lhs_hint = false} : vector<64x128xf32>, vector<64x128xf32>, vector<64x64xf32> -> vector<64x64xf32>
    %concatenate3A_65 = tpu.concatenate %dot_general3A_62, %dot_general3A_64 in 1 : vector<64x64xf32>, vector<64x64xf32> -> vector<64x128xf32>
    %slice3A_66 = vector.extract_strided_slice %select_n3A {offsets = [0, 1024], sizes = [64, 128], strides = [1, 1]} : vector<64x4096xf32> to vector<64x128xf32>
    %dot_general3A_67 = arith.constant dense<0.000000e+00> : vector<64x64xf32>
    %dot_general3A_68 = tpu.matmul %convert_element_type3A_11, %slice3A_66, %dot_general3A_67 {dimension_numbers = #tpu.dot_dimension_numbers<[1], [1], [0], [0], [0, 0, 1, 0], [], []>, transpose_lhs_hint = false} : vector<64x128xf32>, vector<64x128xf32>, vector<64x64xf32> -> vector<64x64xf32>
    %dot_general3A_69 = arith.constant dense<0.000000e+00> : vector<64x64xf32>
    %dot_general3A_70 = tpu.matmul %convert_element_type3A_20, %slice3A_66, %dot_general3A_69 {dimension_numbers = #tpu.dot_dimension_numbers<[1], [1], [0], [0], [0, 0, 1, 0], [], []>, transpose_lhs_hint = false} : vector<64x128xf32>, vector<64x128xf32>, vector<64x64xf32> -> vector<64x64xf32>
    %concatenate3A_71 = tpu.concatenate %dot_general3A_68, %dot_general3A_70 in 1 : vector<64x64xf32>, vector<64x64xf32> -> vector<64x128xf32>
    %slice3A_72 = vector.extract_strided_slice %select_n3A {offsets = [0, 1152], sizes = [64, 128], strides = [1, 1]} : vector<64x4096xf32> to vector<64x128xf32>
    %dot_general3A_73 = arith.constant dense<0.000000e+00> : vector<64x64xf32>
    %dot_general3A_74 = tpu.matmul %convert_element_type3A_11, %slice3A_72, %dot_general3A_73 {dimension_numbers = #tpu.dot_dimension_numbers<[1], [1], [0], [0], [0, 0, 1, 0], [], []>, transpose_lhs_hint = false} : vector<64x128xf32>, vector<64x128xf32>, vector<64x64xf32> -> vector<64x64xf32>
    %dot_general3A_75 = arith.constant dense<0.000000e+00> : vector<64x64xf32>
    %dot_general3A_76 = tpu.matmul %convert_element_type3A_20, %slice3A_72, %dot_general3A_75 {dimension_numbers = #tpu.dot_dimension_numbers<[1], [1], [0], [0], [0, 0, 1, 0], [], []>, transpose_lhs_hint = false} : vector<64x128xf32>, vector<64x128xf32>, vector<64x64xf32> -> vector<64x64xf32>
    %concatenate3A_77 = tpu.concatenate %dot_general3A_74, %dot_general3A_76 in 1 : vector<64x64xf32>, vector<64x64xf32> -> vector<64x128xf32>
    %slice3A_78 = vector.extract_strided_slice %select_n3A {offsets = [0, 1280], sizes = [64, 128], strides = [1, 1]} : vector<64x4096xf32> to vector<64x128xf32>
    %dot_general3A_79 = arith.constant dense<0.000000e+00> : vector<64x64xf32>
    %dot_general3A_80 = tpu.matmul %convert_element_type3A_11, %slice3A_78, %dot_general3A_79 {dimension_numbers = #tpu.dot_dimension_numbers<[1], [1], [0], [0], [0, 0, 1, 0], [], []>, transpose_lhs_hint = false} : vector<64x128xf32>, vector<64x128xf32>, vector<64x64xf32> -> vector<64x64xf32>
    %dot_general3A_81 = arith.constant dense<0.000000e+00> : vector<64x64xf32>
    %dot_general3A_82 = tpu.matmul %convert_element_type3A_20, %slice3A_78, %dot_general3A_81 {dimension_numbers = #tpu.dot_dimension_numbers<[1], [1], [0], [0], [0, 0, 1, 0], [], []>, transpose_lhs_hint = false} : vector<64x128xf32>, vector<64x128xf32>, vector<64x64xf32> -> vector<64x64xf32>
    %concatenate3A_83 = tpu.concatenate %dot_general3A_80, %dot_general3A_82 in 1 : vector<64x64xf32>, vector<64x64xf32> -> vector<64x128xf32>
    %slice3A_84 = vector.extract_strided_slice %select_n3A {offsets = [0, 1408], sizes = [64, 128], strides = [1, 1]} : vector<64x4096xf32> to vector<64x128xf32>
    %dot_general3A_85 = arith.constant dense<0.000000e+00> : vector<64x64xf32>
    %dot_general3A_86 = tpu.matmul %convert_element_type3A_11, %slice3A_84, %dot_general3A_85 {dimension_numbers = #tpu.dot_dimension_numbers<[1], [1], [0], [0], [0, 0, 1, 0], [], []>, transpose_lhs_hint = false} : vector<64x128xf32>, vector<64x128xf32>, vector<64x64xf32> -> vector<64x64xf32>
    %dot_general3A_87 = arith.constant dense<0.000000e+00> : vector<64x64xf32>
    %dot_general3A_88 = tpu.matmul %convert_element_type3A_20, %slice3A_84, %dot_general3A_87 {dimension_numbers = #tpu.dot_dimension_numbers<[1], [1], [0], [0], [0, 0, 1, 0], [], []>, transpose_lhs_hint = false} : vector<64x128xf32>, vector<64x128xf32>, vector<64x64xf32> -> vector<64x64xf32>
    %concatenate3A_89 = tpu.concatenate %dot_general3A_86, %dot_general3A_88 in 1 : vector<64x64xf32>, vector<64x64xf32> -> vector<64x128xf32>
    %slice3A_90 = vector.extract_strided_slice %select_n3A {offsets = [0, 1536], sizes = [64, 128], strides = [1, 1]} : vector<64x4096xf32> to vector<64x128xf32>
    %dot_general3A_91 = arith.constant dense<0.000000e+00> : vector<64x64xf32>
    %dot_general3A_92 = tpu.matmul %convert_element_type3A_11, %slice3A_90, %dot_general3A_91 {dimension_numbers = #tpu.dot_dimension_numbers<[1], [1], [0], [0], [0, 0, 1, 0], [], []>, transpose_lhs_hint = false} : vector<64x128xf32>, vector<64x128xf32>, vector<64x64xf32> -> vector<64x64xf32>
    %dot_general3A_93 = arith.constant dense<0.000000e+00> : vector<64x64xf32>
    %dot_general3A_94 = tpu.matmul %convert_element_type3A_20, %slice3A_90, %dot_general3A_93 {dimension_numbers = #tpu.dot_dimension_numbers<[1], [1], [0], [0], [0, 0, 1, 0], [], []>, transpose_lhs_hint = false} : vector<64x128xf32>, vector<64x128xf32>, vector<64x64xf32> -> vector<64x64xf32>
    %concatenate3A_95 = tpu.concatenate %dot_general3A_92, %dot_general3A_94 in 1 : vector<64x64xf32>, vector<64x64xf32> -> vector<64x128xf32>
    %slice3A_96 = vector.extract_strided_slice %select_n3A {offsets = [0, 1664], sizes = [64, 128], strides = [1, 1]} : vector<64x4096xf32> to vector<64x128xf32>
    %dot_general3A_97 = arith.constant dense<0.000000e+00> : vector<64x64xf32>
    %dot_general3A_98 = tpu.matmul %convert_element_type3A_11, %slice3A_96, %dot_general3A_97 {dimension_numbers = #tpu.dot_dimension_numbers<[1], [1], [0], [0], [0, 0, 1, 0], [], []>, transpose_lhs_hint = false} : vector<64x128xf32>, vector<64x128xf32>, vector<64x64xf32> -> vector<64x64xf32>
    %dot_general3A_99 = arith.constant dense<0.000000e+00> : vector<64x64xf32>
    %dot_general3A_100 = tpu.matmul %convert_element_type3A_20, %slice3A_96, %dot_general3A_99 {dimension_numbers = #tpu.dot_dimension_numbers<[1], [1], [0], [0], [0, 0, 1, 0], [], []>, transpose_lhs_hint = false} : vector<64x128xf32>, vector<64x128xf32>, vector<64x64xf32> -> vector<64x64xf32>
    %concatenate3A_101 = tpu.concatenate %dot_general3A_98, %dot_general3A_100 in 1 : vector<64x64xf32>, vector<64x64xf32> -> vector<64x128xf32>
    %slice3A_102 = vector.extract_strided_slice %select_n3A {offsets = [0, 1792], sizes = [64, 128], strides = [1, 1]} : vector<64x4096xf32> to vector<64x128xf32>
    %dot_general3A_103 = arith.constant dense<0.000000e+00> : vector<64x64xf32>
    %dot_general3A_104 = tpu.matmul %convert_element_type3A_11, %slice3A_102, %dot_general3A_103 {dimension_numbers = #tpu.dot_dimension_numbers<[1], [1], [0], [0], [0, 0, 1, 0], [], []>, transpose_lhs_hint = false} : vector<64x128xf32>, vector<64x128xf32>, vector<64x64xf32> -> vector<64x64xf32>
    %dot_general3A_105 = arith.constant dense<0.000000e+00> : vector<64x64xf32>
    %dot_general3A_106 = tpu.matmul %convert_element_type3A_20, %slice3A_102, %dot_general3A_105 {dimension_numbers = #tpu.dot_dimension_numbers<[1], [1], [0], [0], [0, 0, 1, 0], [], []>, transpose_lhs_hint = false} : vector<64x128xf32>, vector<64x128xf32>, vector<64x64xf32> -> vector<64x64xf32>
    %concatenate3A_107 = tpu.concatenate %dot_general3A_104, %dot_general3A_106 in 1 : vector<64x64xf32>, vector<64x64xf32> -> vector<64x128xf32>
    %slice3A_108 = vector.extract_strided_slice %select_n3A {offsets = [0, 1920], sizes = [64, 128], strides = [1, 1]} : vector<64x4096xf32> to vector<64x128xf32>
    %dot_general3A_109 = arith.constant dense<0.000000e+00> : vector<64x64xf32>
    %dot_general3A_110 = tpu.matmul %convert_element_type3A_11, %slice3A_108, %dot_general3A_109 {dimension_numbers = #tpu.dot_dimension_numbers<[1], [1], [0], [0], [0, 0, 1, 0], [], []>, transpose_lhs_hint = false} : vector<64x128xf32>, vector<64x128xf32>, vector<64x64xf32> -> vector<64x64xf32>
    %dot_general3A_111 = arith.constant dense<0.000000e+00> : vector<64x64xf32>
    %dot_general3A_112 = tpu.matmul %convert_element_type3A_20, %slice3A_108, %dot_general3A_111 {dimension_numbers = #tpu.dot_dimension_numbers<[1], [1], [0], [0], [0, 0, 1, 0], [], []>, transpose_lhs_hint = false} : vector<64x128xf32>, vector<64x128xf32>, vector<64x64xf32> -> vector<64x64xf32>
    %concatenate3A_113 = tpu.concatenate %dot_general3A_110, %dot_general3A_112 in 1 : vector<64x64xf32>, vector<64x64xf32> -> vector<64x128xf32>
    %slice3A_114 = vector.extract_strided_slice %select_n3A {offsets = [0, 2048], sizes = [64, 128], strides = [1, 1]} : vector<64x4096xf32> to vector<64x128xf32>
    %dot_general3A_115 = arith.constant dense<0.000000e+00> : vector<64x64xf32>
    %dot_general3A_116 = tpu.matmul %convert_element_type3A_11, %slice3A_114, %dot_general3A_115 {dimension_numbers = #tpu.dot_dimension_numbers<[1], [1], [0], [0], [0, 0, 1, 0], [], []>, transpose_lhs_hint = false} : vector<64x128xf32>, vector<64x128xf32>, vector<64x64xf32> -> vector<64x64xf32>
    %dot_general3A_117 = arith.constant dense<0.000000e+00> : vector<64x64xf32>
    %dot_general3A_118 = tpu.matmul %convert_element_type3A_20, %slice3A_114, %dot_general3A_117 {dimension_numbers = #tpu.dot_dimension_numbers<[1], [1], [0], [0], [0, 0, 1, 0], [], []>, transpose_lhs_hint = false} : vector<64x128xf32>, vector<64x128xf32>, vector<64x64xf32> -> vector<64x64xf32>
    %concatenate3A_119 = tpu.concatenate %dot_general3A_116, %dot_general3A_118 in 1 : vector<64x64xf32>, vector<64x64xf32> -> vector<64x128xf32>
    %slice3A_120 = vector.extract_strided_slice %select_n3A {offsets = [0, 2176], sizes = [64, 128], strides = [1, 1]} : vector<64x4096xf32> to vector<64x128xf32>
    %dot_general3A_121 = arith.constant dense<0.000000e+00> : vector<64x64xf32>
    %dot_general3A_122 = tpu.matmul %convert_element_type3A_11, %slice3A_120, %dot_general3A_121 {dimension_numbers = #tpu.dot_dimension_numbers<[1], [1], [0], [0], [0, 0, 1, 0], [], []>, transpose_lhs_hint = false} : vector<64x128xf32>, vector<64x128xf32>, vector<64x64xf32> -> vector<64x64xf32>
    %dot_general3A_123 = arith.constant dense<0.000000e+00> : vector<64x64xf32>
    %dot_general3A_124 = tpu.matmul %convert_element_type3A_20, %slice3A_120, %dot_general3A_123 {dimension_numbers = #tpu.dot_dimension_numbers<[1], [1], [0], [0], [0, 0, 1, 0], [], []>, transpose_lhs_hint = false} : vector<64x128xf32>, vector<64x128xf32>, vector<64x64xf32> -> vector<64x64xf32>
    %concatenate3A_125 = tpu.concatenate %dot_general3A_122, %dot_general3A_124 in 1 : vector<64x64xf32>, vector<64x64xf32> -> vector<64x128xf32>
    %slice3A_126 = vector.extract_strided_slice %select_n3A {offsets = [0, 2304], sizes = [64, 128], strides = [1, 1]} : vector<64x4096xf32> to vector<64x128xf32>
    %dot_general3A_127 = arith.constant dense<0.000000e+00> : vector<64x64xf32>
    %dot_general3A_128 = tpu.matmul %convert_element_type3A_11, %slice3A_126, %dot_general3A_127 {dimension_numbers = #tpu.dot_dimension_numbers<[1], [1], [0], [0], [0, 0, 1, 0], [], []>, transpose_lhs_hint = false} : vector<64x128xf32>, vector<64x128xf32>, vector<64x64xf32> -> vector<64x64xf32>
    %dot_general3A_129 = arith.constant dense<0.000000e+00> : vector<64x64xf32>
    %dot_general3A_130 = tpu.matmul %convert_element_type3A_20, %slice3A_126, %dot_general3A_129 {dimension_numbers = #tpu.dot_dimension_numbers<[1], [1], [0], [0], [0, 0, 1, 0], [], []>, transpose_lhs_hint = false} : vector<64x128xf32>, vector<64x128xf32>, vector<64x64xf32> -> vector<64x64xf32>
    %concatenate3A_131 = tpu.concatenate %dot_general3A_128, %dot_general3A_130 in 1 : vector<64x64xf32>, vector<64x64xf32> -> vector<64x128xf32>
    %slice3A_132 = vector.extract_strided_slice %select_n3A {offsets = [0, 2432], sizes = [64, 128], strides = [1, 1]} : vector<64x4096xf32> to vector<64x128xf32>
    %dot_general3A_133 = arith.constant dense<0.000000e+00> : vector<64x64xf32>
    %dot_general3A_134 = tpu.matmul %convert_element_type3A_11, %slice3A_132, %dot_general3A_133 {dimension_numbers = #tpu.dot_dimension_numbers<[1], [1], [0], [0], [0, 0, 1, 0], [], []>, transpose_lhs_hint = false} : vector<64x128xf32>, vector<64x128xf32>, vector<64x64xf32> -> vector<64x64xf32>
    %dot_general3A_135 = arith.constant dense<0.000000e+00> : vector<64x64xf32>
    %dot_general3A_136 = tpu.matmul %convert_element_type3A_20, %slice3A_132, %dot_general3A_135 {dimension_numbers = #tpu.dot_dimension_numbers<[1], [1], [0], [0], [0, 0, 1, 0], [], []>, transpose_lhs_hint = false} : vector<64x128xf32>, vector<64x128xf32>, vector<64x64xf32> -> vector<64x64xf32>
    %concatenate3A_137 = tpu.concatenate %dot_general3A_134, %dot_general3A_136 in 1 : vector<64x64xf32>, vector<64x64xf32> -> vector<64x128xf32>
    %slice3A_138 = vector.extract_strided_slice %select_n3A {offsets = [0, 2560], sizes = [64, 128], strides = [1, 1]} : vector<64x4096xf32> to vector<64x128xf32>
    %dot_general3A_139 = arith.constant dense<0.000000e+00> : vector<64x64xf32>
    %dot_general3A_140 = tpu.matmul %convert_element_type3A_11, %slice3A_138, %dot_general3A_139 {dimension_numbers = #tpu.dot_dimension_numbers<[1], [1], [0], [0], [0, 0, 1, 0], [], []>, transpose_lhs_hint = false} : vector<64x128xf32>, vector<64x128xf32>, vector<64x64xf32> -> vector<64x64xf32>
    %dot_general3A_141 = arith.constant dense<0.000000e+00> : vector<64x64xf32>
    %dot_general3A_142 = tpu.matmul %convert_element_type3A_20, %slice3A_138, %dot_general3A_141 {dimension_numbers = #tpu.dot_dimension_numbers<[1], [1], [0], [0], [0, 0, 1, 0], [], []>, transpose_lhs_hint = false} : vector<64x128xf32>, vector<64x128xf32>, vector<64x64xf32> -> vector<64x64xf32>
    %concatenate3A_143 = tpu.concatenate %dot_general3A_140, %dot_general3A_142 in 1 : vector<64x64xf32>, vector<64x64xf32> -> vector<64x128xf32>
    %slice3A_144 = vector.extract_strided_slice %select_n3A {offsets = [0, 2688], sizes = [64, 128], strides = [1, 1]} : vector<64x4096xf32> to vector<64x128xf32>
    %dot_general3A_145 = arith.constant dense<0.000000e+00> : vector<64x64xf32>
    %dot_general3A_146 = tpu.matmul %convert_element_type3A_11, %slice3A_144, %dot_general3A_145 {dimension_numbers = #tpu.dot_dimension_numbers<[1], [1], [0], [0], [0, 0, 1, 0], [], []>, transpose_lhs_hint = false} : vector<64x128xf32>, vector<64x128xf32>, vector<64x64xf32> -> vector<64x64xf32>
    %dot_general3A_147 = arith.constant dense<0.000000e+00> : vector<64x64xf32>
    %dot_general3A_148 = tpu.matmul %convert_element_type3A_20, %slice3A_144, %dot_general3A_147 {dimension_numbers = #tpu.dot_dimension_numbers<[1], [1], [0], [0], [0, 0, 1, 0], [], []>, transpose_lhs_hint = false} : vector<64x128xf32>, vector<64x128xf32>, vector<64x64xf32> -> vector<64x64xf32>
    %concatenate3A_149 = tpu.concatenate %dot_general3A_146, %dot_general3A_148 in 1 : vector<64x64xf32>, vector<64x64xf32> -> vector<64x128xf32>
    %slice3A_150 = vector.extract_strided_slice %select_n3A {offsets = [0, 2816], sizes = [64, 128], strides = [1, 1]} : vector<64x4096xf32> to vector<64x128xf32>
    %dot_general3A_151 = arith.constant dense<0.000000e+00> : vector<64x64xf32>
    %dot_general3A_152 = tpu.matmul %convert_element_type3A_11, %slice3A_150, %dot_general3A_151 {dimension_numbers = #tpu.dot_dimension_numbers<[1], [1], [0], [0], [0, 0, 1, 0], [], []>, transpose_lhs_hint = false} : vector<64x128xf32>, vector<64x128xf32>, vector<64x64xf32> -> vector<64x64xf32>
    %dot_general3A_153 = arith.constant dense<0.000000e+00> : vector<64x64xf32>
    %dot_general3A_154 = tpu.matmul %convert_element_type3A_20, %slice3A_150, %dot_general3A_153 {dimension_numbers = #tpu.dot_dimension_numbers<[1], [1], [0], [0], [0, 0, 1, 0], [], []>, transpose_lhs_hint = false} : vector<64x128xf32>, vector<64x128xf32>, vector<64x64xf32> -> vector<64x64xf32>
    %concatenate3A_155 = tpu.concatenate %dot_general3A_152, %dot_general3A_154 in 1 : vector<64x64xf32>, vector<64x64xf32> -> vector<64x128xf32>
    %slice3A_156 = vector.extract_strided_slice %select_n3A {offsets = [0, 2944], sizes = [64, 128], strides = [1, 1]} : vector<64x4096xf32> to vector<64x128xf32>
    %dot_general3A_157 = arith.constant dense<0.000000e+00> : vector<64x64xf32>
    %dot_general3A_158 = tpu.matmul %convert_element_type3A_11, %slice3A_156, %dot_general3A_157 {dimension_numbers = #tpu.dot_dimension_numbers<[1], [1], [0], [0], [0, 0, 1, 0], [], []>, transpose_lhs_hint = false} : vector<64x128xf32>, vector<64x128xf32>, vector<64x64xf32> -> vector<64x64xf32>
    %dot_general3A_159 = arith.constant dense<0.000000e+00> : vector<64x64xf32>
    %dot_general3A_160 = tpu.matmul %convert_element_type3A_20, %slice3A_156, %dot_general3A_159 {dimension_numbers = #tpu.dot_dimension_numbers<[1], [1], [0], [0], [0, 0, 1, 0], [], []>, transpose_lhs_hint = false} : vector<64x128xf32>, vector<64x128xf32>, vector<64x64xf32> -> vector<64x64xf32>
    %concatenate3A_161 = tpu.concatenate %dot_general3A_158, %dot_general3A_160 in 1 : vector<64x64xf32>, vector<64x64xf32> -> vector<64x128xf32>
    %slice3A_162 = vector.extract_strided_slice %select_n3A {offsets = [0, 3072], sizes = [64, 128], strides = [1, 1]} : vector<64x4096xf32> to vector<64x128xf32>
    %dot_general3A_163 = arith.constant dense<0.000000e+00> : vector<64x64xf32>
    %dot_general3A_164 = tpu.matmul %convert_element_type3A_11, %slice3A_162, %dot_general3A_163 {dimension_numbers = #tpu.dot_dimension_numbers<[1], [1], [0], [0], [0, 0, 1, 0], [], []>, transpose_lhs_hint = false} : vector<64x128xf32>, vector<64x128xf32>, vector<64x64xf32> -> vector<64x64xf32>
    %dot_general3A_165 = arith.constant dense<0.000000e+00> : vector<64x64xf32>
    %dot_general3A_166 = tpu.matmul %convert_element_type3A_20, %slice3A_162, %dot_general3A_165 {dimension_numbers = #tpu.dot_dimension_numbers<[1], [1], [0], [0], [0, 0, 1, 0], [], []>, transpose_lhs_hint = false} : vector<64x128xf32>, vector<64x128xf32>, vector<64x64xf32> -> vector<64x64xf32>
    %concatenate3A_167 = tpu.concatenate %dot_general3A_164, %dot_general3A_166 in 1 : vector<64x64xf32>, vector<64x64xf32> -> vector<64x128xf32>
    %slice3A_168 = vector.extract_strided_slice %select_n3A {offsets = [0, 3200], sizes = [64, 128], strides = [1, 1]} : vector<64x4096xf32> to vector<64x128xf32>
    %dot_general3A_169 = arith.constant dense<0.000000e+00> : vector<64x64xf32>
    %dot_general3A_170 = tpu.matmul %convert_element_type3A_11, %slice3A_168, %dot_general3A_169 {dimension_numbers = #tpu.dot_dimension_numbers<[1], [1], [0], [0], [0, 0, 1, 0], [], []>, transpose_lhs_hint = false} : vector<64x128xf32>, vector<64x128xf32>, vector<64x64xf32> -> vector<64x64xf32>
    %dot_general3A_171 = arith.constant dense<0.000000e+00> : vector<64x64xf32>
    %dot_general3A_172 = tpu.matmul %convert_element_type3A_20, %slice3A_168, %dot_general3A_171 {dimension_numbers = #tpu.dot_dimension_numbers<[1], [1], [0], [0], [0, 0, 1, 0], [], []>, transpose_lhs_hint = false} : vector<64x128xf32>, vector<64x128xf32>, vector<64x64xf32> -> vector<64x64xf32>
    %concatenate3A_173 = tpu.concatenate %dot_general3A_170, %dot_general3A_172 in 1 : vector<64x64xf32>, vector<64x64xf32> -> vector<64x128xf32>
    %slice3A_174 = vector.extract_strided_slice %select_n3A {offsets = [0, 3328], sizes = [64, 128], strides = [1, 1]} : vector<64x4096xf32> to vector<64x128xf32>
    %dot_general3A_175 = arith.constant dense<0.000000e+00> : vector<64x64xf32>
    %dot_general3A_176 = tpu.matmul %convert_element_type3A_11, %slice3A_174, %dot_general3A_175 {dimension_numbers = #tpu.dot_dimension_numbers<[1], [1], [0], [0], [0, 0, 1, 0], [], []>, transpose_lhs_hint = false} : vector<64x128xf32>, vector<64x128xf32>, vector<64x64xf32> -> vector<64x64xf32>
    %dot_general3A_177 = arith.constant dense<0.000000e+00> : vector<64x64xf32>
    %dot_general3A_178 = tpu.matmul %convert_element_type3A_20, %slice3A_174, %dot_general3A_177 {dimension_numbers = #tpu.dot_dimension_numbers<[1], [1], [0], [0], [0, 0, 1, 0], [], []>, transpose_lhs_hint = false} : vector<64x128xf32>, vector<64x128xf32>, vector<64x64xf32> -> vector<64x64xf32>
    %concatenate3A_179 = tpu.concatenate %dot_general3A_176, %dot_general3A_178 in 1 : vector<64x64xf32>, vector<64x64xf32> -> vector<64x128xf32>
    %slice3A_180 = vector.extract_strided_slice %select_n3A {offsets = [0, 3456], sizes = [64, 128], strides = [1, 1]} : vector<64x4096xf32> to vector<64x128xf32>
    %dot_general3A_181 = arith.constant dense<0.000000e+00> : vector<64x64xf32>
    %dot_general3A_182 = tpu.matmul %convert_element_type3A_11, %slice3A_180, %dot_general3A_181 {dimension_numbers = #tpu.dot_dimension_numbers<[1], [1], [0], [0], [0, 0, 1, 0], [], []>, transpose_lhs_hint = false} : vector<64x128xf32>, vector<64x128xf32>, vector<64x64xf32> -> vector<64x64xf32>
    %dot_general3A_183 = arith.constant dense<0.000000e+00> : vector<64x64xf32>
    %dot_general3A_184 = tpu.matmul %convert_element_type3A_20, %slice3A_180, %dot_general3A_183 {dimension_numbers = #tpu.dot_dimension_numbers<[1], [1], [0], [0], [0, 0, 1, 0], [], []>, transpose_lhs_hint = false} : vector<64x128xf32>, vector<64x128xf32>, vector<64x64xf32> -> vector<64x64xf32>
    %concatenate3A_185 = tpu.concatenate %dot_general3A_182, %dot_general3A_184 in 1 : vector<64x64xf32>, vector<64x64xf32> -> vector<64x128xf32>
    %slice3A_186 = vector.extract_strided_slice %select_n3A {offsets = [0, 3584], sizes = [64, 128], strides = [1, 1]} : vector<64x4096xf32> to vector<64x128xf32>
    %dot_general3A_187 = arith.constant dense<0.000000e+00> : vector<64x64xf32>
    %dot_general3A_188 = tpu.matmul %convert_element_type3A_11, %slice3A_186, %dot_general3A_187 {dimension_numbers = #tpu.dot_dimension_numbers<[1], [1], [0], [0], [0, 0, 1, 0], [], []>, transpose_lhs_hint = false} : vector<64x128xf32>, vector<64x128xf32>, vector<64x64xf32> -> vector<64x64xf32>
    %dot_general3A_189 = arith.constant dense<0.000000e+00> : vector<64x64xf32>
    %dot_general3A_190 = tpu.matmul %convert_element_type3A_20, %slice3A_186, %dot_general3A_189 {dimension_numbers = #tpu.dot_dimension_numbers<[1], [1], [0], [0], [0, 0, 1, 0], [], []>, transpose_lhs_hint = false} : vector<64x128xf32>, vector<64x128xf32>, vector<64x64xf32> -> vector<64x64xf32>
    %concatenate3A_191 = tpu.concatenate %dot_general3A_188, %dot_general3A_190 in 1 : vector<64x64xf32>, vector<64x64xf32> -> vector<64x128xf32>
    %slice3A_192 = vector.extract_strided_slice %select_n3A {offsets = [0, 3712], sizes = [64, 128], strides = [1, 1]} : vector<64x4096xf32> to vector<64x128xf32>
    %dot_general3A_193 = arith.constant dense<0.000000e+00> : vector<64x64xf32>
    %dot_general3A_194 = tpu.matmul %convert_element_type3A_11, %slice3A_192, %dot_general3A_193 {dimension_numbers = #tpu.dot_dimension_numbers<[1], [1], [0], [0], [0, 0, 1, 0], [], []>, transpose_lhs_hint = false} : vector<64x128xf32>, vector<64x128xf32>, vector<64x64xf32> -> vector<64x64xf32>
    %dot_general3A_195 = arith.constant dense<0.000000e+00> : vector<64x64xf32>
    %dot_general3A_196 = tpu.matmul %convert_element_type3A_20, %slice3A_192, %dot_general3A_195 {dimension_numbers = #tpu.dot_dimension_numbers<[1], [1], [0], [0], [0, 0, 1, 0], [], []>, transpose_lhs_hint = false} : vector<64x128xf32>, vector<64x128xf32>, vector<64x64xf32> -> vector<64x64xf32>
    %concatenate3A_197 = tpu.concatenate %dot_general3A_194, %dot_general3A_196 in 1 : vector<64x64xf32>, vector<64x64xf32> -> vector<64x128xf32>
    %slice3A_198 = vector.extract_strided_slice %select_n3A {offsets = [0, 3840], sizes = [64, 128], strides = [1, 1]} : vector<64x4096xf32> to vector<64x128xf32>
    %dot_general3A_199 = arith.constant dense<0.000000e+00> : vector<64x64xf32>
    %dot_general3A_200 = tpu.matmul %convert_element_type3A_11, %slice3A_198, %dot_general3A_199 {dimension_numbers = #tpu.dot_dimension_numbers<[1], [1], [0], [0], [0, 0, 1, 0], [], []>, transpose_lhs_hint = false} : vector<64x128xf32>, vector<64x128xf32>, vector<64x64xf32> -> vector<64x64xf32>
    %dot_general3A_201 = arith.constant dense<0.000000e+00> : vector<64x64xf32>
    %dot_general3A_202 = tpu.matmul %convert_element_type3A_20, %slice3A_198, %dot_general3A_201 {dimension_numbers = #tpu.dot_dimension_numbers<[1], [1], [0], [0], [0, 0, 1, 0], [], []>, transpose_lhs_hint = false} : vector<64x128xf32>, vector<64x128xf32>, vector<64x64xf32> -> vector<64x64xf32>
    %concatenate3A_203 = tpu.concatenate %dot_general3A_200, %dot_general3A_202 in 1 : vector<64x64xf32>, vector<64x64xf32> -> vector<64x128xf32>
    %slice3A_204 = vector.extract_strided_slice %select_n3A {offsets = [0, 3968], sizes = [64, 128], strides = [1, 1]} : vector<64x4096xf32> to vector<64x128xf32>
    %dot_general3A_205 = arith.constant dense<0.000000e+00> : vector<64x64xf32>
    %dot_general3A_206 = tpu.matmul %convert_element_type3A_11, %slice3A_204, %dot_general3A_205 {dimension_numbers = #tpu.dot_dimension_numbers<[1], [1], [0], [0], [0, 0, 1, 0], [], []>, transpose_lhs_hint = false} : vector<64x128xf32>, vector<64x128xf32>, vector<64x64xf32> -> vector<64x64xf32>
    %dot_general3A_207 = arith.constant dense<0.000000e+00> : vector<64x64xf32>
    %dot_general3A_208 = tpu.matmul %convert_element_type3A_20, %slice3A_204, %dot_general3A_207 {dimension_numbers = #tpu.dot_dimension_numbers<[1], [1], [0], [0], [0, 0, 1, 0], [], []>, transpose_lhs_hint = false} : vector<64x128xf32>, vector<64x128xf32>, vector<64x64xf32> -> vector<64x64xf32>
    %concatenate3A_209 = tpu.concatenate %dot_general3A_206, %dot_general3A_208 in 1 : vector<64x64xf32>, vector<64x64xf32> -> vector<64x128xf32>
    %concatenate3A_210 = tpu.concatenate %concatenate3A, %concatenate3A_29, %concatenate3A_35, %concatenate3A_41, %concatenate3A_47, %concatenate3A_53, %concatenate3A_59, %concatenate3A_65, %concatenate3A_71, %concatenate3A_77, %concatenate3A_83, %concatenate3A_89, %concatenate3A_95, %concatenate3A_101, %concatenate3A_107, %concatenate3A_113, %concatenate3A_119, %concatenate3A_125, %concatenate3A_131, %concatenate3A_137, %concatenate3A_143, %concatenate3A_149, %concatenate3A_155, %concatenate3A_161, %concatenate3A_167, %concatenate3A_173, %concatenate3A_179, %concatenate3A_185, %concatenate3A_191, %concatenate3A_197, %concatenate3A_203, %concatenate3A_209 in 0 : vector<64x128xf32>, vector<64x128xf32>, vector<64x128xf32>, vector<64x128xf32>, vector<64x128xf32>, vector<64x128xf32>, vector<64x128xf32>, vector<64x128xf32>, vector<64x128xf32>, vector<64x128xf32>, vector<64x128xf32>, vector<64x128xf32>, vector<64x128xf32>, vector<64x128xf32>, vector<64x128xf32>, vector<64x128xf32>, vector<64x128xf32>, vector<64x128xf32>, vector<64x128xf32>, vector<64x128xf32>, vector<64x128xf32>, vector<64x128xf32>, vector<64x128xf32>, vector<64x128xf32>, vector<64x128xf32>, vector<64x128xf32>, vector<64x128xf32>, vector<64x128xf32>, vector<64x128xf32>, vector<64x128xf32>, vector<64x128xf32>, vector<64x128xf32> -> vector<2048x128xf32>
    %swap3A = arith.constant 0 : index
    %swap3A_211 = arith.constant 0 : index
    %swap3A_212 = vector.load %arg2[%swap3A, %swap3A_211] : memref<2048x128xf32, #tpu.memory_space<vmem>>, vector<2048x128xf32>
    tpu.vector_store %arg2[%swap3A, %swap3A_211], %concatenate3A_210 {strides = array<i32>} : memref<2048x128xf32, #tpu.memory_space<vmem>>, vector<2048x128xf32>,
    return
  }
  func.func @transform_0(%arg0: i32) -> (i32, i32) {
    %c0_i32 = arith.constant 0 : i32
    %c0_i32_0 = arith.constant 0 : i32
    return %c0_i32, %arg0 : i32, i32
  }
  func.func @transform_1(%arg0: i32) -> (i32, i32) {
    %c0_i32 = arith.constant 0 : i32
    %c0_i32_0 = arith.constant 0 : i32
    return %arg0, %c0_i32 : i32, i32
  }
}

module attributes {stable_mosaic.version = 14 : i64} {
  func.func @_pop_body(%arg0: i32, %arg1: memref<200x2048xf32, #tpu.memory_space<vmem>>, %arg2: memref<1x1x2048xf32, #tpu.memory_space<vmem>>, %arg3: memref<1x1x2048xf32, #tpu.memory_space<vmem>>) attributes {dimension_semantics = [#tpu.dimension_semantics<arbitrary>], iteration_bounds = array<i64: 8>, scalar_prefetch = 0 : i64, scratch_operands = 0 : i64, tpu.core_type = #tpu.core_type<tc>, window_params = [{transform_indices = @transform_0, window_bounds = array<i64: 200, 2048>}, {transform_indices = @transform_1, window_bounds = array<i64: 1, 1, 2048>}, {transform_indices = @transform_2, window_bounds = array<i64: 1, 1, 2048>}]} {
    %get3A = arith.constant 0 : index
    %get3A_0 = arith.constant 0 : index
    %get3A_1 = vector.load %arg1[%get3A, %get3A_0] : memref<200x2048xf32, #tpu.memory_space<vmem>>, vector<200x2048xf32>
    %get3A_2 = arith.constant 0 : index
    %get3A_3 = arith.constant 0 : index
    %get3A_4 = arith.constant 0 : index
    %get3A_5 = vector.load %arg2[%get3A_2, %get3A_3, %get3A_4] : memref<1x1x2048xf32, #tpu.memory_space<vmem>>, vector<1x1x2048xf32>
    %reshape3A = vector.shape_cast %get3A_5 : vector<1x1x2048xf32> to vector<1x2048xf32>
    %sub3A = arith.constant 1.000000e+00 : f32
    %sub3A_6 = vector.broadcast %sub3A : f32 to vector<1x2048xf32>
    %sub3A_7 = arith.subf %reshape3A, %sub3A_6 : vector<1x2048xf32>
    %max3A = arith.constant 0.000000e+00 : f32
    %max3A_8 = vector.broadcast %max3A : f32 to vector<1x2048xf32>
    %max3A_9 = arith.maximumf %sub3A_7, %max3A_8 : vector<1x2048xf32>
    %iota3A = tpu.iota {dimensions = array<i32: 0>} : vector<200x1xi32>
    %convert_element_type3A = arith.sitofp %iota3A : vector<200x1xi32> to vector<200x1xf32>
    %mul3A = arith.constant -0.321928084 : f32
    %mul3A_10 = vector.broadcast %mul3A : f32 to vector<1x2048xf32>
    %mul3A_11 = arith.mulf %max3A_9, %mul3A_10 : vector<1x2048xf32>
    %exp23A = math.exp2 %mul3A_11 : vector<1x2048xf32>
    %mul3A_12 = arith.constant 0.321928084 : f32
    %mul3A_13 = vector.broadcast %mul3A_12 : f32 to vector<200x1xf32>
    %mul3A_14 = arith.mulf %convert_element_type3A, %mul3A_13 : vector<200x1xf32>
    %exp23A_15 = math.exp2 %mul3A_14 : vector<200x1xf32>
    %mul3A_16 = vector.broadcast %exp23A : vector<1x2048xf32> to vector<200x2048xf32>
    %mul3A_17 = vector.broadcast %exp23A_15 : vector<200x1xf32> to vector<200x2048xf32>
    %mul3A_18 = arith.mulf %mul3A_16, %mul3A_17 : vector<200x2048xf32>
    %gt3A = vector.broadcast %convert_element_type3A : vector<200x1xf32> to vector<200x2048xf32>
    %gt3A_19 = vector.broadcast %max3A_9 : vector<1x2048xf32> to vector<200x2048xf32>
    %gt3A_20 = arith.cmpf ogt, %gt3A, %gt3A_19 : vector<200x2048xf32>
    %eq3A = arith.constant 0.000000e+00 : f32
    %eq3A_21 = vector.broadcast %eq3A : f32 to vector<200x1xf32>
    %eq3A_22 = arith.cmpf oeq, %convert_element_type3A, %eq3A_21 : vector<200x1xf32>
    %mul3A_23 = arith.constant 2.000000e-01 : f32
    %mul3A_24 = vector.broadcast %mul3A_23 : f32 to vector<200x2048xf32>
    %mul3A_25 = arith.mulf %mul3A_24, %mul3A_18 : vector<200x2048xf32>
    %broadcast_in_dim3A = vector.shape_cast %eq3A_22 : vector<200x1xi1> to vector<200x1xi1>
    %broadcast_in_dim3A_26 = vector.broadcast %broadcast_in_dim3A : vector<200x1xi1> to vector<200x2048xi1>
    %select_n3A = arith.select %broadcast_in_dim3A_26, %mul3A_18, %mul3A_25 : vector<200x2048xi1>, vector<200x2048xf32>
    %jit3A = arith.constant 0.000000e+00 : f32
    %broadcast_in_dim3A_27 = vector.broadcast %jit3A : f32 to vector<200x2048xf32>
    %select_n3A_28 = arith.select %gt3A_20, %broadcast_in_dim3A_27, %select_n3A : vector<200x2048xi1>, vector<200x2048xf32>
    %mul3A_29 = arith.mulf %select_n3A_28, %get3A_1 : vector<200x2048xf32>
    %reduce_sum3A = arith.constant dense<0.000000e+00> : vector<2048xf32>
    %reduce_sum3A_30 = vector.multi_reduction <add>, %mul3A_29, %reduce_sum3A [0] : vector<200x2048xf32> to vector<2048xf32>
    %broadcast_in_dim3A_31 = vector.shape_cast %reduce_sum3A_30 : vector<2048xf32> to vector<1x2048xf32>
    %reshape3A_32 = vector.shape_cast %broadcast_in_dim3A_31 : vector<1x2048xf32> to vector<1x1x2048xf32>
    %swap3A = arith.constant 0 : index
    %swap3A_33 = arith.constant 0 : index
    %swap3A_34 = arith.constant 0 : index
    %swap3A_35 = vector.load %arg3[%swap3A, %swap3A_33, %swap3A_34] : memref<1x1x2048xf32, #tpu.memory_space<vmem>>, vector<1x1x2048xf32>
    tpu.vector_store %arg3[%swap3A, %swap3A_33, %swap3A_34], %reshape3A_32 {strides = array<i32>} : memref<1x1x2048xf32, #tpu.memory_space<vmem>>, vector<1x1x2048xf32>,
    return
  }
  func.func @transform_0(%arg0: i32) -> (i32, i32) {
    %c0_i32 = arith.constant 0 : i32
    %c0_i32_0 = arith.constant 0 : i32
    return %c0_i32, %arg0 : i32, i32
  }
  func.func @transform_1(%arg0: i32) -> (i32, i32, i32) {
    %c0_i32 = arith.constant 0 : i32
    %c0_i32_0 = arith.constant 0 : i32
    %c0_i32_1 = arith.constant 0 : i32
    return %arg0, %c0_i32, %c0_i32_0 : i32, i32, i32
  }
  func.func @transform_2(%arg0: i32) -> (i32, i32, i32) {
    %c0_i32 = arith.constant 0 : i32
    %c0_i32_0 = arith.constant 0 : i32
    %c0_i32_1 = arith.constant 0 : i32
    return %arg0, %c0_i32, %c0_i32_0 : i32, i32, i32
  }
}

module attributes {stable_mosaic.version = 14 : i64} {
  func.func @_stats_body(%arg0: i32, %arg1: memref<1024x128xf32, #tpu.memory_space<vmem>>, %arg2: memref<1024x128xf32, #tpu.memory_space<vmem>>, %arg3: memref<1024x128xf32, #tpu.memory_space<vmem>>, %arg4: memref<1024x128xf32, #tpu.memory_space<vmem>>, %arg5: memref<1024x128xf32, #tpu.memory_space<vmem>>, %arg6: memref<16x64xf32, #tpu.memory_space<vmem>>, %arg7: memref<16x64xf32, #tpu.memory_space<vmem>>) attributes {dimension_semantics = [#tpu.dimension_semantics<arbitrary>], iteration_bounds = array<i64: 8>, scalar_prefetch = 0 : i64, scratch_operands = 1 : i64, tpu.core_type = #tpu.core_type<tc>, window_params = [{transform_indices = @transform_0, window_bounds = array<i64: 1024, 128>}, {transform_indices = @transform_1, window_bounds = array<i64: 1024, 128>}, {transform_indices = @transform_2, window_bounds = array<i64: 1024, 128>}, {transform_indices = @transform_3, window_bounds = array<i64: 1024, 128>}, {transform_indices = @transform_4, window_bounds = array<i64: 1024, 128>}, {pipeline_mode = #tpu.pipeline_mode<synchronous>, transform_indices = @transform_5, window_bounds = array<i64: 16, 64>}]} {
    %eq3A = arith.constant 0 : i32
    %eq3A_0 = arith.cmpi eq, %arg0, %eq3A : i32
    %convert_element_type3A = arith.extui %eq3A_0 : i1 to i32
    %cond3A = arith.constant 0 : i32
    %cond3A_1 = arith.cmpi ne, %convert_element_type3A, %cond3A : i32
    scf.if %cond3A_1 {
      %broadcast_in_dim3A_102 = arith.constant 0.000000e+00 : f32
      %broadcast_in_dim3A_103 = vector.broadcast %broadcast_in_dim3A_102 : f32 to vector<16x64xf32>
      %swap3A_104 = arith.constant 0 : index
      %swap3A_105 = arith.constant 0 : index
      %swap3A_106 = vector.load %arg7[%swap3A_104, %swap3A_105] : memref<16x64xf32, #tpu.memory_space<vmem>>, vector<16x64xf32>
      tpu.vector_store %arg7[%swap3A_104, %swap3A_105], %broadcast_in_dim3A_103 {strides = array<i32>} : memref<16x64xf32, #tpu.memory_space<vmem>>, vector<16x64xf32>,
    } else {
    }
    %get3A = arith.constant 0 : index
    %get3A_2 = arith.constant 0 : index
    %get3A_3 = vector.load %arg1[%get3A, %get3A_2] : memref<1024x128xf32, #tpu.memory_space<vmem>>, vector<1024x128xf32>
    %get3A_4 = arith.constant 0 : index
    %get3A_5 = arith.constant 0 : index
    %get3A_6 = vector.load %arg2[%get3A_4, %get3A_5] : memref<1024x128xf32, #tpu.memory_space<vmem>>, vector<1024x128xf32>
    %get3A_7 = arith.constant 0 : index
    %get3A_8 = arith.constant 0 : index
    %get3A_9 = vector.load %arg3[%get3A_7, %get3A_8] : memref<1024x128xf32, #tpu.memory_space<vmem>>, vector<1024x128xf32>
    %get3A_10 = arith.constant 0 : index
    %get3A_11 = arith.constant 0 : index
    %get3A_12 = vector.load %arg4[%get3A_10, %get3A_11] : memref<1024x128xf32, #tpu.memory_space<vmem>>, vector<1024x128xf32>
    %get3A_13 = arith.constant 0 : index
    %get3A_14 = arith.constant 0 : index
    %get3A_15 = vector.load %arg5[%get3A_13, %get3A_14] : memref<1024x128xf32, #tpu.memory_space<vmem>>, vector<1024x128xf32>
    %sub3A = arith.subf %get3A_9, %get3A_6 : vector<1024x128xf32>
    %reduce_sum3A = arith.constant dense<0.000000e+00> : vector<128xf32>
    %reduce_sum3A_16 = vector.multi_reduction <add>, %get3A_3, %reduce_sum3A [0] : vector<1024x128xf32> to vector<128xf32>
    %broadcast_in_dim3A = vector.shape_cast %reduce_sum3A_16 : vector<128xf32> to vector<1x128xf32>
    %slice3A = vector.extract_strided_slice %broadcast_in_dim3A {offsets = [0, 0], sizes = [1, 64], strides = [1, 1]} : vector<1x128xf32> to vector<1x64xf32>
    %slice3A_17 = vector.extract_strided_slice %broadcast_in_dim3A {offsets = [0, 64], sizes = [1, 64], strides = [1, 1]} : vector<1x128xf32> to vector<1x64xf32>
    %add3A = arith.addf %slice3A, %slice3A_17 : vector<1x64xf32>
    %reduce_sum3A_18 = arith.constant dense<0.000000e+00> : vector<128xf32>
    %reduce_sum3A_19 = vector.multi_reduction <add>, %get3A_6, %reduce_sum3A_18 [0] : vector<1024x128xf32> to vector<128xf32>
    %broadcast_in_dim3A_20 = vector.shape_cast %reduce_sum3A_19 : vector<128xf32> to vector<1x128xf32>
    %slice3A_21 = vector.extract_strided_slice %broadcast_in_dim3A_20 {offsets = [0, 0], sizes = [1, 64], strides = [1, 1]} : vector<1x128xf32> to vector<1x64xf32>
    %slice3A_22 = vector.extract_strided_slice %broadcast_in_dim3A_20 {offsets = [0, 64], sizes = [1, 64], strides = [1, 1]} : vector<1x128xf32> to vector<1x64xf32>
    %add3A_23 = arith.addf %slice3A_21, %slice3A_22 : vector<1x64xf32>
    %reduce_sum3A_24 = arith.constant dense<0.000000e+00> : vector<128xf32>
    %reduce_sum3A_25 = vector.multi_reduction <add>, %get3A_9, %reduce_sum3A_24 [0] : vector<1024x128xf32> to vector<128xf32>
    %broadcast_in_dim3A_26 = vector.shape_cast %reduce_sum3A_25 : vector<128xf32> to vector<1x128xf32>
    %slice3A_27 = vector.extract_strided_slice %broadcast_in_dim3A_26 {offsets = [0, 0], sizes = [1, 64], strides = [1, 1]} : vector<1x128xf32> to vector<1x64xf32>
    %slice3A_28 = vector.extract_strided_slice %broadcast_in_dim3A_26 {offsets = [0, 64], sizes = [1, 64], strides = [1, 1]} : vector<1x128xf32> to vector<1x64xf32>
    %add3A_29 = arith.addf %slice3A_27, %slice3A_28 : vector<1x64xf32>
    %reduce_sum3A_30 = arith.constant dense<0.000000e+00> : vector<128xf32>
    %reduce_sum3A_31 = vector.multi_reduction <add>, %get3A_12, %reduce_sum3A_30 [0] : vector<1024x128xf32> to vector<128xf32>
    %broadcast_in_dim3A_32 = vector.shape_cast %reduce_sum3A_31 : vector<128xf32> to vector<1x128xf32>
    %slice3A_33 = vector.extract_strided_slice %broadcast_in_dim3A_32 {offsets = [0, 0], sizes = [1, 64], strides = [1, 1]} : vector<1x128xf32> to vector<1x64xf32>
    %slice3A_34 = vector.extract_strided_slice %broadcast_in_dim3A_32 {offsets = [0, 64], sizes = [1, 64], strides = [1, 1]} : vector<1x128xf32> to vector<1x64xf32>
    %add3A_35 = arith.addf %slice3A_33, %slice3A_34 : vector<1x64xf32>
    %reduce_sum3A_36 = arith.constant dense<0.000000e+00> : vector<128xf32>
    %reduce_sum3A_37 = vector.multi_reduction <add>, %get3A_15, %reduce_sum3A_36 [0] : vector<1024x128xf32> to vector<128xf32>
    %broadcast_in_dim3A_38 = vector.shape_cast %reduce_sum3A_37 : vector<128xf32> to vector<1x128xf32>
    %slice3A_39 = vector.extract_strided_slice %broadcast_in_dim3A_38 {offsets = [0, 0], sizes = [1, 64], strides = [1, 1]} : vector<1x128xf32> to vector<1x64xf32>
    %slice3A_40 = vector.extract_strided_slice %broadcast_in_dim3A_38 {offsets = [0, 64], sizes = [1, 64], strides = [1, 1]} : vector<1x128xf32> to vector<1x64xf32>
    %add3A_41 = arith.addf %slice3A_39, %slice3A_40 : vector<1x64xf32>
    %mul3A = arith.mulf %get3A_3, %get3A_3 : vector<1024x128xf32>
    %reduce_sum3A_42 = arith.constant dense<0.000000e+00> : vector<128xf32>
    %reduce_sum3A_43 = vector.multi_reduction <add>, %mul3A, %reduce_sum3A_42 [0] : vector<1024x128xf32> to vector<128xf32>
    %broadcast_in_dim3A_44 = vector.shape_cast %reduce_sum3A_43 : vector<128xf32> to vector<1x128xf32>
    %slice3A_45 = vector.extract_strided_slice %broadcast_in_dim3A_44 {offsets = [0, 0], sizes = [1, 64], strides = [1, 1]} : vector<1x128xf32> to vector<1x64xf32>
    %slice3A_46 = vector.extract_strided_slice %broadcast_in_dim3A_44 {offsets = [0, 64], sizes = [1, 64], strides = [1, 1]} : vector<1x128xf32> to vector<1x64xf32>
    %add3A_47 = arith.addf %slice3A_45, %slice3A_46 : vector<1x64xf32>
    %mul3A_48 = arith.mulf %get3A_6, %get3A_6 : vector<1024x128xf32>
    %reduce_sum3A_49 = arith.constant dense<0.000000e+00> : vector<128xf32>
    %reduce_sum3A_50 = vector.multi_reduction <add>, %mul3A_48, %reduce_sum3A_49 [0] : vector<1024x128xf32> to vector<128xf32>
    %broadcast_in_dim3A_51 = vector.shape_cast %reduce_sum3A_50 : vector<128xf32> to vector<1x128xf32>
    %slice3A_52 = vector.extract_strided_slice %broadcast_in_dim3A_51 {offsets = [0, 0], sizes = [1, 64], strides = [1, 1]} : vector<1x128xf32> to vector<1x64xf32>
    %slice3A_53 = vector.extract_strided_slice %broadcast_in_dim3A_51 {offsets = [0, 64], sizes = [1, 64], strides = [1, 1]} : vector<1x128xf32> to vector<1x64xf32>
    %add3A_54 = arith.addf %slice3A_52, %slice3A_53 : vector<1x64xf32>
    %mul3A_55 = arith.mulf %get3A_9, %get3A_9 : vector<1024x128xf32>
    %reduce_sum3A_56 = arith.constant dense<0.000000e+00> : vector<128xf32>
    %reduce_sum3A_57 = vector.multi_reduction <add>, %mul3A_55, %reduce_sum3A_56 [0] : vector<1024x128xf32> to vector<128xf32>
    %broadcast_in_dim3A_58 = vector.shape_cast %reduce_sum3A_57 : vector<128xf32> to vector<1x128xf32>
    %slice3A_59 = vector.extract_strided_slice %broadcast_in_dim3A_58 {offsets = [0, 0], sizes = [1, 64], strides = [1, 1]} : vector<1x128xf32> to vector<1x64xf32>
    %slice3A_60 = vector.extract_strided_slice %broadcast_in_dim3A_58 {offsets = [0, 64], sizes = [1, 64], strides = [1, 1]} : vector<1x128xf32> to vector<1x64xf32>
    %add3A_61 = arith.addf %slice3A_59, %slice3A_60 : vector<1x64xf32>
    %mul3A_62 = arith.mulf %get3A_12, %get3A_12 : vector<1024x128xf32>
    %reduce_sum3A_63 = arith.constant dense<0.000000e+00> : vector<128xf32>
    %reduce_sum3A_64 = vector.multi_reduction <add>, %mul3A_62, %reduce_sum3A_63 [0] : vector<1024x128xf32> to vector<128xf32>
    %broadcast_in_dim3A_65 = vector.shape_cast %reduce_sum3A_64 : vector<128xf32> to vector<1x128xf32>
    %slice3A_66 = vector.extract_strided_slice %broadcast_in_dim3A_65 {offsets = [0, 0], sizes = [1, 64], strides = [1, 1]} : vector<1x128xf32> to vector<1x64xf32>
    %slice3A_67 = vector.extract_strided_slice %broadcast_in_dim3A_65 {offsets = [0, 64], sizes = [1, 64], strides = [1, 1]} : vector<1x128xf32> to vector<1x64xf32>
    %add3A_68 = arith.addf %slice3A_66, %slice3A_67 : vector<1x64xf32>
    %mul3A_69 = arith.mulf %get3A_15, %get3A_15 : vector<1024x128xf32>
    %reduce_sum3A_70 = arith.constant dense<0.000000e+00> : vector<128xf32>
    %reduce_sum3A_71 = vector.multi_reduction <add>, %mul3A_69, %reduce_sum3A_70 [0] : vector<1024x128xf32> to vector<128xf32>
    %broadcast_in_dim3A_72 = vector.shape_cast %reduce_sum3A_71 : vector<128xf32> to vector<1x128xf32>
    %slice3A_73 = vector.extract_strided_slice %broadcast_in_dim3A_72 {offsets = [0, 0], sizes = [1, 64], strides = [1, 1]} : vector<1x128xf32> to vector<1x64xf32>
    %slice3A_74 = vector.extract_strided_slice %broadcast_in_dim3A_72 {offsets = [0, 64], sizes = [1, 64], strides = [1, 1]} : vector<1x128xf32> to vector<1x64xf32>
    %add3A_75 = arith.addf %slice3A_73, %slice3A_74 : vector<1x64xf32>
    %reduce_sum3A_76 = arith.constant dense<0.000000e+00> : vector<128xf32>
    %reduce_sum3A_77 = vector.multi_reduction <add>, %sub3A, %reduce_sum3A_76 [0] : vector<1024x128xf32> to vector<128xf32>
    %broadcast_in_dim3A_78 = vector.shape_cast %reduce_sum3A_77 : vector<128xf32> to vector<1x128xf32>
    %slice3A_79 = vector.extract_strided_slice %broadcast_in_dim3A_78 {offsets = [0, 0], sizes = [1, 64], strides = [1, 1]} : vector<1x128xf32> to vector<1x64xf32>
    %slice3A_80 = vector.extract_strided_slice %broadcast_in_dim3A_78 {offsets = [0, 64], sizes = [1, 64], strides = [1, 1]} : vector<1x128xf32> to vector<1x64xf32>
    %add3A_81 = arith.addf %slice3A_79, %slice3A_80 : vector<1x64xf32>
    %mul3A_82 = arith.mulf %sub3A, %sub3A : vector<1024x128xf32>
    %reduce_sum3A_83 = arith.constant dense<0.000000e+00> : vector<128xf32>
    %reduce_sum3A_84 = vector.multi_reduction <add>, %mul3A_82, %reduce_sum3A_83 [0] : vector<1024x128xf32> to vector<128xf32>
    %broadcast_in_dim3A_85 = vector.shape_cast %reduce_sum3A_84 : vector<128xf32> to vector<1x128xf32>
    %slice3A_86 = vector.extract_strided_slice %broadcast_in_dim3A_85 {offsets = [0, 0], sizes = [1, 64], strides = [1, 1]} : vector<1x128xf32> to vector<1x64xf32>
    %slice3A_87 = vector.extract_strided_slice %broadcast_in_dim3A_85 {offsets = [0, 64], sizes = [1, 64], strides = [1, 1]} : vector<1x128xf32> to vector<1x64xf32>
    %add3A_88 = arith.addf %slice3A_86, %slice3A_87 : vector<1x64xf32>
    %broadcast_in_dim3A_89 = arith.constant 0.000000e+00 : f32
    %broadcast_in_dim3A_90 = vector.broadcast %broadcast_in_dim3A_89 : f32 to vector<4x64xf32>
    %get3A_91 = arith.constant 0 : index
    %get3A_92 = arith.constant 0 : index
    %get3A_93 = vector.load %arg7[%get3A_91, %get3A_92] : memref<16x64xf32, #tpu.memory_space<vmem>>, vector<16x64xf32>
    %concatenate3A = tpu.concatenate %add3A, %add3A_23, %add3A_29, %add3A_35, %add3A_41, %add3A_47, %add3A_54, %add3A_61, %add3A_68, %add3A_75, %add3A_81, %add3A_88, %broadcast_in_dim3A_90 in 0 : vector<1x64xf32>, vector<1x64xf32>, vector<1x64xf32>, vector<1x64xf32>, vector<1x64xf32>, vector<1x64xf32>, vector<1x64xf32>, vector<1x64xf32>, vector<1x64xf32>, vector<1x64xf32>, vector<1x64xf32>, vector<1x64xf32>, vector<4x64xf32> -> vector<16x64xf32>
    %add3A_94 = arith.addf %get3A_93, %concatenate3A : vector<16x64xf32>
    %swap3A = arith.constant 0 : index
    %swap3A_95 = arith.constant 0 : index
    %swap3A_96 = vector.load %arg7[%swap3A, %swap3A_95] : memref<16x64xf32, #tpu.memory_space<vmem>>, vector<16x64xf32>
    tpu.vector_store %arg7[%swap3A, %swap3A_95], %add3A_94 {strides = array<i32>} : memref<16x64xf32, #tpu.memory_space<vmem>>, vector<16x64xf32>,
    %eq3A_97 = arith.constant 7 : i32
    %eq3A_98 = arith.cmpi eq, %arg0, %eq3A_97 : i32
    %convert_element_type3A_99 = arith.extui %eq3A_98 : i1 to i32
    %cond3A_100 = arith.constant 0 : i32
    %cond3A_101 = arith.cmpi ne, %convert_element_type3A_99, %cond3A_100 : i32
    scf.if %cond3A_101 {
      %get3A_102 = arith.constant 0 : index
      %get3A_103 = arith.constant 0 : index
      %get3A_104 = vector.load %arg7[%get3A_102, %get3A_103] : memref<16x64xf32, #tpu.memory_space<vmem>>, vector<16x64xf32>
      %swap3A_105 = arith.constant 0 : index
      %swap3A_106 = arith.constant 0 : index
      %swap3A_107 = vector.load %arg6[%swap3A_105, %swap3A_106] : memref<16x64xf32, #tpu.memory_space<vmem>>, vector<16x64xf32>
      tpu.vector_store %arg6[%swap3A_105, %swap3A_106], %get3A_104 {strides = array<i32>} : memref<16x64xf32, #tpu.memory_space<vmem>>, vector<16x64xf32>,
    } else {
    }
    return
  }
  func.func @transform_0(%arg0: i32) -> (i32, i32) {
    %c0_i32 = arith.constant 0 : i32
    %c0_i32_0 = arith.constant 0 : i32
    return %arg0, %c0_i32 : i32, i32
  }
  func.func @transform_1(%arg0: i32) -> (i32, i32) {
    %c0_i32 = arith.constant 0 : i32
    %c0_i32_0 = arith.constant 0 : i32
    return %arg0, %c0_i32 : i32, i32
  }
  func.func @transform_2(%arg0: i32) -> (i32, i32) {
    %c0_i32 = arith.constant 0 : i32
    %c0_i32_0 = arith.constant 0 : i32
    return %arg0, %c0_i32 : i32, i32
  }
  func.func @transform_3(%arg0: i32) -> (i32, i32) {
    %c0_i32 = arith.constant 0 : i32
    %c0_i32_0 = arith.constant 0 : i32
    return %arg0, %c0_i32 : i32, i32
  }
  func.func @transform_4(%arg0: i32) -> (i32, i32) {
    %c0_i32 = arith.constant 0 : i32
    %c0_i32_0 = arith.constant 0 : i32
    return %arg0, %c0_i32 : i32, i32
  }
  func.func @transform_5(%arg0: i32) -> (i32, i32) {
    %c0_i32 = arith.constant 0 : i32
    %c0_i32_0 = arith.constant 0 : i32
    %c0_i32_1 = arith.constant 0 : i32
    return %c0_i32, %c0_i32_0 : i32, i32
  }
}

module attributes {stable_mosaic.version = 14 : i64} {
  func.func @_final_body(%arg0: i32, %arg1: memref<16x64xf32, #tpu.memory_space<vmem>>, %arg2: memref<16x128xf32, #tpu.memory_space<vmem>>, %arg3: memref<1024x128xf32, #tpu.memory_space<vmem>>, %arg4: memref<1024x128xf32, #tpu.memory_space<vmem>>, %arg5: memref<1024x128xf32, #tpu.memory_space<vmem>>, %arg6: memref<1024x128xf32, #tpu.memory_space<vmem>>, %arg7: memref<1024x128xf32, #tpu.memory_space<vmem>>, %arg8: memref<4x64xf32, #tpu.memory_space<vmem>>, %arg9: memref<4x64xf32, #tpu.memory_space<vmem>>, %arg10: memref<4x64xf32, #tpu.memory_space<vmem>>, %arg11: memref<1x1xf32, #tpu.memory_space<vmem>>, %arg12: memref<2x64xf32, #tpu.memory_space<vmem>>, %arg13: memref<2x64xf32, #tpu.memory_space<vmem>>, %arg14: memref<2x64xf32, #tpu.memory_space<vmem>>, %arg15: memref<1x1xf32, #tpu.memory_space<vmem>>, %arg16: memref<1x3xf32, #tpu.memory_space<vmem>>, %arg17: memref<16x128xf32, #tpu.memory_space<vmem>>, %arg18: memref<16x128xf32, #tpu.memory_space<vmem>>, %arg19: memref<16x128xf32, #tpu.memory_space<vmem>>, %arg20: memref<16x128xf32, #tpu.memory_space<vmem>>) attributes {dimension_semantics = [#tpu.dimension_semantics<arbitrary>], iteration_bounds = array<i64: 8>, scalar_prefetch = 0 : i64, scratch_operands = 0 : i64, tpu.core_type = #tpu.core_type<tc>, window_params = [{pipeline_mode = #tpu.pipeline_mode<synchronous>, transform_indices = @transform_0, window_bounds = array<i64: 16, 64>}, {transform_indices = @transform_1, window_bounds = array<i64: 16, 128>}, {transform_indices = @transform_2, window_bounds = array<i64: 1024, 128>}, {transform_indices = @transform_3, window_bounds = array<i64: 1024, 128>}, {transform_indices = @transform_4, window_bounds = array<i64: 1024, 128>}, {transform_indices = @transform_5, window_bounds = array<i64: 1024, 128>}, {transform_indices = @transform_6, window_bounds = array<i64: 1024, 128>}, {pipeline_mode = #tpu.pipeline_mode<synchronous>, transform_indices = @transform_7, window_bounds = array<i64: 4, 64>}, {pipeline_mode = #tpu.pipeline_mode<synchronous>, transform_indices = @transform_8, window_bounds = array<i64: 4, 64>}, {pipeline_mode = #tpu.pipeline_mode<synchronous>, transform_indices = @transform_9, window_bounds = array<i64: 4, 64>}, {pipeline_mode = #tpu.pipeline_mode<synchronous>, transform_indices = @transform_10, window_bounds = array<i64: 1, 1>}, {pipeline_mode = #tpu.pipeline_mode<synchronous>, transform_indices = @transform_11, window_bounds = array<i64: 2, 64>}, {pipeline_mode = #tpu.pipeline_mode<synchronous>, transform_indices = @transform_12, window_bounds = array<i64: 2, 64>}, {pipeline_mode = #tpu.pipeline_mode<synchronous>, transform_indices = @transform_13, window_bounds = array<i64: 2, 64>}, {pipeline_mode = #tpu.pipeline_mode<synchronous>, transform_indices = @transform_14, window_bounds = array<i64: 1, 1>}, {pipeline_mode = #tpu.pipeline_mode<synchronous>, transform_indices = @transform_15, window_bounds = array<i64: 1, 3>}, {transform_indices = @transform_16, window_bounds = array<i64: 16, 128>}, {transform_indices = @transform_17, window_bounds = array<i64: 16, 128>}, {transform_indices = @transform_18, window_bounds = array<i64: 16, 128>}, {transform_indices = @transform_19, window_bounds = array<i64: 16, 128>}]} {
    %get3A = arith.constant 0 : index
    %get3A_0 = arith.constant 0 : index
    %get3A_1 = vector.load %arg1[%get3A, %get3A_0] : memref<16x64xf32, #tpu.memory_space<vmem>>, vector<16x64xf32>
    %slice3A = vector.extract_strided_slice %get3A_1 {offsets = [0, 0], sizes = [5, 64], strides = [1, 1]} : vector<16x64xf32> to vector<5x64xf32>
    %mul3A = arith.constant 6.10351563E-5 : f32
    %mul3A_2 = vector.broadcast %mul3A : f32 to vector<5x64xf32>
    %mul3A_3 = arith.mulf %slice3A, %mul3A_2 : vector<5x64xf32>
    %slice3A_4 = vector.extract_strided_slice %get3A_1 {offsets = [5, 0], sizes = [5, 64], strides = [1, 1]} : vector<16x64xf32> to vector<5x64xf32>
    %mul3A_5 = arith.constant 6.10351563E-5 : f32
    %mul3A_6 = vector.broadcast %mul3A_5 : f32 to vector<5x64xf32>
    %mul3A_7 = arith.mulf %slice3A_4, %mul3A_6 : vector<5x64xf32>
    %slice3A_8 = vector.extract_strided_slice %get3A_1 {offsets = [10, 0], sizes = [1, 64], strides = [1, 1]} : vector<16x64xf32> to vector<1x64xf32>
    %mul3A_9 = arith.constant 6.10351563E-5 : f32
    %mul3A_10 = vector.broadcast %mul3A_9 : f32 to vector<1x64xf32>
    %mul3A_11 = arith.mulf %slice3A_8, %mul3A_10 : vector<1x64xf32>
    %slice3A_12 = vector.extract_strided_slice %get3A_1 {offsets = [11, 0], sizes = [1, 64], strides = [1, 1]} : vector<16x64xf32> to vector<1x64xf32>
    %mul3A_13 = arith.constant 6.10351563E-5 : f32
    %mul3A_14 = vector.broadcast %mul3A_13 : f32 to vector<1x64xf32>
    %mul3A_15 = arith.mulf %slice3A_12, %mul3A_14 : vector<1x64xf32>
    %mul3A_16 = arith.mulf %mul3A_3, %mul3A_3 : vector<5x64xf32>
    %sub3A = arith.subf %mul3A_7, %mul3A_16 : vector<5x64xf32>
    %mul3A_17 = arith.mulf %mul3A_11, %mul3A_11 : vector<1x64xf32>
    %sub3A_18 = arith.subf %mul3A_15, %mul3A_17 : vector<1x64xf32>
    %slice3A_19 = vector.extract_strided_slice %mul3A_3 {offsets = [0, 0], sizes = [1, 64], strides = [1, 1]} : vector<5x64xf32> to vector<1x64xf32>
    %slice3A_20 = vector.extract_strided_slice %mul3A_3 {offsets = [1, 0], sizes = [1, 64], strides = [1, 1]} : vector<5x64xf32> to vector<1x64xf32>
    %slice3A_21 = vector.extract_strided_slice %mul3A_3 {offsets = [2, 0], sizes = [1, 64], strides = [1, 1]} : vector<5x64xf32> to vector<1x64xf32>
    %concatenate3A = tpu.concatenate %mul3A_11, %slice3A_19, %slice3A_20, %slice3A_21 in 0 : vector<1x64xf32>, vector<1x64xf32>, vector<1x64xf32>, vector<1x64xf32> -> vector<4x64xf32>
    %slice3A_22 = vector.extract_strided_slice %sub3A {offsets = [0, 0], sizes = [1, 64], strides = [1, 1]} : vector<5x64xf32> to vector<1x64xf32>
    %slice3A_23 = vector.extract_strided_slice %sub3A {offsets = [1, 0], sizes = [1, 64], strides = [1, 1]} : vector<5x64xf32> to vector<1x64xf32>
    %slice3A_24 = vector.extract_strided_slice %sub3A {offsets = [2, 0], sizes = [1, 64], strides = [1, 1]} : vector<5x64xf32> to vector<1x64xf32>
    %concatenate3A_25 = tpu.concatenate %sub3A_18, %slice3A_22, %slice3A_23, %slice3A_24 in 0 : vector<1x64xf32>, vector<1x64xf32>, vector<1x64xf32>, vector<1x64xf32> -> vector<4x64xf32>
    %get3A_26 = arith.constant 0 : index
    %get3A_27 = arith.constant 0 : index
    %get3A_28 = vector.load %arg10[%get3A_26, %get3A_27] : memref<4x64xf32, #tpu.memory_space<vmem>>, vector<4x64xf32>
    %get3A_29 = arith.constant 0 : index
    %get3A_30 = arith.constant 0 : index
    %get3A_31 = vector.load %arg8[%get3A_29, %get3A_30] : memref<4x64xf32, #tpu.memory_space<vmem>>, vector<4x64xf32>
    %mul3A_32 = arith.mulf %get3A_31, %get3A_28 : vector<4x64xf32>
    %add3A = arith.constant 9.99999974E-6 : f32
    %add3A_33 = vector.broadcast %add3A : f32 to vector<4x64xf32>
    %add3A_34 = arith.addf %concatenate3A_25, %add3A_33 : vector<4x64xf32>
    %rsqrt3A = math.rsqrt %add3A_34 : vector<4x64xf32>
    %mul3A_35 = arith.mulf %mul3A_32, %rsqrt3A : vector<4x64xf32>
    %get3A_36 = arith.constant 0 : index
    %get3A_37 = arith.constant 0 : index
    %get3A_38 = vector.load %arg9[%get3A_36, %get3A_37] : memref<4x64xf32, #tpu.memory_space<vmem>>, vector<4x64xf32>
    %mul3A_39 = arith.mulf %get3A_38, %get3A_28 : vector<4x64xf32>
    %reduce_sum3A = vector.shape_cast %mul3A_39 : vector<4x64xf32> to vector<1x4x64xf32>
    %reduce_sum3A_40 = arith.constant dense<0.000000e+00> : vector<1xf32>
    %reduce_sum3A_41 = vector.multi_reduction <add>, %reduce_sum3A, %reduce_sum3A_40 [1, 2] : vector<1x4x64xf32> to vector<1xf32>
    %reduce_sum3A_42 = vector.shape_cast %reduce_sum3A_41 : vector<1xf32> to vector<1x1x1xf32>
    %reduce_sum3A_43 = vector.extract %reduce_sum3A_42[0, 0, 0] : f32 from vector<1x1x1xf32>
    %mul3A_44 = arith.mulf %concatenate3A, %mul3A_35 : vector<4x64xf32>
    %reduce_sum3A_45 = vector.shape_cast %mul3A_44 : vector<4x64xf32> to vector<1x4x64xf32>
    %reduce_sum3A_46 = arith.constant dense<0.000000e+00> : vector<1xf32>
    %reduce_sum3A_47 = vector.multi_reduction <add>, %reduce_sum3A_45, %reduce_sum3A_46 [1, 2] : vector<1x4x64xf32> to vector<1xf32>
    %reduce_sum3A_48 = vector.shape_cast %reduce_sum3A_47 : vector<1xf32> to vector<1x1x1xf32>
    %reduce_sum3A_49 = vector.extract %reduce_sum3A_48[0, 0, 0] : f32 from vector<1x1x1xf32>
    %sub3A_50 = arith.subf %reduce_sum3A_43, %reduce_sum3A_49 : f32
    %get3A_51 = arith.constant 0 : index
    %get3A_52 = arith.constant 0 : index
    %get3A_53 = vector.load %arg11[%get3A_51, %get3A_52] : memref<1x1xf32, #tpu.memory_space<vmem>>, vector<1x1xf32>
    %add3A_54 = vector.broadcast %sub3A_50 : f32 to vector<1x1xf32>
    %add3A_55 = arith.addf %add3A_54, %get3A_53 : vector<1x1xf32>
    %get3A_56 = arith.constant 0 : index
    %get3A_57 = arith.constant 0 : index
    %get3A_58 = vector.load %arg14[%get3A_56, %get3A_57] : memref<2x64xf32, #tpu.memory_space<vmem>>, vector<2x64xf32>
    %get3A_59 = arith.constant 0 : index
    %get3A_60 = arith.constant 0 : index
    %get3A_61 = vector.load %arg12[%get3A_59, %get3A_60] : memref<2x64xf32, #tpu.memory_space<vmem>>, vector<2x64xf32>
    %mul3A_62 = arith.mulf %get3A_61, %get3A_58 : vector<2x64xf32>
    %slice3A_63 = vector.extract_strided_slice %sub3A {offsets = [3, 0], sizes = [2, 64], strides = [1, 1]} : vector<5x64xf32> to vector<2x64xf32>
    %add3A_64 = arith.constant 9.99999974E-6 : f32
    %add3A_65 = vector.broadcast %add3A_64 : f32 to vector<2x64xf32>
    %add3A_66 = arith.addf %slice3A_63, %add3A_65 : vector<2x64xf32>
    %rsqrt3A_67 = math.rsqrt %add3A_66 : vector<2x64xf32>
    %mul3A_68 = arith.mulf %mul3A_62, %rsqrt3A_67 : vector<2x64xf32>
    %get3A_69 = arith.constant 0 : index
    %get3A_70 = arith.constant 0 : index
    %get3A_71 = vector.load %arg13[%get3A_69, %get3A_70] : memref<2x64xf32, #tpu.memory_space<vmem>>, vector<2x64xf32>
    %mul3A_72 = arith.mulf %get3A_71, %get3A_58 : vector<2x64xf32>
    %reduce_sum3A_73 = vector.shape_cast %mul3A_72 : vector<2x64xf32> to vector<1x2x64xf32>
    %reduce_sum3A_74 = arith.constant dense<0.000000e+00> : vector<1xf32>
    %reduce_sum3A_75 = vector.multi_reduction <add>, %reduce_sum3A_73, %reduce_sum3A_74 [1, 2] : vector<1x2x64xf32> to vector<1xf32>
    %reduce_sum3A_76 = vector.shape_cast %reduce_sum3A_75 : vector<1xf32> to vector<1x1x1xf32>
    %reduce_sum3A_77 = vector.extract %reduce_sum3A_76[0, 0, 0] : f32 from vector<1x1x1xf32>
    %slice3A_78 = vector.extract_strided_slice %mul3A_3 {offsets = [3, 0], sizes = [2, 64], strides = [1, 1]} : vector<5x64xf32> to vector<2x64xf32>
    %mul3A_79 = arith.mulf %slice3A_78, %mul3A_68 : vector<2x64xf32>
    %reduce_sum3A_80 = vector.shape_cast %mul3A_79 : vector<2x64xf32> to vector<1x2x64xf32>
    %reduce_sum3A_81 = arith.constant dense<0.000000e+00> : vector<1xf32>
    %reduce_sum3A_82 = vector.multi_reduction <add>, %reduce_sum3A_80, %reduce_sum3A_81 [1, 2] : vector<1x2x64xf32> to vector<1xf32>
    %reduce_sum3A_83 = vector.shape_cast %reduce_sum3A_82 : vector<1xf32> to vector<1x1x1xf32>
    %reduce_sum3A_84 = vector.extract %reduce_sum3A_83[0, 0, 0] : f32 from vector<1x1x1xf32>
    %sub3A_85 = arith.subf %reduce_sum3A_77, %reduce_sum3A_84 : f32
    %get3A_86 = arith.constant 0 : index
    %get3A_87 = arith.constant 0 : index
    %get3A_88 = vector.load %arg15[%get3A_86, %get3A_87] : memref<1x1xf32, #tpu.memory_space<vmem>>, vector<1x1xf32>
    %add3A_89 = vector.broadcast %sub3A_85 : f32 to vector<1x1xf32>
    %add3A_90 = arith.addf %add3A_89, %get3A_88 : vector<1x1xf32>
    %get3A_91 = arith.constant 0 : index
    %get3A_92 = arith.constant 0 : index
    %get3A_93 = vector.load %arg16[%get3A_91, %get3A_92] : memref<1x3xf32, #tpu.memory_space<vmem>>, vector<1x3xf32>
    %reduce_max3A = vector.shape_cast %get3A_93 : vector<1x3xf32> to vector<1x1x3xf32>
    %reduce_max3A_94 = arith.constant dense<0xFF800000> : vector<1xf32>
    %reduce_max3A_95 = vector.multi_reduction <maximumf>, %reduce_max3A, %reduce_max3A_94 [1, 2] : vector<1x1x3xf32> to vector<1xf32>
    %reduce_max3A_96 = vector.shape_cast %reduce_max3A_95 : vector<1xf32> to vector<1x1x1xf32>
    %reduce_max3A_97 = vector.extract %reduce_max3A_96[0, 0, 0] : f32 from vector<1x1x1xf32>
    %sub3A_98 = vector.broadcast %reduce_max3A_97 : f32 to vector<1x3xf32>
    %sub3A_99 = arith.subf %get3A_93, %sub3A_98 : vector<1x3xf32>
    %exp3A = math.exp %sub3A_99 : vector<1x3xf32>
    %reduce_sum3A_100 = vector.shape_cast %exp3A : vector<1x3xf32> to vector<1x1x3xf32>
    %reduce_sum3A_101 = arith.constant dense<0.000000e+00> : vector<1xf32>
    %reduce_sum3A_102 = vector.multi_reduction <add>, %reduce_sum3A_100, %reduce_sum3A_101 [1, 2] : vector<1x1x3xf32> to vector<1xf32>
    %reduce_sum3A_103 = vector.shape_cast %reduce_sum3A_102 : vector<1xf32> to vector<1x1x1xf32>
    %reduce_sum3A_104 = vector.extract %reduce_sum3A_103[0, 0, 0] : f32 from vector<1x1x1xf32>
    %div3A = vector.broadcast %reduce_sum3A_104 : f32 to vector<1x3xf32>
    %div3A_105 = arith.divf %exp3A, %div3A : vector<1x3xf32>
    %slice3A_106 = vector.extract_strided_slice %div3A_105 {offsets = [0, 0], sizes = [1, 1], strides = [1, 1]} : vector<1x3xf32> to vector<1x1xf32>
    %slice3A_107 = vector.extract_strided_slice %div3A_105 {offsets = [0, 1], sizes = [1, 1], strides = [1, 1]} : vector<1x3xf32> to vector<1x1xf32>
    %slice3A_108 = vector.extract_strided_slice %div3A_105 {offsets = [0, 2], sizes = [1, 1], strides = [1, 1]} : vector<1x3xf32> to vector<1x1xf32>
    %concatenate3A_109 = tpu.concatenate %mul3A_35, %mul3A_35 in 1 : vector<4x64xf32>, vector<4x64xf32> -> vector<4x128xf32>
    %concatenate3A_110 = tpu.concatenate %mul3A_68, %mul3A_68 in 1 : vector<2x64xf32>, vector<2x64xf32> -> vector<2x128xf32>
    %get3A_111 = arith.constant 0 : index
    %get3A_112 = arith.constant 0 : index
    %get3A_113 = vector.load %arg3[%get3A_111, %get3A_112] : memref<1024x128xf32, #tpu.memory_space<vmem>>, vector<1024x128xf32>
    %get3A_114 = arith.constant 0 : index
    %get3A_115 = arith.constant 0 : index
    %get3A_116 = vector.load %arg4[%get3A_114, %get3A_115] : memref<1024x128xf32, #tpu.memory_space<vmem>>, vector<1024x128xf32>
    %get3A_117 = arith.constant 0 : index
    %get3A_118 = arith.constant 0 : index
    %get3A_119 = vector.load %arg5[%get3A_117, %get3A_118] : memref<1024x128xf32, #tpu.memory_space<vmem>>, vector<1024x128xf32>
    %sub3A_120 = arith.subf %get3A_119, %get3A_116 : vector<1024x128xf32>
    %slice3A_121 = vector.extract_strided_slice %concatenate3A_109 {offsets = [0, 0], sizes = [1, 128], strides = [1, 1]} : vector<4x128xf32> to vector<1x128xf32>
    %mul3A_122 = vector.broadcast %slice3A_121 : vector<1x128xf32> to vector<1024x128xf32>
    %mul3A_123 = arith.mulf %sub3A_120, %mul3A_122 : vector<1024x128xf32>
    %slice3A_124 = vector.extract_strided_slice %concatenate3A_109 {offsets = [1, 0], sizes = [1, 128], strides = [1, 1]} : vector<4x128xf32> to vector<1x128xf32>
    %mul3A_125 = vector.broadcast %slice3A_124 : vector<1x128xf32> to vector<1024x128xf32>
    %mul3A_126 = arith.mulf %get3A_113, %mul3A_125 : vector<1024x128xf32>
    %add3A_127 = arith.addf %mul3A_123, %mul3A_126 : vector<1024x128xf32>
    %slice3A_128 = vector.extract_strided_slice %concatenate3A_109 {offsets = [2, 0], sizes = [1, 128], strides = [1, 1]} : vector<4x128xf32> to vector<1x128xf32>
    %mul3A_129 = vector.broadcast %slice3A_128 : vector<1x128xf32> to vector<1024x128xf32>
    %mul3A_130 = arith.mulf %get3A_116, %mul3A_129 : vector<1024x128xf32>
    %add3A_131 = arith.addf %add3A_127, %mul3A_130 : vector<1024x128xf32>
    %slice3A_132 = vector.extract_strided_slice %concatenate3A_109 {offsets = [3, 0], sizes = [1, 128], strides = [1, 1]} : vector<4x128xf32> to vector<1x128xf32>
    %mul3A_133 = vector.broadcast %slice3A_132 : vector<1x128xf32> to vector<1024x128xf32>
    %mul3A_134 = arith.mulf %get3A_119, %mul3A_133 : vector<1024x128xf32>
    %add3A_135 = arith.addf %add3A_131, %mul3A_134 : vector<1024x128xf32>
    %get3A_136 = arith.constant 0 : index
    %get3A_137 = arith.constant 0 : index
    %get3A_138 = vector.load %arg6[%get3A_136, %get3A_137] : memref<1024x128xf32, #tpu.memory_space<vmem>>, vector<1024x128xf32>
    %slice3A_139 = vector.extract_strided_slice %concatenate3A_110 {offsets = [0, 0], sizes = [1, 128], strides = [1, 1]} : vector<2x128xf32> to vector<1x128xf32>
    %mul3A_140 = vector.broadcast %slice3A_139 : vector<1x128xf32> to vector<1024x128xf32>
    %mul3A_141 = arith.mulf %get3A_138, %mul3A_140 : vector<1024x128xf32>
    %get3A_142 = arith.constant 0 : index
    %get3A_143 = arith.constant 0 : index
    %get3A_144 = vector.load %arg7[%get3A_142, %get3A_143] : memref<1024x128xf32, #tpu.memory_space<vmem>>, vector<1024x128xf32>
    %slice3A_145 = vector.extract_strided_slice %concatenate3A_110 {offsets = [1, 0], sizes = [1, 128], strides = [1, 1]} : vector<2x128xf32> to vector<1x128xf32>
    %mul3A_146 = vector.broadcast %slice3A_145 : vector<1x128xf32> to vector<1024x128xf32>
    %mul3A_147 = arith.mulf %get3A_144, %mul3A_146 : vector<1024x128xf32>
    %add3A_148 = arith.addf %mul3A_141, %mul3A_147 : vector<1024x128xf32>
    %slice3A_149 = vector.extract_strided_slice %add3A_135 {offsets = [0, 0], sizes = [1024, 64], strides = [1, 1]} : vector<1024x128xf32> to vector<1024x64xf32>
    %reduce_sum3A_150 = arith.constant dense<0.000000e+00> : vector<1024xf32>
    %reduce_sum3A_151 = vector.multi_reduction <add>, %slice3A_149, %reduce_sum3A_150 [1] : vector<1024x64xf32> to vector<1024xf32>
    %broadcast_in_dim3A = vector.shape_cast %reduce_sum3A_151 : vector<1024xf32> to vector<1024x1xf32>
    %slice3A_152 = vector.extract_strided_slice %add3A_135 {offsets = [0, 64], sizes = [1024, 64], strides = [1, 1]} : vector<1024x128xf32> to vector<1024x64xf32>
    %reduce_sum3A_153 = arith.constant dense<0.000000e+00> : vector<1024xf32>
    %reduce_sum3A_154 = vector.multi_reduction <add>, %slice3A_152, %reduce_sum3A_153 [1] : vector<1024x64xf32> to vector<1024xf32>
    %broadcast_in_dim3A_155 = vector.shape_cast %reduce_sum3A_154 : vector<1024xf32> to vector<1024x1xf32>
    %slice3A_156 = vector.extract_strided_slice %add3A_148 {offsets = [0, 0], sizes = [1024, 64], strides = [1, 1]} : vector<1024x128xf32> to vector<1024x64xf32>
    %reduce_sum3A_157 = arith.constant dense<0.000000e+00> : vector<1024xf32>
    %reduce_sum3A_158 = vector.multi_reduction <add>, %slice3A_156, %reduce_sum3A_157 [1] : vector<1024x64xf32> to vector<1024xf32>
    %broadcast_in_dim3A_159 = vector.shape_cast %reduce_sum3A_158 : vector<1024xf32> to vector<1024x1xf32>
    %slice3A_160 = vector.extract_strided_slice %add3A_148 {offsets = [0, 64], sizes = [1024, 64], strides = [1, 1]} : vector<1024x128xf32> to vector<1024x64xf32>
    %reduce_sum3A_161 = arith.constant dense<0.000000e+00> : vector<1024xf32>
    %reduce_sum3A_162 = vector.multi_reduction <add>, %slice3A_160, %reduce_sum3A_161 [1] : vector<1024x64xf32> to vector<1024xf32>
    %broadcast_in_dim3A_163 = vector.shape_cast %reduce_sum3A_162 : vector<1024xf32> to vector<1024x1xf32>
    %iota3A = tpu.iota {dimensions = array<i32: 1>} : vector<64x128xi32>
    %iota3A_164 = tpu.iota {dimensions = array<i32: 0>} : vector<64x128xi32>
    %mul3A_165 = arith.constant 2 : i32
    %mul3A_166 = vector.broadcast %mul3A_165 : i32 to vector<64x128xi32>
    %mul3A_167 = arith.muli %mul3A_166, %iota3A_164 : vector<64x128xi32>
    %eq3A = arith.cmpi eq, %iota3A, %mul3A_167 : vector<64x128xi32>
    %convert_element_type3A = arith.extui %eq3A : vector<64x128xi1> to vector<64x128xi32>
    %convert_element_type3A_168 = arith.sitofp %convert_element_type3A : vector<64x128xi32> to vector<64x128xf32>
    %mul3A_169 = arith.constant 2 : i32
    %mul3A_170 = vector.broadcast %mul3A_169 : i32 to vector<64x128xi32>
    %mul3A_171 = arith.muli %mul3A_170, %iota3A_164 : vector<64x128xi32>
    %add3A_172 = arith.constant 1 : i32
    %add3A_173 = vector.broadcast %add3A_172 : i32 to vector<64x128xi32>
    %add3A_174 = arith.addi %mul3A_171, %add3A_173 : vector<64x128xi32>
    %eq3A_175 = arith.cmpi eq, %iota3A, %add3A_174 : vector<64x128xi32>
    %convert_element_type3A_176 = arith.extui %eq3A_175 : vector<64x128xi1> to vector<64x128xi32>
    %convert_element_type3A_177 = arith.sitofp %convert_element_type3A_176 : vector<64x128xi32> to vector<64x128xf32>
    %reshape3A = vector.shape_cast %broadcast_in_dim3A : vector<1024x1xf32> to vector<16x64xf32>
    %reshape3A_178 = vector.shape_cast %broadcast_in_dim3A_155 : vector<1024x1xf32> to vector<16x64xf32>
    %dot_general3A = arith.constant dense<0.000000e+00> : vector<16x128xf32>
    %dot_general3A_179 = tpu.matmul %reshape3A, %convert_element_type3A_168, %dot_general3A {dimension_numbers = #tpu.dot_dimension_numbers<[1], [0], [0], [1], [0, 0, 1, 1], [], []>, transpose_lhs_hint = false} : vector<16x64xf32>, vector<64x128xf32>, vector<16x128xf32> -> vector<16x128xf32>
    %dot_general3A_180 = arith.constant dense<0.000000e+00> : vector<16x128xf32>
    %dot_general3A_181 = tpu.matmul %reshape3A_178, %convert_element_type3A_177, %dot_general3A_180 {dimension_numbers = #tpu.dot_dimension_numbers<[1], [0], [0], [1], [0, 0, 1, 1], [], []>, transpose_lhs_hint = false} : vector<16x64xf32>, vector<64x128xf32>, vector<16x128xf32> -> vector<16x128xf32>
    %add3A_182 = arith.addf %dot_general3A_179, %dot_general3A_181 : vector<16x128xf32>
    %reshape3A_183 = vector.shape_cast %broadcast_in_dim3A_159 : vector<1024x1xf32> to vector<16x64xf32>
    %reshape3A_184 = vector.shape_cast %broadcast_in_dim3A_163 : vector<1024x1xf32> to vector<16x64xf32>
    %dot_general3A_185 = arith.constant dense<0.000000e+00> : vector<16x128xf32>
    %dot_general3A_186 = tpu.matmul %reshape3A_183, %convert_element_type3A_168, %dot_general3A_185 {dimension_numbers = #tpu.dot_dimension_numbers<[1], [0], [0], [1], [0, 0, 1, 1], [], []>, transpose_lhs_hint = false} : vector<16x64xf32>, vector<64x128xf32>, vector<16x128xf32> -> vector<16x128xf32>
    %dot_general3A_187 = arith.constant dense<0.000000e+00> : vector<16x128xf32>
    %dot_general3A_188 = tpu.matmul %reshape3A_184, %convert_element_type3A_177, %dot_general3A_187 {dimension_numbers = #tpu.dot_dimension_numbers<[1], [0], [0], [1], [0, 0, 1, 1], [], []>, transpose_lhs_hint = false} : vector<16x64xf32>, vector<64x128xf32>, vector<16x128xf32> -> vector<16x128xf32>
    %add3A_189 = arith.addf %dot_general3A_186, %dot_general3A_188 : vector<16x128xf32>
    %add3A_190 = vector.broadcast %add3A_55 : vector<1x1xf32> to vector<16x128xf32>
    %add3A_191 = arith.addf %add3A_182, %add3A_190 : vector<16x128xf32>
    %max3A = arith.constant 0.000000e+00 : f32
    %max3A_192 = vector.broadcast %max3A : f32 to vector<16x128xf32>
    %max3A_193 = arith.maximumf %add3A_191, %max3A_192 : vector<16x128xf32>
    %add3A_194 = vector.broadcast %add3A_90 : vector<1x1xf32> to vector<16x128xf32>
    %add3A_195 = arith.addf %add3A_189, %add3A_194 : vector<16x128xf32>
    %get3A_196 = arith.constant 0 : index
    %get3A_197 = arith.constant 0 : index
    %get3A_198 = vector.load %arg2[%get3A_196, %get3A_197] : memref<16x128xf32, #tpu.memory_space<vmem>>, vector<16x128xf32>
    %mul3A_199 = vector.broadcast %slice3A_106 : vector<1x1xf32> to vector<16x128xf32>
    %mul3A_200 = arith.mulf %get3A_198, %mul3A_199 : vector<16x128xf32>
    %mul3A_201 = vector.broadcast %slice3A_107 : vector<1x1xf32> to vector<16x128xf32>
    %mul3A_202 = arith.mulf %max3A_193, %mul3A_201 : vector<16x128xf32>
    %mul3A_203 = vector.broadcast %slice3A_108 : vector<1x1xf32> to vector<16x128xf32>
    %mul3A_204 = arith.mulf %add3A_195, %mul3A_203 : vector<16x128xf32>
    %swap3A = arith.constant 0 : index
    %swap3A_205 = arith.constant 0 : index
    %swap3A_206 = vector.load %arg17[%swap3A, %swap3A_205] : memref<16x128xf32, #tpu.memory_space<vmem>>, vector<16x128xf32>
    tpu.vector_store %arg17[%swap3A, %swap3A_205], %mul3A_200 {strides = array<i32>} : memref<16x128xf32, #tpu.memory_space<vmem>>, vector<16x128xf32>,
    %swap3A_207 = arith.constant 0 : index
    %swap3A_208 = arith.constant 0 : index
    %swap3A_209 = vector.load %arg18[%swap3A_207, %swap3A_208] : memref<16x128xf32, #tpu.memory_space<vmem>>, vector<16x128xf32>
    tpu.vector_store %arg18[%swap3A_207, %swap3A_208], %mul3A_202 {strides = array<i32>} : memref<16x128xf32, #tpu.memory_space<vmem>>, vector<16x128xf32>,
    %swap3A_210 = arith.constant 0 : index
    %swap3A_211 = arith.constant 0 : index
    %swap3A_212 = vector.load %arg19[%swap3A_210, %swap3A_211] : memref<16x128xf32, #tpu.memory_space<vmem>>, vector<16x128xf32>
    tpu.vector_store %arg19[%swap3A_210, %swap3A_211], %mul3A_204 {strides = array<i32>} : memref<16x128xf32, #tpu.memory_space<vmem>>, vector<16x128xf32>,
    %add3A_213 = arith.addf %mul3A_200, %mul3A_202 : vector<16x128xf32>
    %add3A_214 = arith.addf %add3A_213, %mul3A_204 : vector<16x128xf32>
    %swap3A_215 = arith.constant 0 : index
    %swap3A_216 = arith.constant 0 : index
    %swap3A_217 = vector.load %arg20[%swap3A_215, %swap3A_216] : memref<16x128xf32, #tpu.memory_space<vmem>>, vector<16x128xf32>
    tpu.vector_store %arg20[%swap3A_215, %swap3A_216], %add3A_214 {strides = array<i32>} : memref<16x128xf32, #tpu.memory_space<vmem>>, vector<16x128xf32>,
    return
  }
  func.func @transform_0(%arg0: i32) -> (i32, i32) {
    %c0_i32 = arith.constant 0 : i32
    %c0_i32_0 = arith.constant 0 : i32
    %c0_i32_1 = arith.constant 0 : i32
    return %c0_i32, %c0_i32_0 : i32, i32
  }
  func.func @transform_1(%arg0: i32) -> (i32, i32) {
    %c0_i32 = arith.constant 0 : i32
    %c0_i32_0 = arith.constant 0 : i32
    return %arg0, %c0_i32 : i32, i32
  }
  func.func @transform_2(%arg0: i32) -> (i32, i32) {
    %c0_i32 = arith.constant 0 : i32
    %c0_i32_0 = arith.constant 0 : i32
    return %arg0, %c0_i32 : i32, i32
  }
  func.func @transform_3(%arg0: i32) -> (i32, i32) {
    %c0_i32 = arith.constant 0 : i32
    %c0_i32_0 = arith.constant 0 : i32
    return %arg0, %c0_i32 : i32, i32
  }
  func.func @transform_4(%arg0: i32) -> (i32, i32) {
    %c0_i32 = arith.constant 0 : i32
    %c0_i32_0 = arith.constant 0 : i32
    return %arg0, %c0_i32 : i32, i32
  }
  func.func @transform_5(%arg0: i32) -> (i32, i32) {
    %c0_i32 = arith.constant 0 : i32
    %c0_i32_0 = arith.constant 0 : i32
    return %arg0, %c0_i32 : i32, i32
  }
  func.func @transform_6(%arg0: i32) -> (i32, i32) {
    %c0_i32 = arith.constant 0 : i32
    %c0_i32_0 = arith.constant 0 : i32
    return %arg0, %c0_i32 : i32, i32
  }
  func.func @transform_7(%arg0: i32) -> (i32, i32) {
    %c0_i32 = arith.constant 0 : i32
    %c0_i32_0 = arith.constant 0 : i32
    %c0_i32_1 = arith.constant 0 : i32
    return %c0_i32, %c0_i32_0 : i32, i32
  }
  func.func @transform_8(%arg0: i32) -> (i32, i32) {
    %c0_i32 = arith.constant 0 : i32
    %c0_i32_0 = arith.constant 0 : i32
    %c0_i32_1 = arith.constant 0 : i32
    return %c0_i32, %c0_i32_0 : i32, i32
  }
  func.func @transform_9(%arg0: i32) -> (i32, i32) {
    %c0_i32 = arith.constant 0 : i32
    %c0_i32_0 = arith.constant 0 : i32
    %c0_i32_1 = arith.constant 0 : i32
    return %c0_i32, %c0_i32_0 : i32, i32
  }
  func.func @transform_10(%arg0: i32) -> (i32, i32) {
    %c0_i32 = arith.constant 0 : i32
    %c0_i32_0 = arith.constant 0 : i32
    %c0_i32_1 = arith.constant 0 : i32
    return %c0_i32, %c0_i32_0 : i32, i32
  }
  func.func @transform_11(%arg0: i32) -> (i32, i32) {
    %c0_i32 = arith.constant 0 : i32
    %c0_i32_0 = arith.constant 0 : i32
    %c0_i32_1 = arith.constant 0 : i32
    return %c0_i32, %c0_i32_0 : i32, i32
  }
  func.func @transform_12(%arg0: i32) -> (i32, i32) {
    %c0_i32 = arith.constant 0 : i32
    %c0_i32_0 = arith.constant 0 : i32
    %c0_i32_1 = arith.constant 0 : i32
    return %c0_i32, %c0_i32_0 : i32, i32
  }
  func.func @transform_13(%arg0: i32) -> (i32, i32) {
    %c0_i32 = arith.constant 0 : i32
    %c0_i32_0 = arith.constant 0 : i32
    %c0_i32_1 = arith.constant 0 : i32
    return %c0_i32, %c0_i32_0 : i32, i32
  }
  func.func @transform_14(%arg0: i32) -> (i32, i32) {
    %c0_i32 = arith.constant 0 : i32
    %c0_i32_0 = arith.constant 0 : i32
    %c0_i32_1 = arith.constant 0 : i32
    return %c0_i32, %c0_i32_0 : i32, i32
  }
  func.func @transform_15(%arg0: i32) -> (i32, i32) {
    %c0_i32 = arith.constant 0 : i32
    %c0_i32_0 = arith.constant 0 : i32
    %c0_i32_1 = arith.constant 0 : i32
    return %c0_i32, %c0_i32_0 : i32, i32
  }
  func.func @transform_16(%arg0: i32) -> (i32, i32) {
    %c0_i32 = arith.constant 0 : i32
    %c0_i32_0 = arith.constant 0 : i32
    return %arg0, %c0_i32 : i32, i32
  }
  func.func @transform_17(%arg0: i32) -> (i32, i32) {
    %c0_i32 = arith.constant 0 : i32
    %c0_i32_0 = arith.constant 0 : i32
    return %arg0, %c0_i32 : i32, i32
  }
  func.func @transform_18(%arg0: i32) -> (i32, i32) {
    %c0_i32 = arith.constant 0 : i32
    %c0_i32_0 = arith.constant 0 : i32
    return %arg0, %c0_i32 : i32, i32
  }
  func.func @transform_19(%arg0: i32) -> (i32, i32) {
    %c0_i32 = arith.constant 0 : i32
    %c0_i32_0 = arith.constant 0 : i32
    return %arg0, %c0_i32 : i32, i32
  }
}

</mosaic_0001>

<sc_bundles>
// kernel: kernel.11.cloned.1.call-start
scs
__scs_entry_jumppad:
0x0: {  	(pc) =	sbr.rel $0x88, $3  }
0x1: {  	(tag) =	ssettag $0x0;
	lr =	simm.s32 $0x1  }
0x2: {  	[smem:$0x3F8E] =	sst lr;
	_ =	strace $0xD0000000  }
0x3: {  	_ = 	snop  }
0x4: {  	_ = 	snop  }
0x5: {  	_ = 	snop  }
0x6: {  	_ = 	snop  }
0x7: {  	_ = 	snop  }
__scs_overlays_trampoline_lowered:
0x8: {  	[smem:$0x3F9D] =	sst s0  }
0x9: {  	[smem:$0x3F9E] =	sst s1  }
0xa: {  	[smem:$0x3F9F] =	sst s2  }
0xb: {  	[smem:$0x3FA0] =	sst s3  }
0xc: {  	[smem:$0x3FA1] =	sst s4  }
0xd: {  	[smem:$0x3FA2] =	sst s5  }
0xe: {  	[smem:$0x3FA3] =	sst s6  }
0xf: {  	[smem:$0x3FA4] =	sst s7  }
0x10: {  	[smem:$0x3FA5] =	sst s8  }
0x11: {  	[smem:$0x3FA6] =	sst s9;
	s0 =	simm.s32 @!p0 $0x0  }
0x12: {  	s1 =	sld [smem:$0x3F8C];
	s0 =	simm.s32 @p0 $0x1  }
0x13: {  	[smem:$0x3FA7] =	sst s0;
	s0 =	simm.s32 @!p1 $0x0  }
0x14: {  	s2 =	sld [smem:$0x3F8B];
	s0 =	simm.s32 @p1 $0x1  }
0x15: {  	[smem:$0x3FA8] =	sst s0;
	s0 =	simm.s32 @!p2 $0x0  }
0x16: {  	s3 =	sld [smem:$0x3FDB];
	s0 =	simm.s32 @p2 $0x1  }
0x17: {  	s4 =	simm.s32 $0x1BF5;
	[smem:$0x3FAA] =	sst s0  }
0x18: {  	s0 =	sld [smem:$0x3F8D];
	_ =	swait.ge [sflag:s4], $0x0  }
0x19: {  	s7 =	sld [smem:$0x3F8E]  }
0x1a: {  	s8 =	sadd.s32 $0xFFFFE003, lr  }
0x1b: {  	s9 =	sadd.s32 $0xFFFFFEF7, lr;
	s5 =	simm.s32 $0xFFFFFFFF;
	p2 =	slt.u32 s8, $0xFFFFF086  }
0x1c: {  	p1 =	slt.u32 s9, $0xF7A;
	s5 =	simm.s32 @!p2 $0x0  }
0x1d: {  	s5 =	simm.s32 @p1 $0x1;
	p0 =	seq.s32 s7, s2  }
0x1e: {  	s7 =	smul.u32 @!p0 $0xF7A, s2;
	p2 =	seq.s32 @!p0 s5, $0x0  }
0x1f: {  	s9 =	smul.u32 $0xF7A, s1;
	s8 =	simm.s32 @!p0 $0x1BF5;
	p2 =	por !p2, p0  }
0x20: {  	[sflag:s8] =	ssyncset.s32 @!p0 $0xFFFFF086;
	s6 =	sadd.s32 @!p0 s3, s7;
	s7 =	simm.s32 @!p0 $0x108  }
0x21: {  	s3 =	sadd.s32 s3, s9;
	s6 =	sadd.s32 @!p0 $0x88, s6;
	s7 =	simm.s32 @p2 $0x1082  }
0x22: {  	[simem:s7], [sflag:s8] =	dma.local @!p0 [hbm:s6], $0xF7A  }
0x23: {  	s9 =	sor.u32 $0xD0000000, s2;
	s6 =	simm.s32 $0x108;
	_ =	swait.ge @!p0 [sflag:s8], $0x0  }
0x24: {  	s3 =	sadd.s32 $0x88, s3;
	s6 =	simm.s32 @!p1 $0x1082;
	[sflag:s4] =	ssyncset.s32 $0xFFFFF086  }
0x25: {  	[simem:s6], [sflag:s4] =	dma.local [hbm:s3], $0xF7A  }
0x26: {  	[smem:$0x3F8E] =	sst s1;
	(tag) =	ssettag s2;
	_ =	strace s9  }
0x27: {  	s1 =	sld [smem:$0x3F9E]  }
0x28: {  	s2 =	sld [smem:$0x3F9F]  }
0x29: {  	s4 =	sld [smem:$0x3FA1]  }
0x2a: {  	p0 =	seq.s32 s5, $0x0;
	s5 =	sld [smem:$0x3FA2]  }
0x2b: {  	s6 =	sld [smem:$0x3FA3]  }
0x2c: {  	s7 =	sld [smem:$0x3FA4]  }
0x2d: {  	s3 =	simm.s32 $0x108;
	s8 =	sld [smem:$0x3FA5]  }
0x2e: {  	s3 =	simm.s32 @!p0 $0x1082;
	s9 =	sld [smem:$0x3FA6]  }
0x2f: {  	lr =	sadd.s32 s0, s3;
	s0 =	sld [smem:$0x3F9D]  }
0x30: {  	s3 =	sld [smem:$0x3FA0]  }
0x31: {  	[smem:$0x3FA9] =	sst s10  }
0x32: {  	s10 =	sld [smem:$0x3FA7];
	_ =	sdelay $0x3  }
0x33: {  	p0 =	seq.s32 s10, $0x1;
	s10 =	sld [smem:$0x3FA9];
	_ =	sdelay $0x3  }
0x34: {  	[smem:$0x3FA9] =	sst s10  }
0x35: {  	s10 =	sld [smem:$0x3FA8];
	_ =	sdelay $0x3  }
0x36: {  	p1 =	seq.s32 s10, $0x1;
	s10 =	sld [smem:$0x3FA9];
	_ =	sdelay $0x3  }
0x37: {  	[smem:$0x3FA9] =	sst s10  }
0x38: {  	s10 =	sld [smem:$0x3FAA]  }
0x39: {  	_ = 	snop;
	(pc) =	sbr.ind lr, $3  }
0x3a: {  	_ = 	snop  }
0x3b: {  	_ = 	snop  }
0x3c: {  	p2 =	seq.s32 s10, $0x1;
	s10 =	sld [smem:$0x3FA9]  }
0x3d: {  	_ =	shalt  }
0x3e: {  	_ =	shalt  }
0x3f: {  	_ =	shalt  }
0x40: {  	_ =	shalt  }
0x41: {  	_ =	shalt  }
0x42: {  	_ =	shalt  }
0x43: {  	_ =	shalt  }
0x44: {  	_ =	shalt  }
0x45: {  	_ =	shalt  }
0x46: {  	_ =	shalt  }
0x47: {  	_ =	shalt  }
0x48: {  	_ =	shalt  }
0x49: {  	_ =	shalt  }
0x4a: {  	_ =	shalt  }
0x4b: {  	_ =	shalt  }
0x4c: {  	_ =	shalt  }
0x4d: {  	_ =	shalt  }
0x4e: {  	_ =	shalt  }
0x4f: {  	_ =	shalt  }
0x50: {  	_ =	shalt  }
0x51: {  	_ =	shalt  }
0x52: {  	_ =	shalt  }
0x53: {  	_ =	shalt  }
0x54: {  	_ =	shalt  }
0x55: {  	_ =	shalt  }
0x56: {  	_ =	shalt  }
0x57: {  	_ =	shalt  }
0x58: {  	_ =	shalt  }
0x59: {  	_ =	shalt  }
0x5a: {  	_ =	shalt  }
0x5b: {  	_ =	shalt  }
0x5c: {  	_ =	shalt  }
0x5d: {  	_ =	shalt  }
0x5e: {  	_ =	shalt  }
0x5f: {  	_ =	shalt  }
0x60: {  	_ =	shalt  }
0x61: {  	_ =	shalt  }
0x62: {  	_ =	shalt  }
0x63: {  	_ =	shalt  }
0x64: {  	_ =	shalt  }
0x65: {  	_ =	shalt  }
0x66: {  	_ =	shalt  }
0x67: {  	_ =	shalt  }
0x68: {  	_ =	shalt  }
0x69: {  	_ =	shalt  }
0x6a: {  	_ =	shalt  }
0x6b: {  	_ =	shalt  }
0x6c: {  	_ =	shalt  }
0x6d: {  	_ =	shalt  }
0x6e: {  	_ =	shalt  }
0x6f: {  	_ =	shalt  }
0x70: {  	_ =	shalt  }
0x71: {  	_ =	shalt  }
0x72: {  	_ =	shalt  }
0x73: {  	_ =	shalt  }
0x74: {  	_ =	shalt  }
0x75: {  	_ =	shalt  }
0x76: {  	_ =	shalt  }
0x77: {  	_ =	shalt  }
0x78: {  	_ =	shalt  }
0x79: {  	_ =	shalt  }
0x7a: {  	_ =	shalt  }
0x7b: {  	_ =	shalt  }
0x7c: {  	_ =	shalt  }
0x7d: {  	_ =	shalt  }
0x7e: {  	_ =	shalt  }
0x7f: {  	_ =	shalt  }
0x80: {  	_ =	shalt  }
0x81: {  	_ =	shalt  }
0x82: {  	_ =	shalt  }
0x83: {  	_ =	shalt  }
0x84: {  	_ =	shalt  }
0x85: {  	_ =	shalt  }
0x86: {  	_ =	shalt  }
0x87: {  	_ =	shalt  }
.Lfunc_end0:
.L_simem_size_0:
called_computation.1_lowered:
.L_overlay_start_0:
0x88: {  	s2 =	sld [smem:$0x3FD9]  }
0x89: {  	s3 =	sld [smem:$0x3FFE];
	_ =	sdelay $0x1  }
0x8a: {  	s1 =	srdreg.scid  }
0x8b: {  	s0 =	sand.u32 $0x1, s1  }
0x8c: {  	s17 =	sshll.u32 s0, $0xA;
	s2 =	sadd.s32 s3, s2  }
0x8d: {  	s2 =	sadd.s32 s2, s17  }
0x8e: {  	[smem:$0x3FB5] =	sst s2  }
0x8f: {  	_ = 	snop  }
0x90: {  	s2 =	sld [smem:$0x3FC8];
	(tm) =	ssettm $0x1  }
0x91: {  	s18 =	sld [smem:$0x3FFB];
	_ =	sdelay $0x3  }
0x92: {  	_ =	strace s18  }
0x93: {  	s3 =	sld [smem:$0x3FFC];
	_ =	sdelay $0x3  }
0x94: {  	_ =	strace s3  }
0x95: {  	s3 =	sld [smem:$0x3FFD];
	_ =	sdelay $0x3  }
0x96: {  	_ =	strace s3  }
0x97: {  	_ =	strace $0x8FFFFFFF  }
0x98: {  	s19 =	sld [smem:$0x3FDB];
	_ =	sdelay $0x1  }
0x99: {  	s4 =	simm.s32 $_scs_section_size  }
0x9a: {  	s5 =	simm.s32 $_size__tile_overlayer_lowered;
	s6 =	simm.s32 $_tile_overlayer_lowered  }
0x9b: {  	s22 =	simm.s32 $0x1BFF;
	s21 =	sshll.u32 s6, $0x1;
	s3 =	sadd.s32 s4, s19  }
0x9c: {  	s7 =	simm.s32 $0x0;
	s20 =	sshll.u32 s5, $0x1;
	s5 =	sadd.s32 s21, s3  }
0x9d: {  	[timem:s7], [sflag:s22] =	dma.local [hbm:s5], s20  }
0x9e: {  	_ =	swait.ge [sflag:s22], s20  }
0x9f: {  	s4 =	ssub.s32 $0x0, s20;
	[sflag:s22] =	ssyncset.done $0x0  }
0xa0: {  	[sflag:s22] =	ssyncadd.s32 s4;
	_ =	sdelay $0x1  }
0xa1: {  	s23 =	simm.s32 $0x1B8B  }
0xa2: {  	_ =	swait.ge [sflag:s23], $0x1  }
0xa3: {  	[sflag:s23] =	ssyncset.done $0x0  }
0xa4: {  	s25 =	simm.s32 $0x1B8E;
	s24 =	sld [smem:$0x3FFE];
	[sflag:s23] =	ssyncadd.s32 $0xFFFFFFFF  }
0xa5: {  	s26 =	simm.s32 $execute0_lowered;
	[smem:$0x3FD2] =	sst s25  }
0xa6: {  	s5 =	sshll.u32 s26, $0x1;
	_ =	strace $0x80000046;
	[dreg:$0x1] =	wrdreg $0xFFFFFFFF  }
0xa7: {  	s28 =	simm.s32 $_size_execute0_lowered;
	s3 =	sadd.s32 s3, s5;
	[dreg:$0x0] =	wrdreg $0x0  }
0xa8: {  	s5 =	sshll.u32 s28, $0x1;
	[dreg:$0x2] =	wrdreg s3  }
0xa9: {  	[dreg:$0x3] =	wrdreg s5  }
0xaa: {  	[dreg:$0x4] =	wrdreg $0xC0  }
0xab: {  	_ =	task [dreg:s7], $0x5FFFF  }
0xac: {  	[dreg:$0x1] =	wrdreg $0xFFFFFFFF  }
0xad: {  	[dreg:$0x0] =	wrdreg $0x60  }
0xae: {  	[dreg:$0x2] =	wrdreg s2  }
0xaf: {  	[dreg:$0x3] =	wrdreg s24  }
0xb0: {  	[dreg:$0x4] =	wrdreg $0xA  }
0xb1: {  	_ =	task.clear_ibuf [dreg:s7], $0x5FFFF;
	_ =	strace $0x90000046  }
0xb2: {  	s29 =	simm.s32 $0xA;
	_ =	strace $0x80000048  }
0xb3: {  	_ =	swait.ge [sflag:s29], $0x1  }
0xb4: {  	[sflag:s29] =	ssyncadd.s32 $0xFFFFFFFF  }
0xb5: {  	_ =	strace $0x90000048  }
0xb6: {  	_ =	sfence  }
0xb7: {  	s30 =	sld [smem:$0x0];
	_ =	sdelay $0x2  }
0xb8: {  	s31 =	sshll.u32 s1, $0xD;
	s1 =	sshrl.u32 s1, $0x2  }
0xb9: {  	s3 =	sand.u32 $0x4000, s31;
	s1 =	sadd.s32 s1, s30  }
0xba: {  	s0 =	sor.u32 s3, s0;
	s1 =	sshll.u32 s1, $0x11  }
0xbb: {  	s0 =	sor.u32 s1, s0  }
0xbc: {  	s0 =	sadd.s32 $0x8F2B, s0  }
0xbd: {  	[sflag:s0] =	ssyncadd.remote.s32 $0x1  }
0xbe: {  	_ =	sfence.sel $0xFFFF  }
0xbf: {  	[dreg:$0x0] =	wrdreg $0xFFFFFFFF;
	(pc) =	sbr.abs _section_cstart, $3  }
0xc0: {  	[dreg:$0x1] =	wrdreg $0xFFFFFFFF  }
0xc1: {  	_ =	task.clear_ibuf [dreg:s7], $0x2FFFF;
	_ =	strace $0x9FFFFFFF  }
0xc2: {  	(tm) =	ssettm $0x7FFFFFFF  }
0xc3: {  	_ =	shalt  }
tec
execute0_lowered:
.L_overlay_start_1:
0x0: {  	(tag) =	ssettag $0x1  }
0x1: {  	s1 =	srdreg.scid  }
0x2: {  	s3 =	rddreg [dreg:$0x0];
	s0 =	stileid.u32;
	s14 =	sand.u32 $0x1, s1  }
0x3: {  	s15 =	rddreg [dreg:$0x1];
	s4 =	sshll.u32 s0, $0xA;
	s5 =	sshll.u32 s14, $0x9  }
0x4: {  	s2 =	simm.s32 $0x0;
	s1 =	rddreg [dreg:$0x2];
	s16 =	sor.u32 s5, s4  }
0x5: {  	[smem:$0x7FF] =	sst s2;
	s4 =	sshrl.u32 s16, $0x3  }
0x6: {  	_ =	strace $0x80000047;
	s4 =	sadd.s32 s3, s4;
	s3 =	simm.s32 $0x2  }
0x7: {  	[tilespmem:s2], [sflag:$0x2] =	stream.linear.gather [hbm4b:s4+s2], $0x200, $0x38;
	[tilespmem:$0x8200] =	vst v63  }
0x8: {  	_ =	swait.ge [sflag:s3], $0x200  }
0x9: {  	s6 =	simm.s32 $0x80;
	[sflag:s3] =	ssyncset.done $0x0  }
0xa: {  	s7 =	simm.s32 $0x200;
	s5 =	sadd.s32 $0x3800, s15;
	[sflag:s3] =	ssyncadd.s32 $0xFFFFFE00  }
0xb: {  	[tilespmem:s7], [sflag:$0x1] =	stream.indirect.gather [hbm4b:s5+s6], $0x40, s2, s6, $0xb8;
	[tilespmem:$0x8200] =	vst v63  }
0xc: {  	s8 =	simm.s32 $0x2200  }
0xd: {  	[tilespmem:s8], [sflag:$0x1] =	stream.indirect.gather [hbm4b:s5+s6], $0x40, s6, s6, $0xb8;
	[tilespmem:$0x8200] =	vst v63  }
0xe: {  	s9 =	simm.s32 $0x100;
	s10 =	simm.s32 $0x4200  }
0xf: {  	[tilespmem:s10], [sflag:$0x1] =	stream.indirect.gather [hbm4b:s5+s6], $0x40, s9, s6, $0xb8;
	[tilespmem:$0x8200] =	vst v63  }
0x10: {  	s11 =	simm.s32 $0x180;
	s12 =	simm.s32 $0x6200;
	s13 =	simm.s32 $0x1  }
0x11: {  	[tilespmem:s12], [sflag:$0x1] =	stream.indirect.gather [hbm4b:s5+s6], $0x40, s11, s6, $0xb8;
	[tilespmem:$0x8200] =	vst v63  }
0x12: {  	_ =	swait.ge [sflag:s13], $0x2000  }
0x13: {  	[sflag:s13] =	ssyncset.done $0x0  }
0x14: {  	[sflag:s13] =	ssyncadd.s32 $0xFFFFE000  }
0x15: {  	_ =	swait.ge [sflag:s13], $0x2000  }
0x16: {  	[sflag:s13] =	ssyncset.done $0x0  }
0x17: {  	s14 =	ssub.s32 $0x2, s14;
	[sflag:s13] =	ssyncadd.s32 $0xFFFFE000  }
0x18: {  	s17 =	sshrl.u32 s14, $0x1;
	_ =	swait.ge [sflag:s13], $0x2000  }
0x19: {  	s30 =	ssub.s32 s14, s17;
	[sflag:s13] =	ssyncset.done $0x0  }
0x1a: {  	s31 =	smax.u32 s30, $0x1;
	[sflag:s13] =	ssyncadd.s32 $0xFFFFE000  }
0x1b: {  	s16 =	sshll.u32 s16, $0x3;
	p0 =	sne.s32 s31, $0x1;
	_ =	swait.ge [sflag:s13], $0x2000  }
.Ltmp0:
0x1c: {  	s15 =	sadd.s32 s16, s15;
	[sflag:s13] =	ssyncset.done $0x0;
	(pc) =	sbr.rel @!p0 .LBB2_2-.Ltmp0, $4  }
0x1d: {  	s14 =	sadd.s32 $0xCB800, s15;
	[sflag:s13] =	ssyncadd.s32 $0xFFFFE000  }
0x1e: {  	[hbm4b:s14+s2] =	stream.linear.scatter [tilespmem:s7], [sflag:$0x2], $0x8000, $0x38;
	[tilespmem:$0x8200] =	vst v63  }
0x1f: {  	_ =	swait.ge [sflag:s3], $0x8000  }
0x20: {  	s15 =	sadd.s32 $0xFFFFFFFF, s31;
	[sflag:s3] =	ssyncset.done $0x0  }
.LBB2_1:
0x21: {  	p0 =	sne.s32 s15, $0x1;
	s15 =	sadd.s32 $0xFFFFFFFF, s15;
	[sflag:s3] =	ssyncadd.s32 $0xFFFF8000  }
0x22: {  	[tilespmem:s2], [sflag:$0x2] =	stream.linear.gather [hbm4b:s4+s2], $0x200, $0x38;
	[tilespmem:$0x8200] =	vst v63  }
0x23: {  	_ =	swait.ge [sflag:s3], $0x200  }
0x24: {  	[sflag:s3] =	ssyncset.done $0x0  }
0x25: {  	[sflag:s3] =	ssyncadd.s32 $0xFFFFFE00  }
0x26: {  	[tilespmem:s7], [sflag:$0x1] =	stream.indirect.gather [hbm4b:s5+s6], $0x40, s2, s6, $0xb8;
	[tilespmem:$0x8200] =	vst v63  }
0x27: {  	_ = 	snop  }
0x28: {  	[tilespmem:s8], [sflag:$0x1] =	stream.indirect.gather [hbm4b:s5+s6], $0x40, s6, s6, $0xb8;
	[tilespmem:$0x8200] =	vst v63  }
0x29: {  	_ = 	snop  }
0x2a: {  	[tilespmem:s10], [sflag:$0x1] =	stream.indirect.gather [hbm4b:s5+s6], $0x40, s9, s6, $0xb8;
	[tilespmem:$0x8200] =	vst v63  }
0x2b: {  	_ = 	snop  }
0x2c: {  	[tilespmem:s12], [sflag:$0x1] =	stream.indirect.gather [hbm4b:s5+s6], $0x40, s11, s6, $0xb8;
	[tilespmem:$0x8200] =	vst v63  }
0x2d: {  	_ =	swait.ge [sflag:s13], $0x2000  }
0x2e: {  	[sflag:s13] =	ssyncset.done $0x0  }
0x2f: {  	[sflag:s13] =	ssyncadd.s32 $0xFFFFE000  }
0x30: {  	_ =	swait.ge [sflag:s13], $0x2000  }
0x31: {  	[sflag:s13] =	ssyncset.done $0x0  }
0x32: {  	[sflag:s13] =	ssyncadd.s32 $0xFFFFE000  }
0x33: {  	_ =	swait.ge [sflag:s13], $0x2000  }
0x34: {  	[sflag:s13] =	ssyncset.done $0x0  }
0x35: {  	[sflag:s13] =	ssyncadd.s32 $0xFFFFE000  }
0x36: {  	_ =	swait.ge [sflag:s13], $0x2000  }
.Ltmp1:
0x37: {  	[sflag:s13] =	ssyncset.done $0x0;
	(pc) =	sbr.rel @p0 .LBB2_1-.Ltmp1, $4  }
0x38: {  	[sflag:s13] =	ssyncadd.s32 $0xFFFFE000  }
0x39: {  	[hbm4b:s14+s2] =	stream.linear.scatter [tilespmem:s7], [sflag:$0x2], $0x8000, $0x38;
	[tilespmem:$0x8200] =	vst v63  }
0x3a: {  	_ =	swait.ge [sflag:s3], $0x8000  }
0x3b: {  	[sflag:s3] =	ssyncset.done $0x0  }
.LBB2_2:
0x3c: {  	[sflag:s3] =	ssyncadd.s32 $0xFFFF8000  }
0x3d: {  	_ =	sfence.sel $0x180000  }
0x3e: {  	[bflag:$0x0] =	sbarrier.arrive $0xFFFF  }
0x3f: {  	p0 =	sne.s32 s0, $0x0;
	_ =	strace $0x90000047  }
0x40: {  	s0 =	sadd.s32 @!p0 $0x100000, s1;
	[bflag:$0x2] =	sbarrier.arrive $0xFFFF  }
0x41: {  	[sflag:s0] =	ssyncadd.tile.s32 @!p0 $0x1;
	_ =	shalt  }
.Lfunc_end2:
_tile_overlayer_lowered:
.L_overlay_start_2:
0x42: {  	(tag) =	ssettag $0x2  }
0x43: {  	s0 =	rddreg [dreg:$0x0];
	s2 =	stileid.u32  }
0x44: {  	s1 =	rddreg [dreg:$0x1];
	p0 =	sne.s32 s2, $0x0  }
0x45: {  	s3 =	rddreg [dreg:$0x2];
	[bflag:$0x3] =	sbarrier.arrive $0xFFFF;
	s2 =	simm.s32 @!p0 $0x1C02  }
0x46: {  	[timem:s3], [sflag:s2] =	dma.local @!p0 [hbm:s0], s1  }
0x47: {  	s0 =	simm.s32 @!p0 $0x2  }
0x48: {  	_ =	swait.ge @!p0 [sflag:s0], s1  }
0x49: {  	s1 =	ssub.s32 @!p0 $0x0, s1;
	[sflag:s0] =	ssyncset.done @!p0 $0x0  }
0x4a: {  	[sflag:s0] =	ssyncadd.s32 @!p0 s1  }
0x4b: {  	[bflag:$0x3] =	sbarrier.arrive $0xFFFF  }
0x4c: {  	_ =	shalt  }

// kernel: kernel.8.cloned.1.call-start
scs
__scs_entry_jumppad:
0x0: {  	(pc) =	sbr.rel $0x88, $3  }
0x1: {  	(tag) =	ssettag $0x0;
	lr =	simm.s32 $0x1  }
0x2: {  	[smem:$0x3F8E] =	sst lr;
	_ =	strace $0xD0000000  }
0x3: {  	_ = 	snop  }
0x4: {  	_ = 	snop  }
0x5: {  	_ = 	snop  }
0x6: {  	_ = 	snop  }
0x7: {  	_ = 	snop  }
__scs_overlays_trampoline_lowered:
0x8: {  	[smem:$0x3F9D] =	sst s0  }
0x9: {  	[smem:$0x3F9E] =	sst s1  }
0xa: {  	[smem:$0x3F9F] =	sst s2  }
0xb: {  	[smem:$0x3FA0] =	sst s3  }
0xc: {  	[smem:$0x3FA1] =	sst s4  }
0xd: {  	[smem:$0x3FA2] =	sst s5  }
0xe: {  	[smem:$0x3FA3] =	sst s6  }
0xf: {  	[smem:$0x3FA4] =	sst s7  }
0x10: {  	[smem:$0x3FA5] =	sst s8  }
0x11: {  	[smem:$0x3FA6] =	sst s9;
	s0 =	simm.s32 @!p0 $0x0  }
0x12: {  	s1 =	sld [smem:$0x3F8C];
	s0 =	simm.s32 @p0 $0x1  }
0x13: {  	[smem:$0x3FA7] =	sst s0;
	s0 =	simm.s32 @!p1 $0x0  }
0x14: {  	s2 =	sld [smem:$0x3F8B];
	s0 =	simm.s32 @p1 $0x1  }
0x15: {  	[smem:$0x3FA8] =	sst s0;
	s0 =	simm.s32 @!p2 $0x0  }
0x16: {  	s3 =	sld [smem:$0x3FDB];
	s0 =	simm.s32 @p2 $0x1  }
0x17: {  	s4 =	simm.s32 $0x1BF5;
	[smem:$0x3FAA] =	sst s0  }
0x18: {  	s0 =	sld [smem:$0x3F8D];
	_ =	swait.ge [sflag:s4], $0x0  }
0x19: {  	s7 =	sld [smem:$0x3F8E]  }
0x1a: {  	s8 =	sadd.s32 $0xFFFFE003, lr  }
0x1b: {  	s9 =	sadd.s32 $0xFFFFFEF7, lr;
	s5 =	simm.s32 $0xFFFFFFFF;
	p2 =	slt.u32 s8, $0xFFFFF086  }
0x1c: {  	p1 =	slt.u32 s9, $0xF7A;
	s5 =	simm.s32 @!p2 $0x0  }
0x1d: {  	s5 =	simm.s32 @p1 $0x1;
	p0 =	seq.s32 s7, s2  }
0x1e: {  	s7 =	smul.u32 @!p0 $0xF7A, s2;
	p2 =	seq.s32 @!p0 s5, $0x0  }
0x1f: {  	s9 =	smul.u32 $0xF7A, s1;
	s8 =	simm.s32 @!p0 $0x1BF5;
	p2 =	por !p2, p0  }
0x20: {  	[sflag:s8] =	ssyncset.s32 @!p0 $0xFFFFF086;
	s6 =	sadd.s32 @!p0 s3, s7;
	s7 =	simm.s32 @!p0 $0x108  }
0x21: {  	s3 =	sadd.s32 s3, s9;
	s6 =	sadd.s32 @!p0 $0x88, s6;
	s7 =	simm.s32 @p2 $0x1082  }
0x22: {  	[simem:s7], [sflag:s8] =	dma.local @!p0 [hbm:s6], $0xF7A  }
0x23: {  	s9 =	sor.u32 $0xD0000000, s2;
	s6 =	simm.s32 $0x108;
	_ =	swait.ge @!p0 [sflag:s8], $0x0  }
0x24: {  	s3 =	sadd.s32 $0x88, s3;
	s6 =	simm.s32 @!p1 $0x1082;
	[sflag:s4] =	ssyncset.s32 $0xFFFFF086  }
0x25: {  	[simem:s6], [sflag:s4] =	dma.local [hbm:s3], $0xF7A  }
0x26: {  	[smem:$0x3F8E] =	sst s1;
	(tag) =	ssettag s2;
	_ =	strace s9  }
0x27: {  	s1 =	sld [smem:$0x3F9E]  }
0x28: {  	s2 =	sld [smem:$0x3F9F]  }
0x29: {  	s4 =	sld [smem:$0x3FA1]  }
0x2a: {  	p0 =	seq.s32 s5, $0x0;
	s5 =	sld [smem:$0x3FA2]  }
0x2b: {  	s6 =	sld [smem:$0x3FA3]  }
0x2c: {  	s7 =	sld [smem:$0x3FA4]  }
0x2d: {  	s3 =	simm.s32 $0x108;
	s8 =	sld [smem:$0x3FA5]  }
0x2e: {  	s3 =	simm.s32 @!p0 $0x1082;
	s9 =	sld [smem:$0x3FA6]  }
0x2f: {  	lr =	sadd.s32 s0, s3;
	s0 =	sld [smem:$0x3F9D]  }
0x30: {  	s3 =	sld [smem:$0x3FA0]  }
0x31: {  	[smem:$0x3FA9] =	sst s10  }
0x32: {  	s10 =	sld [smem:$0x3FA7];
	_ =	sdelay $0x3  }
0x33: {  	p0 =	seq.s32 s10, $0x1;
	s10 =	sld [smem:$0x3FA9];
	_ =	sdelay $0x3  }
0x34: {  	[smem:$0x3FA9] =	sst s10  }
0x35: {  	s10 =	sld [smem:$0x3FA8];
	_ =	sdelay $0x3  }
0x36: {  	p1 =	seq.s32 s10, $0x1;
	s10 =	sld [smem:$0x3FA9];
	_ =	sdelay $0x3  }
0x37: {  	[smem:$0x3FA9] =	sst s10  }
0x38: {  	s10 =	sld [smem:$0x3FAA]  }
0x39: {  	_ = 	snop;
	(pc) =	sbr.ind lr, $3  }
0x3a: {  	_ = 	snop  }
0x3b: {  	_ = 	snop  }
0x3c: {  	p2 =	seq.s32 s10, $0x1;
	s10 =	sld [smem:$0x3FA9]  }
0x3d: {  	_ =	shalt  }
0x3e: {  	_ =	shalt  }
0x3f: {  	_ =	shalt  }
0x40: {  	_ =	shalt  }
0x41: {  	_ =	shalt  }
0x42: {  	_ =	shalt  }
0x43: {  	_ =	shalt  }
0x44: {  	_ =	shalt  }
0x45: {  	_ =	shalt  }
0x46: {  	_ =	shalt  }
0x47: {  	_ =	shalt  }
0x48: {  	_ =	shalt  }
0x49: {  	_ =	shalt  }
0x4a: {  	_ =	shalt  }
0x4b: {  	_ =	shalt  }
0x4c: {  	_ =	shalt  }
0x4d: {  	_ =	shalt  }
0x4e: {  	_ =	shalt  }
0x4f: {  	_ =	shalt  }
0x50: {  	_ =	shalt  }
0x51: {  	_ =	shalt  }
0x52: {  	_ =	shalt  }
0x53: {  	_ =	shalt  }
0x54: {  	_ =	shalt  }
0x55: {  	_ =	shalt  }
0x56: {  	_ =	shalt  }
0x57: {  	_ =	shalt  }
0x58: {  	_ =	shalt  }
0x59: {  	_ =	shalt  }
0x5a: {  	_ =	shalt  }
0x5b: {  	_ =	shalt  }
0x5c: {  	_ =	shalt  }
0x5d: {  	_ =	shalt  }
0x5e: {  	_ =	shalt  }
0x5f: {  	_ =	shalt  }
0x60: {  	_ =	shalt  }
0x61: {  	_ =	shalt  }
0x62: {  	_ =	shalt  }
0x63: {  	_ =	shalt  }
0x64: {  	_ =	shalt  }
0x65: {  	_ =	shalt  }
0x66: {  	_ =	shalt  }
0x67: {  	_ =	shalt  }
0x68: {  	_ =	shalt  }
0x69: {  	_ =	shalt  }
0x6a: {  	_ =	shalt  }
0x6b: {  	_ =	shalt  }
0x6c: {  	_ =	shalt  }
0x6d: {  	_ =	shalt  }
0x6e: {  	_ =	shalt  }
0x6f: {  	_ =	shalt  }
0x70: {  	_ =	shalt  }
0x71: {  	_ =	shalt  }
0x72: {  	_ =	shalt  }
0x73: {  	_ =	shalt  }
0x74: {  	_ =	shalt  }
0x75: {  	_ =	shalt  }
0x76: {  	_ =	shalt  }
0x77: {  	_ =	shalt  }
0x78: {  	_ =	shalt  }
0x79: {  	_ =	shalt  }
0x7a: {  	_ =	shalt  }
0x7b: {  	_ =	shalt  }
0x7c: {  	_ =	shalt  }
0x7d: {  	_ =	shalt  }
0x7e: {  	_ =	shalt  }
0x7f: {  	_ =	shalt  }
0x80: {  	_ =	shalt  }
0x81: {  	_ =	shalt  }
0x82: {  	_ =	shalt  }
0x83: {  	_ =	shalt  }
0x84: {  	_ =	shalt  }
0x85: {  	_ =	shalt  }
0x86: {  	_ =	shalt  }
0x87: {  	_ =	shalt  }
.Lfunc_end0:
.L_simem_size_0:
called_computation_lowered:
.L_overlay_start_0:
0x88: {  	s2 =	sld [smem:$0x3FD9]  }
0x89: {  	s3 =	sld [smem:$0x3FFE];
	_ =	sdelay $0x1  }
0x8a: {  	s1 =	srdreg.scid  }
0x8b: {  	s0 =	sand.u32 $0x1, s1  }
0x8c: {  	s15 =	sshll.u32 s0, $0xA;
	s2 =	sadd.s32 s3, s2  }
0x8d: {  	s2 =	sadd.s32 s2, s15  }
0x8e: {  	[smem:$0x3FB5] =	sst s2  }
0x8f: {  	_ = 	snop  }
0x90: {  	s2 =	sld [smem:$0x3FD0];
	_ =	sdelay $0x1  }
0x91: {  	s16 =	sld [smem:$0x3FC7]  }
0x92: {  	s6 =	simm.s32 $0xB;
	s5 =	simm.s32 $0x10;
	s4 =	sld [smem:$0x3FC6]  }
0x93: {  	[smem:s5], [sflag:s6] =	dma.local [hbm:s2], $0x1  }
0x94: {  	_ =	swait.eq [sflag:s6], $0x1  }
0x95: {  	[sflag:s6] =	ssyncset.done $0x0  }
0x96: {  	s17 =	sld [smem:$0x12];
	[sflag:s6] =	ssyncadd.s32 $0xFFFFFFFF  }
0x97: {  	s18 =	sld [smem:$0x13];
	(tm) =	ssettm $0x1  }
0x98: {  	s19 =	sld [smem:$0x3FFB];
	_ =	sdelay $0x3  }
0x99: {  	_ =	strace s19  }
0x9a: {  	s2 =	sld [smem:$0x3FFC];
	_ =	sdelay $0x3  }
0x9b: {  	_ =	strace s2  }
0x9c: {  	s2 =	sld [smem:$0x3FFD];
	_ =	sdelay $0x3  }
0x9d: {  	_ =	strace s2  }
0x9e: {  	_ =	strace $0x8FFFFFFF  }
0x9f: {  	s20 =	sld [smem:$0x3FDB];
	_ =	sdelay $0x1  }
0xa0: {  	s7 =	simm.s32 $_scs_section_size  }
0xa1: {  	s8 =	simm.s32 $_size__tile_overlayer_lowered;
	s9 =	simm.s32 $_tile_overlayer_lowered  }
0xa2: {  	s10 =	simm.s32 $0x1BFF;
	s21 =	sshll.u32 s9, $0x1;
	s7 =	sadd.s32 s7, s20  }
0xa3: {  	s22 =	simm.s32 $0x0;
	s8 =	sshll.u32 s8, $0x1;
	s9 =	sadd.s32 s21, s7  }
0xa4: {  	[timem:s22], [sflag:s10] =	dma.local [hbm:s9], s8  }
0xa5: {  	_ =	swait.ge [sflag:s10], s8  }
0xa6: {  	s8 =	ssub.s32 $0x0, s8;
	[sflag:s10] =	ssyncset.done $0x0  }
0xa7: {  	[sflag:s10] =	ssyncadd.s32 s8;
	_ =	sdelay $0x1  }
0xa8: {  	s23 =	simm.s32 $0x1B8B  }
0xa9: {  	_ =	swait.ge [sflag:s23], $0x1  }
0xaa: {  	[sflag:s23] =	ssyncset.done $0x0  }
0xab: {  	[sflag:s23] =	ssyncadd.s32 $0xFFFFFFFF  }
0xac: {  	s8 =	sld [smem:$0x0]  }
0xad: {  	s9 =	sand.u32 $0xFFFFFFFE, s1  }
0xae: {  	p0 =	sne.s32 s1, s9  }
0xaf: {  	s9 =	sshll.u32 @p0 s9, $0xE  }
0xb0: {  	s9 =	sadd.s32 @p0 $0x11B8D, s9;
	s10 =	sshll.u32 @p0 s8, $0x11  }
0xb1: {  	s9 =	sor.u32 @p0 s10, s9  }
0xb2: {  	[sflag:s9] =	ssyncadd.remote.s32 @p0 $0x1;
	_ =	sdelay $0x1  }
0xb3: {  	s9 =	simm.s32 @p0 $0x1B8D  }
0xb4: {  	_ =	swait.eq @p0 [sflag:s9], $0x1  }
0xb5: {  	[sflag:s9] =	ssyncadd.s32 @p0 $0xFFFFFFFF  }
0xb6: {  	s10 =	sshll.u32 @!p0 s1, $0xE  }
0xb7: {  	s10 =	sor.u32 @!p0 $0x4000, s10;
	s9 =	simm.s32 @!p0 $0x1B8D  }
0xb8: {  	s8 =	sshll.u32 @!p0 s8, $0x11;
	s10 =	sadd.s32 @!p0 $0x11B8D, s10;
	_ =	swait.eq @!p0 [sflag:s9], $0x1  }
0xb9: {  	s8 =	sor.u32 @!p0 s8, s10;
	[sflag:s9] =	ssyncadd.s32 @!p0 $0xFFFFFFFF  }
0xba: {  	s25 =	simm.s32 $0x1B8E;
	s24 =	sld [smem:$0x3FFE];
	[sflag:s8] =	ssyncadd.remote.s32 @!p0 $0x1  }
0xbb: {  	s26 =	simm.s32 $execute0_lowered;
	[smem:$0x3FD2] =	sst s25  }
0xbc: {  	s9 =	sshll.u32 s26, $0x1;
	_ =	strace $0x80000049;
	[dreg:$0x1] =	wrdreg $0xFFFFFFFF  }
0xbd: {  	s28 =	simm.s32 $_size_execute0_lowered;
	s7 =	sadd.s32 s7, s9;
	[dreg:$0x0] =	wrdreg $0x0  }
0xbe: {  	s9 =	sshll.u32 s28, $0x1;
	[dreg:$0x2] =	wrdreg s7  }
0xbf: {  	[dreg:$0x3] =	wrdreg s9  }
0xc0: {  	[dreg:$0x4] =	wrdreg $0xC0  }
0xc1: {  	_ =	task [dreg:s22], $0x5FFFF  }
0xc2: {  	[dreg:$0x1] =	wrdreg $0xFFFFFFFF  }
0xc3: {  	[dreg:$0x0] =	wrdreg $0x60  }
0xc4: {  	[dreg:$0x2] =	wrdreg s16  }
0xc5: {  	[dreg:$0x3] =	wrdreg s4  }
0xc6: {  	[dreg:$0x4] =	wrdreg s18  }
0xc7: {  	[dreg:$0x5] =	wrdreg s17  }
0xc8: {  	[dreg:$0x6] =	wrdreg s24  }
0xc9: {  	[dreg:$0x7] =	wrdreg $0x108000  }
0xca: {  	[dreg:$0x8] =	wrdreg $0x9  }
0xcb: {  	_ =	task.clear_ibuf [dreg:s22], $0x9FFFF;
	_ =	strace $0x90000049  }
0xcc: {  	s29 =	simm.s32 $0x9;
	_ =	strace $0x8000004B  }
0xcd: {  	_ =	swait.ge [sflag:s29], $0x1  }
0xce: {  	[sflag:s29] =	ssyncadd.s32 $0xFFFFFFFF  }
0xcf: {  	_ =	strace $0x9000004B  }
0xd0: {  	_ =	sfence  }
0xd1: {  	s30 =	sld [smem:$0x0];
	_ =	sdelay $0x2  }
0xd2: {  	s31 =	sshll.u32 s1, $0xD;
	s1 =	sshrl.u32 s1, $0x2  }
0xd3: {  	s4 =	sand.u32 $0x4000, s31;
	s1 =	sadd.s32 s1, s30  }
0xd4: {  	s0 =	sor.u32 s4, s0;
	s1 =	sshll.u32 s1, $0x11  }
0xd5: {  	s0 =	sor.u32 s1, s0  }
0xd6: {  	s0 =	sadd.s32 $0x8F2B, s0  }
0xd7: {  	[sflag:s0] =	ssyncadd.remote.s32 $0x1  }
0xd8: {  	_ =	sfence.sel $0xFFFF  }
0xd9: {  	[dreg:$0x0] =	wrdreg $0xFFFFFFFF;
	(pc) =	sbr.abs _section_cstart, $3  }
0xda: {  	[dreg:$0x1] =	wrdreg $0xFFFFFFFF  }
0xdb: {  	_ =	task.clear_ibuf [dreg:s22], $0x2FFFF;
	_ =	strace $0x9FFFFFFF  }
0xdc: {  	(tm) =	ssettm $0x7FFFFFFF  }
0xdd: {  	_ =	shalt  }
tec
execute0_lowered:
.L_overlay_start_1:
0x0: {  	(tag) =	ssettag $0x1  }
0x1: {  	s0 =	rddreg [dreg:$0x0]  }
0x2: {  	s3 =	rddreg [dreg:$0x1]  }
0x3: {  	s4 =	rddreg [dreg:$0x2]  }
0x4: {  	s5 =	rddreg [dreg:$0x3]  }
0x5: {  	s6 =	rddreg [dreg:$0x4]  }
0x6: {  	s2 =	rddreg [dreg:$0x5];
	s1 =	srdreg.scid  }
0x7: {  	s30 =	rddreg [dreg:$0x6];
	s7 =	stileid.u32;
	s13 =	simm.s32 $0x400  }
0x8: {  	s29 =	simm.s32 $0x100;
	s28 =	simm.s32 $0x180;
	s12 =	simm.s32 $0xE800  }
0x9: {  	p1 =	por $0x0, $0x0;
	s8 =	sand.u32 $0x1, s1;
	s1 =	simm.s32 $0x0  }
0xa: {  	s9 =	sshll.u32 s7, $0xA;
	s15 =	sadd.s32 $0xEB800, s6;
	p0 =	sne.s32 s7, $0x0  }
0xb: {  	s7 =	simm.s32 $0x800;
	s10 =	sshll.u32 s8, $0x9;
	[smem:$0x7FF] =	sst s1  }
0xc: {  	s21 =	ssub.s32 $0x2, s8;
	s8 =	simm.s32 $0x600;
	s9 =	sor.u32 s10, s9  }
0xd: {  	_ =	strace $0x8000004A;
	[dreg:$0x7] =	wrdreg s15;
	s23 =	sshrl.u32 s21, $0x1  }
0xe: {  	[dreg:$0x11] =	wrdreg s29;
	s10 =	simm.s32 $0xA800;
	s15 =	simm.s32 $0x680  }
0xf: {  	s11 =	sshrl.u32 s9, $0x3;
	s17 =	sshll.u32 s9, $0x3;
	s26 =	ssub.s32 s21, s23  }
0x10: {  	s23 =	simm.s32 $0x200;
	s9 =	simm.s32 $0x1;
	s21 =	simm.s32 $0x480  }
0x11: {  	s0 =	sadd.s32 s0, s11;
	s16 =	sadd.s32 s3, s11;
	s18 =	sadd.s32 s4, s11  }
0x12: {  	s3 =	sadd.s32 s17, s6;
	s19 =	sadd.s32 s5, s11;
	s14 =	smax.u32 s26, $0x1  }
0x13: {  	s6 =	simm.s32 $0x80;
	s17 =	simm.s32 $0x2800;
	[dreg:$0x8] =	wrdreg s0  }
0x14: {  	s4 =	simm.s32 $0x8800;
	s11 =	simm.s32 $0xC800;
	[dreg:$0x9] =	wrdreg s16  }
0x15: {  	s26 =	simm.s32 $0x380;
	s5 =	simm.s32 $0x2;
	[dreg:$0xa] =	wrdreg s18  }
0x16: {  	[dreg:$0xb] =	wrdreg s19;
	s20 =	sadd.s32 $0xEFE00, s3;
	s22 =	sadd.s32 $0x10FE00, s3  }
0x17: {  	s24 =	sadd.s32 $0x12FE00, s3;
	s25 =	sadd.s32 $0x14FE00, s3;
	s31 =	sadd.s32 $0xFFFFFFFF, s14  }
0x18: {  	s0 =	sshrl.u32 @!p0 s2, $0x3;
	[dreg:$0xc] =	wrdreg s20;
	p2 =	sne.s32 s31, $0x0  }
.Ltmp0:
0x19: {  	s3 =	simm.s32 $0x3;
	[dreg:$0xd] =	wrdreg s22;
	(pc) =	sbr.rel @!p2 .LBB2_1-.Ltmp0, $4  }
0x1a: {  	s18 =	simm.s32 $0x4800;
	s19 =	simm.s32 $0x6800;
	[dreg:$0xe] =	wrdreg s24  }
0x1b: {  	s16 =	simm.s32 $0x700;
	s14 =	simm.s32 $0x780;
	[dreg:$0xf] =	wrdreg s25  }
0x1c: {  	[dreg:$0x10] =	wrdreg s0;
	s24 =	simm.s32 $0x280;
	s25 =	simm.s32 $0x300  }
0x1d: {  	s22 =	simm.s32 $0x500;
	s20 =	simm.s32 $0x580;
	s0 =	rddreg [dreg:$0x10]  }
0x1e: {  	s30 =	rddreg [dreg:$0x7];
	s29 =	simm.s32 @!p0 $0x1C03  }
0x1f: {  	[spmem:s0], [sflag:s29] =	dma.local @!p0 [hbm:s30], $0x4540  }
0x20: {  	s30 =	simm.s32 @!p0 $0x3  }
0x21: {  	_ =	swait.ge @!p0 [sflag:s30], $0x4540  }
0x22: {  	[sflag:s30] =	ssyncset.done @!p0 $0x0  }
0x23: {  	s0 =	rddreg [dreg:$0x8];
	[sflag:s30] =	ssyncadd.s32 @!p0 $0xFFFFBAC0  }
0x24: {  	[tilespmem:s1], [sflag:$0x3] =	stream.linear.gather [hbm4b:s0+s1], $0x200, $0x38;
	[tilespmem:$0x12AA0] =	vst v63  }
0x25: {  	_ =	swait.ge [sflag:s3], $0x200  }
0x26: {  	[sflag:s3] =	ssyncset.done $0x0  }
0x27: {  	s0 =	rddreg [dreg:$0x9];
	[sflag:s3] =	ssyncadd.s32 $0xFFFFFE00  }
0x28: {  	[tilespmem:s23], [sflag:$0x3] =	stream.linear.gather [hbm4b:s0+s1], $0x200, $0x38;
	[tilespmem:$0x12AA0] =	vst v63  }
0x29: {  	_ =	swait.ge [sflag:s3], $0x200  }
0x2a: {  	[sflag:s3] =	ssyncset.done $0x0  }
0x2b: {  	s0 =	rddreg [dreg:$0xa];
	[sflag:s3] =	ssyncadd.s32 $0xFFFFFE00  }
0x2c: {  	[tilespmem:s13], [sflag:$0x3] =	stream.linear.gather [hbm4b:s0+s1], $0x200, $0x38;
	[tilespmem:$0x12AA0] =	vst v63  }
0x2d: {  	_ =	swait.ge [sflag:s3], $0x200  }
0x2e: {  	[sflag:s3] =	ssyncset.done $0x0  }
0x2f: {  	s0 =	rddreg [dreg:$0xb];
	[sflag:s3] =	ssyncadd.s32 $0xFFFFFE00  }
0x30: {  	[tilespmem:s8], [sflag:$0x3] =	stream.linear.gather [hbm4b:s0+s1], $0x200, $0x38;
	[tilespmem:$0x12AA0] =	vst v63  }
0x31: {  	_ =	swait.ge [sflag:s3], $0x200  }
0x32: {  	[sflag:s3] =	ssyncset.done $0x0  }
0x33: {  	[sflag:s3] =	ssyncadd.s32 $0xFFFFFE00  }
0x34: {  	[bflag:$0x0] =	sbarrier.arrive $0xFFFF  }
0x35: {  	[tilespmem:s7], [sflag:$0x1] =	stream.indirect.gather [spmem:s2], $0x40, s1, s6, $0xb8;
	[tilespmem:$0x12AA0] =	vst v63  }
0x36: {  	_ = 	snop  }
0x37: {  	[tilespmem:s17], [sflag:$0x1] =	stream.indirect.gather [spmem:s2], $0x40, s6, s6, $0xb8;
	[tilespmem:$0x12AA0] =	vst v63  }
0x38: {  	s0 =	rddreg [dreg:$0x11]  }
0x39: {  	[tilespmem:s18], [sflag:$0x1] =	stream.indirect.gather [spmem:s2], $0x40, s0, s6, $0xb8;
	[tilespmem:$0x12AA0] =	vst v63  }
0x3a: {  	_ = 	snop  }
0x3b: {  	[tilespmem:s19], [sflag:$0x1] =	stream.indirect.gather [spmem:s2], $0x40, s28, s6, $0xb8;
	[tilespmem:$0x12AA0] =	vst v63  }
0x3c: {  	_ =	swait.ge [sflag:s9], $0x2000  }
0x3d: {  	[sflag:s9] =	ssyncset.done $0x0  }
0x3e: {  	[sflag:s9] =	ssyncadd.s32 $0xFFFFE000  }
0x3f: {  	_ =	swait.ge [sflag:s9], $0x2000  }
0x40: {  	[sflag:s9] =	ssyncset.done $0x0  }
0x41: {  	[sflag:s9] =	ssyncadd.s32 $0xFFFFE000  }
0x42: {  	_ =	swait.ge [sflag:s9], $0x2000  }
0x43: {  	[sflag:s9] =	ssyncset.done $0x0  }
0x44: {  	[sflag:s9] =	ssyncadd.s32 $0xFFFFE000  }
0x45: {  	_ =	swait.ge [sflag:s9], $0x2000  }
0x46: {  	[sflag:s9] =	ssyncset.done $0x0  }
0x47: {  	[sflag:s9] =	ssyncadd.s32 $0xFFFFE000  }
0x48: {  	[tilespmem:s4], [sflag:$0x2] =	stream.indirect.gather [spmem:s2], $0x40, s23, s6, $0xb8;
	[tilespmem:$0x12AA0] =	vst v63  }
0x49: {  	_ = 	snop  }
0x4a: {  	[tilespmem:s10], [sflag:$0x2] =	stream.indirect.gather [spmem:s2], $0x40, s24, s6, $0xb8;
	[tilespmem:$0x12AA0] =	vst v63  }
0x4b: {  	_ = 	snop  }
0x4c: {  	[tilespmem:s11], [sflag:$0x2] =	stream.indirect.gather [spmem:s2], $0x40, s25, s6, $0xb8;
	[tilespmem:$0x12AA0] =	vst v63  }
0x4d: {  	_ = 	snop  }
0x4e: {  	[tilespmem:s12], [sflag:$0x2] =	stream.indirect.gather [spmem:s2], $0x40, s26, s6, $0xb8;
	[tilespmem:$0x12AA0] =	vst v63  }
0x4f: {  	s0 =	rddreg [dreg:$0xc]  }
0x50: {  	[hbm4b:s0+s1] =	stream.linear.scatter [tilespmem:s7], [sflag:$0x3], $0x8000, $0x38;
	[tilespmem:$0x12AA0] =	vst v63  }
0x51: {  	_ =	swait.ge [sflag:s3], $0x8000  }
0x52: {  	[sflag:s3] =	ssyncset.done $0x0  }
0x53: {  	[sflag:s3] =	ssyncadd.s32 $0xFFFF8000  }
0x54: {  	_ =	swait.ge [sflag:s5], $0x2000  }
0x55: {  	[sflag:s5] =	ssyncset.done $0x0  }
0x56: {  	[sflag:s5] =	ssyncadd.s32 $0xFFFFE000  }
0x57: {  	_ =	swait.ge [sflag:s5], $0x2000  }
0x58: {  	[sflag:s5] =	ssyncset.done $0x0  }
0x59: {  	[sflag:s5] =	ssyncadd.s32 $0xFFFFE000  }
0x5a: {  	_ =	swait.ge [sflag:s5], $0x2000  }
0x5b: {  	[sflag:s5] =	ssyncset.done $0x0  }
0x5c: {  	[sflag:s5] =	ssyncadd.s32 $0xFFFFE000  }
0x5d: {  	_ =	swait.ge [sflag:s5], $0x2000  }
0x5e: {  	[sflag:s5] =	ssyncset.done $0x0  }
0x5f: {  	[sflag:s5] =	ssyncadd.s32 $0xFFFFE000  }
0x60: {  	[tilespmem:s7], [sflag:$0x1] =	stream.indirect.gather [spmem:s2], $0x40, s13, s6, $0xb8;
	[tilespmem:$0x12AA0] =	vst v63  }
0x61: {  	_ = 	snop  }
0x62: {  	[tilespmem:s17], [sflag:$0x1] =	stream.indirect.gather [spmem:s2], $0x40, s21, s6, $0xb8;
	[tilespmem:$0x12AA0] =	vst v63  }
0x63: {  	_ = 	snop  }
0x64: {  	[tilespmem:s18], [sflag:$0x1] =	stream.indirect.gather [spmem:s2], $0x40, s22, s6, $0xb8;
	[tilespmem:$0x12AA0] =	vst v63  }
0x65: {  	_ = 	snop  }
0x66: {  	[tilespmem:s19], [sflag:$0x1] =	stream.indirect.gather [spmem:s2], $0x40, s20, s6, $0xb8;
	[tilespmem:$0x12AA0] =	vst v63  }
0x67: {  	s0 =	rddreg [dreg:$0xd]  }
0x68: {  	[hbm4b:s0+s1] =	stream.linear.scatter [tilespmem:s4], [sflag:$0x3], $0x8000, $0x38;
	[tilespmem:$0x12AA0] =	vst v63  }
0x69: {  	_ =	swait.ge [sflag:s3], $0x8000  }
0x6a: {  	[sflag:s3] =	ssyncset.done $0x0  }
0x6b: {  	[sflag:s3] =	ssyncadd.s32 $0xFFFF8000  }
0x6c: {  	_ =	swait.ge [sflag:s9], $0x2000  }
0x6d: {  	[sflag:s9] =	ssyncset.done $0x0  }
0x6e: {  	[sflag:s9] =	ssyncadd.s32 $0xFFFFE000  }
0x6f: {  	_ =	swait.ge [sflag:s9], $0x2000  }
0x70: {  	[sflag:s9] =	ssyncset.done $0x0  }
0x71: {  	[sflag:s9] =	ssyncadd.s32 $0xFFFFE000  }
0x72: {  	_ =	swait.ge [sflag:s9], $0x2000  }
0x73: {  	[sflag:s9] =	ssyncset.done $0x0  }
0x74: {  	[sflag:s9] =	ssyncadd.s32 $0xFFFFE000  }
0x75: {  	_ =	swait.ge [sflag:s9], $0x2000  }
0x76: {  	[sflag:s9] =	ssyncset.done $0x0  }
0x77: {  	[sflag:s9] =	ssyncadd.s32 $0xFFFFE000  }
0x78: {  	[tilespmem:s4], [sflag:$0x2] =	stream.indirect.gather [spmem:s2], $0x40, s8, s6, $0xb8;
	[tilespmem:$0x12AA0] =	vst v63  }
0x79: {  	_ = 	snop  }
0x7a: {  	[tilespmem:s10], [sflag:$0x2] =	stream.indirect.gather [spmem:s2], $0x40, s15, s6, $0xb8;
	[tilespmem:$0x12AA0] =	vst v63  }
0x7b: {  	_ = 	snop  }
0x7c: {  	[tilespmem:s11], [sflag:$0x2] =	stream.indirect.gather [spmem:s2], $0x40, s16, s6, $0xb8;
	[tilespmem:$0x12AA0] =	vst v63  }
0x7d: {  	_ = 	snop  }
0x7e: {  	[tilespmem:s12], [sflag:$0x2] =	stream.indirect.gather [spmem:s2], $0x40, s14, s6, $0xb8;
	[tilespmem:$0x12AA0] =	vst v63  }
0x7f: {  	s0 =	rddreg [dreg:$0xe]  }
0x80: {  	[hbm4b:s0+s1] =	stream.linear.scatter [tilespmem:s7], [sflag:$0x3], $0x8000, $0x38;
	[tilespmem:$0x12AA0] =	vst v63  }
0x81: {  	_ =	swait.ge [sflag:s3], $0x8000  }
0x82: {  	[sflag:s3] =	ssyncset.done $0x0  }
0x83: {  	[sflag:s3] =	ssyncadd.s32 $0xFFFF8000  }
0x84: {  	_ =	swait.ge [sflag:s5], $0x2000  }
0x85: {  	[sflag:s5] =	ssyncset.done $0x0  }
0x86: {  	[sflag:s5] =	ssyncadd.s32 $0xFFFFE000  }
0x87: {  	_ =	swait.ge [sflag:s5], $0x2000  }
0x88: {  	[sflag:s5] =	ssyncset.done $0x0  }
0x89: {  	[sflag:s5] =	ssyncadd.s32 $0xFFFFE000  }
0x8a: {  	_ =	swait.ge [sflag:s5], $0x2000  }
0x8b: {  	[sflag:s5] =	ssyncset.done $0x0  }
0x8c: {  	s31 =	sadd.s32 $0xFFFFFFFF, s31;
	[sflag:s5] =	ssyncadd.s32 $0xFFFFE000  }
0x8d: {  	p2 =	sne.s32 s31, $0x0;
	_ =	swait.ge [sflag:s5], $0x2000  }
.Ltmp1:
0x8e: {  	[sflag:s5] =	ssyncset.done $0x0;
	(pc) =	sbr.rel @!p2 .LBB2_3-.Ltmp1, $4  }
0x8f: {  	s14 =	rddreg [dreg:$0xf];
	[sflag:s5] =	ssyncadd.s32 $0xFFFFE000  }
0x90: {  	[hbm4b:s14+s1] =	stream.linear.scatter [tilespmem:s4], [sflag:$0x3], $0x8000, $0x38;
	[tilespmem:$0x12AA0] =	vst v63  }
0x91: {  	_ =	swait.ge [sflag:s3], $0x8000  }
0x92: {  	p1 =	por $0x1, $0x1;
	s0 =	rddreg [dreg:$0x10];
	[sflag:s3] =	ssyncset.done $0x0  }
.LBB2_4:
0x93: {  	s14 =	rddreg [dreg:$0x7];
	[sflag:s3] =	ssyncadd.s32 $0xFFFF8000  }
0x94: {  	[spmem:s0], [sflag:s29] =	dma.local @!p0 [hbm:s14], $0x4540  }
0x95: {  	_ =	swait.ge @!p0 [sflag:s30], $0x4540  }
0x96: {  	[sflag:s30] =	ssyncset.done @!p0 $0x0  }
0x97: {  	s0 =	rddreg [dreg:$0x8];
	[sflag:s30] =	ssyncadd.s32 @!p0 $0xFFFFBAC0  }
0x98: {  	[tilespmem:s1], [sflag:$0x3] =	stream.linear.gather [hbm4b:s0+s1], $0x200, $0x38;
	[tilespmem:$0x12AA0] =	vst v63  }
0x99: {  	_ =	swait.ge [sflag:s3], $0x200  }
0x9a: {  	[sflag:s3] =	ssyncset.done $0x0  }
0x9b: {  	s0 =	rddreg [dreg:$0x9];
	[sflag:s3] =	ssyncadd.s32 $0xFFFFFE00  }
0x9c: {  	[tilespmem:s23], [sflag:$0x3] =	stream.linear.gather [hbm4b:s0+s1], $0x200, $0x38;
	[tilespmem:$0x12AA0] =	vst v63  }
0x9d: {  	_ =	swait.ge [sflag:s3], $0x200  }
0x9e: {  	[sflag:s3] =	ssyncset.done $0x0  }
0x9f: {  	s0 =	rddreg [dreg:$0xa];
	[sflag:s3] =	ssyncadd.s32 $0xFFFFFE00  }
0xa0: {  	[tilespmem:s13], [sflag:$0x3] =	stream.linear.gather [hbm4b:s0+s1], $0x200, $0x38;
	[tilespmem:$0x12AA0] =	vst v63  }
0xa1: {  	_ =	swait.ge [sflag:s3], $0x200  }
0xa2: {  	[sflag:s3] =	ssyncset.done $0x0  }
0xa3: {  	s0 =	rddreg [dreg:$0xb];
	[sflag:s3] =	ssyncadd.s32 $0xFFFFFE00  }
0xa4: {  	[tilespmem:s8], [sflag:$0x3] =	stream.linear.gather [hbm4b:s0+s1], $0x200, $0x38;
	[tilespmem:$0x12AA0] =	vst v63  }
0xa5: {  	_ =	swait.ge [sflag:s3], $0x200  }
0xa6: {  	[sflag:s3] =	ssyncset.done $0x0  }
0xa7: {  	[sflag:s3] =	ssyncadd.s32 $0xFFFFFE00  }
0xa8: {  	[bflag:$0x0] =	sbarrier.arrive $0xFFFF  }
0xa9: {  	[tilespmem:s7], [sflag:$0x1] =	stream.indirect.gather [spmem:s2], $0x40, s1, s6, $0xb8;
	[tilespmem:$0x12AA0] =	vst v63  }
0xaa: {  	_ = 	snop  }
0xab: {  	[tilespmem:s17], [sflag:$0x1] =	stream.indirect.gather [spmem:s2], $0x40, s6, s6, $0xb8;
	[tilespmem:$0x12AA0] =	vst v63  }
0xac: {  	s0 =	rddreg [dreg:$0x11]  }
0xad: {  	[tilespmem:s18], [sflag:$0x1] =	stream.indirect.gather [spmem:s2], $0x40, s0, s6, $0xb8;
	[tilespmem:$0x12AA0] =	vst v63  }
0xae: {  	_ = 	snop  }
0xaf: {  	[tilespmem:s19], [sflag:$0x1] =	stream.indirect.gather [spmem:s2], $0x40, s28, s6, $0xb8;
	[tilespmem:$0x12AA0] =	vst v63  }
0xb0: {  	_ =	swait.ge [sflag:s9], $0x2000  }
0xb1: {  	[sflag:s9] =	ssyncset.done $0x0  }
0xb2: {  	[sflag:s9] =	ssyncadd.s32 $0xFFFFE000  }
0xb3: {  	_ =	swait.ge [sflag:s9], $0x2000  }
0xb4: {  	[sflag:s9] =	ssyncset.done $0x0  }
0xb5: {  	[sflag:s9] =	ssyncadd.s32 $0xFFFFE000  }
0xb6: {  	_ =	swait.ge [sflag:s9], $0x2000  }
0xb7: {  	[sflag:s9] =	ssyncset.done $0x0  }
0xb8: {  	[sflag:s9] =	ssyncadd.s32 $0xFFFFE000  }
0xb9: {  	_ =	swait.ge [sflag:s9], $0x2000  }
0xba: {  	[sflag:s9] =	ssyncset.done $0x0  }
0xbb: {  	[sflag:s9] =	ssyncadd.s32 $0xFFFFE000  }
0xbc: {  	[tilespmem:s4], [sflag:$0x2] =	stream.indirect.gather [spmem:s2], $0x40, s23, s6, $0xb8;
	[tilespmem:$0x12AA0] =	vst v63  }
0xbd: {  	_ = 	snop  }
0xbe: {  	[tilespmem:s10], [sflag:$0x2] =	stream.indirect.gather [spmem:s2], $0x40, s24, s6, $0xb8;
	[tilespmem:$0x12AA0] =	vst v63  }
0xbf: {  	_ = 	snop  }
0xc0: {  	[tilespmem:s11], [sflag:$0x2] =	stream.indirect.gather [spmem:s2], $0x40, s25, s6, $0xb8;
	[tilespmem:$0x12AA0] =	vst v63  }
0xc1: {  	_ = 	snop  }
0xc2: {  	[tilespmem:s12], [sflag:$0x2] =	stream.indirect.gather [spmem:s2], $0x40, s26, s6, $0xb8;
	[tilespmem:$0x12AA0] =	vst v63  }
0xc3: {  	s0 =	rddreg [dreg:$0xc]  }
0xc4: {  	[hbm4b:s0+s1] =	stream.linear.scatter [tilespmem:s7], [sflag:$0x3], $0x8000, $0x38;
	[tilespmem:$0x12AA0] =	vst v63  }
0xc5: {  	_ =	swait.ge [sflag:s3], $0x8000  }
0xc6: {  	[sflag:s3] =	ssyncset.done $0x0  }
0xc7: {  	[sflag:s3] =	ssyncadd.s32 $0xFFFF8000  }
0xc8: {  	_ =	swait.ge [sflag:s5], $0x2000  }
0xc9: {  	[sflag:s5] =	ssyncset.done $0x0  }
0xca: {  	[sflag:s5] =	ssyncadd.s32 $0xFFFFE000  }
0xcb: {  	_ =	swait.ge [sflag:s5], $0x2000  }
0xcc: {  	[sflag:s5] =	ssyncset.done $0x0  }
0xcd: {  	[sflag:s5] =	ssyncadd.s32 $0xFFFFE000  }
0xce: {  	_ =	swait.ge [sflag:s5], $0x2000  }
0xcf: {  	[sflag:s5] =	ssyncset.done $0x0  }
0xd0: {  	[sflag:s5] =	ssyncadd.s32 $0xFFFFE000  }
0xd1: {  	_ =	swait.ge [sflag:s5], $0x2000  }
0xd2: {  	[sflag:s5] =	ssyncset.done $0x0  }
0xd3: {  	[sflag:s5] =	ssyncadd.s32 $0xFFFFE000  }
0xd4: {  	[tilespmem:s7], [sflag:$0x1] =	stream.indirect.gather [spmem:s2], $0x40, s13, s6, $0xb8;
	[tilespmem:$0x12AA0] =	vst v63  }
0xd5: {  	_ = 	snop  }
0xd6: {  	[tilespmem:s17], [sflag:$0x1] =	stream.indirect.gather [spmem:s2], $0x40, s21, s6, $0xb8;
	[tilespmem:$0x12AA0] =	vst v63  }
0xd7: {  	_ = 	snop  }
0xd8: {  	[tilespmem:s18], [sflag:$0x1] =	stream.indirect.gather [spmem:s2], $0x40, s22, s6, $0xb8;
	[tilespmem:$0x12AA0] =	vst v63  }
0xd9: {  	_ = 	snop  }
0xda: {  	[tilespmem:s19], [sflag:$0x1] =	stream.indirect.gather [spmem:s2], $0x40, s20, s6, $0xb8;
	[tilespmem:$0x12AA0] =	vst v63  }
0xdb: {  	s0 =	rddreg [dreg:$0xd]  }
0xdc: {  	[hbm4b:s0+s1] =	stream.linear.scatter [tilespmem:s4], [sflag:$0x3], $0x8000, $0x38;
	[tilespmem:$0x12AA0] =	vst v63  }
0xdd: {  	_ =	swait.ge [sflag:s3], $0x8000  }
0xde: {  	[sflag:s3] =	ssyncset.done $0x0  }
0xdf: {  	[sflag:s3] =	ssyncadd.s32 $0xFFFF8000  }
0xe0: {  	_ =	swait.ge [sflag:s9], $0x2000  }
0xe1: {  	[sflag:s9] =	ssyncset.done $0x0  }
0xe2: {  	[sflag:s9] =	ssyncadd.s32 $0xFFFFE000  }
0xe3: {  	_ =	swait.ge [sflag:s9], $0x2000  }
0xe4: {  	[sflag:s9] =	ssyncset.done $0x0  }
0xe5: {  	[sflag:s9] =	ssyncadd.s32 $0xFFFFE000  }
0xe6: {  	_ =	swait.ge [sflag:s9], $0x2000  }
0xe7: {  	[sflag:s9] =	ssyncset.done $0x0  }
0xe8: {  	[sflag:s9] =	ssyncadd.s32 $0xFFFFE000  }
0xe9: {  	_ =	swait.ge [sflag:s9], $0x2000  }
0xea: {  	[sflag:s9] =	ssyncset.done $0x0  }
0xeb: {  	[sflag:s9] =	ssyncadd.s32 $0xFFFFE000  }
0xec: {  	[tilespmem:s4], [sflag:$0x2] =	stream.indirect.gather [spmem:s2], $0x40, s8, s6, $0xb8;
	[tilespmem:$0x12AA0] =	vst v63  }
0xed: {  	_ = 	snop  }
0xee: {  	[tilespmem:s10], [sflag:$0x2] =	stream.indirect.gather [spmem:s2], $0x40, s15, s6, $0xb8;
	[tilespmem:$0x12AA0] =	vst v63  }
0xef: {  	_ = 	snop  }
0xf0: {  	[tilespmem:s11], [sflag:$0x2] =	stream.indirect.gather [spmem:s2], $0x40, s16, s6, $0xb8;
	[tilespmem:$0x12AA0] =	vst v63  }
0xf1: {  	s14 =	simm.s32 $0x780  }
0xf2: {  	[tilespmem:s12], [sflag:$0x2] =	stream.indirect.gather [spmem:s2], $0x40, s14, s6, $0xb8;
	[tilespmem:$0x12AA0] =	vst v63  }
0xf3: {  	s0 =	rddreg [dreg:$0xe]  }
0xf4: {  	[hbm4b:s0+s1] =	stream.linear.scatter [tilespmem:s7], [sflag:$0x3], $0x8000, $0x38;
	[tilespmem:$0x12AA0] =	vst v63  }
0xf5: {  	_ =	swait.ge [sflag:s3], $0x8000  }
0xf6: {  	[sflag:s3] =	ssyncset.done $0x0  }
0xf7: {  	[sflag:s3] =	ssyncadd.s32 $0xFFFF8000  }
0xf8: {  	_ =	swait.ge [sflag:s5], $0x2000  }
0xf9: {  	[sflag:s5] =	ssyncset.done $0x0  }
0xfa: {  	[sflag:s5] =	ssyncadd.s32 $0xFFFFE000  }
0xfb: {  	_ =	swait.ge [sflag:s5], $0x2000  }
0xfc: {  	[sflag:s5] =	ssyncset.done $0x0  }
0xfd: {  	[sflag:s5] =	ssyncadd.s32 $0xFFFFE000  }
0xfe: {  	_ =	swait.ge [sflag:s5], $0x2000  }
0xff: {  	[sflag:s5] =	ssyncset.done $0x0  }
0x100: {  	s31 =	sadd.s32 $0xFFFFFFFF, s31;
	[sflag:s5] =	ssyncadd.s32 $0xFFFFE000  }
0x101: {  	p2 =	sne.s32 s31, $0x0;
	_ =	swait.ge [sflag:s5], $0x2000  }
.Ltmp2:
0x102: {  	[sflag:s5] =	ssyncset.done $0x0;
	(pc) =	sbr.rel @p2 .LBB2_4-.Ltmp2, $4  }
0x103: {  	s14 =	rddreg [dreg:$0xf];
	[sflag:s5] =	ssyncadd.s32 $0xFFFFE000  }
0x104: {  	[hbm4b:s14+s1] =	stream.linear.scatter [tilespmem:s4], [sflag:$0x3], $0x8000, $0x38;
	[tilespmem:$0x12AA0] =	vst v63  }
0x105: {  	_ =	swait.ge [sflag:s3], $0x8000  }
0x106: {  	s0 =	rddreg [dreg:$0x10];
	[sflag:s3] =	ssyncset.done $0x0  }
0x107: {  	s31 =	simm.s32 $0x780;
	s30 =	rddreg [dreg:$0x6]  }
.LBB2_6:
0x108: {  	s14 =	rddreg [dreg:$0x7];
	[sflag:s3] =	ssyncadd.s32 @p1 $0xFFFF8000;
	s29 =	simm.s32 @!p0 $0x1C03  }
0x109: {  	[spmem:s0], [sflag:s29] =	dma.local @!p0 [hbm:s14], $0x4540  }
0x10a: {  	s0 =	simm.s32 @!p0 $0x3  }
0x10b: {  	_ =	swait.ge @!p0 [sflag:s0], $0x4540  }
0x10c: {  	[sflag:s0] =	ssyncset.done @!p0 $0x0  }
0x10d: {  	s29 =	rddreg [dreg:$0x8];
	[sflag:s0] =	ssyncadd.s32 @!p0 $0xFFFFBAC0  }
0x10e: {  	[tilespmem:s1], [sflag:$0x3] =	stream.linear.gather [hbm4b:s29+s1], $0x200, $0x38;
	[tilespmem:$0x12AA0] =	vst v63  }
0x10f: {  	_ =	swait.ge [sflag:s3], $0x200  }
0x110: {  	[sflag:s3] =	ssyncset.done $0x0  }
0x111: {  	s29 =	rddreg [dreg:$0x9];
	[sflag:s3] =	ssyncadd.s32 $0xFFFFFE00  }
0x112: {  	[tilespmem:s23], [sflag:$0x3] =	stream.linear.gather [hbm4b:s29+s1], $0x200, $0x38;
	[tilespmem:$0x12AA0] =	vst v63  }
0x113: {  	_ =	swait.ge [sflag:s3], $0x200  }
0x114: {  	[sflag:s3] =	ssyncset.done $0x0  }
0x115: {  	s14 =	rddreg [dreg:$0xa];
	[sflag:s3] =	ssyncadd.s32 $0xFFFFFE00  }
0x116: {  	[tilespmem:s13], [sflag:$0x3] =	stream.linear.gather [hbm4b:s14+s1], $0x200, $0x38;
	[tilespmem:$0x12AA0] =	vst v63  }
0x117: {  	_ =	swait.ge [sflag:s3], $0x200  }
0x118: {  	[sflag:s3] =	ssyncset.done $0x0  }
0x119: {  	s29 =	rddreg [dreg:$0xb];
	[sflag:s3] =	ssyncadd.s32 $0xFFFFFE00  }
0x11a: {  	[tilespmem:s8], [sflag:$0x3] =	stream.linear.gather [hbm4b:s29+s1], $0x200, $0x38;
	[tilespmem:$0x12AA0] =	vst v63  }
0x11b: {  	_ =	swait.ge [sflag:s3], $0x200  }
0x11c: {  	[sflag:s3] =	ssyncset.done $0x0  }
0x11d: {  	[sflag:s3] =	ssyncadd.s32 $0xFFFFFE00  }
0x11e: {  	[bflag:$0x0] =	sbarrier.arrive $0xFFFF  }
0x11f: {  	[tilespmem:s7], [sflag:$0x1] =	stream.indirect.gather [spmem:s2], $0x40, s1, s6, $0xb8;
	[tilespmem:$0x12AA0] =	vst v63  }
0x120: {  	_ = 	snop  }
0x121: {  	[tilespmem:s17], [sflag:$0x1] =	stream.indirect.gather [spmem:s2], $0x40, s6, s6, $0xb8;
	[tilespmem:$0x12AA0] =	vst v63  }
0x122: {  	s14 =	rddreg [dreg:$0x11]  }
0x123: {  	[tilespmem:s18], [sflag:$0x1] =	stream.indirect.gather [spmem:s2], $0x40, s14, s6, $0xb8;
	[tilespmem:$0x12AA0] =	vst v63  }
0x124: {  	_ = 	snop  }
0x125: {  	[tilespmem:s19], [sflag:$0x1] =	stream.indirect.gather [spmem:s2], $0x40, s28, s6, $0xb8;
	[tilespmem:$0x12AA0] =	vst v63  }
0x126: {  	_ =	swait.ge [sflag:s9], $0x2000  }
0x127: {  	[sflag:s9] =	ssyncset.done $0x0  }
0x128: {  	[sflag:s9] =	ssyncadd.s32 $0xFFFFE000  }
0x129: {  	_ =	swait.ge [sflag:s9], $0x2000  }
0x12a: {  	[sflag:s9] =	ssyncset.done $0x0  }
0x12b: {  	[sflag:s9] =	ssyncadd.s32 $0xFFFFE000  }
0x12c: {  	_ =	swait.ge [sflag:s9], $0x2000  }
0x12d: {  	[sflag:s9] =	ssyncset.done $0x0  }
0x12e: {  	[sflag:s9] =	ssyncadd.s32 $0xFFFFE000  }
0x12f: {  	_ =	swait.ge [sflag:s9], $0x2000  }
0x130: {  	[sflag:s9] =	ssyncset.done $0x0  }
0x131: {  	[sflag:s9] =	ssyncadd.s32 $0xFFFFE000  }
0x132: {  	[tilespmem:s4], [sflag:$0x2] =	stream.indirect.gather [spmem:s2], $0x40, s23, s6, $0xb8;
	[tilespmem:$0x12AA0] =	vst v63  }
0x133: {  	_ = 	snop  }
0x134: {  	[tilespmem:s10], [sflag:$0x2] =	stream.indirect.gather [spmem:s2], $0x40, s24, s6, $0xb8;
	[tilespmem:$0x12AA0] =	vst v63  }
0x135: {  	_ = 	snop  }
0x136: {  	[tilespmem:s11], [sflag:$0x2] =	stream.indirect.gather [spmem:s2], $0x40, s25, s6, $0xb8;
	[tilespmem:$0x12AA0] =	vst v63  }
0x137: {  	_ = 	snop  }
0x138: {  	[tilespmem:s12], [sflag:$0x2] =	stream.indirect.gather [spmem:s2], $0x40, s26, s6, $0xb8;
	[tilespmem:$0x12AA0] =	vst v63  }
0x139: {  	s25 =	rddreg [dreg:$0xc]  }
0x13a: {  	[hbm4b:s25+s1] =	stream.linear.scatter [tilespmem:s7], [sflag:$0x3], $0x8000, $0x38;
	[tilespmem:$0x12AA0] =	vst v63  }
0x13b: {  	_ =	swait.ge [sflag:s3], $0x8000  }
0x13c: {  	[sflag:s3] =	ssyncset.done $0x0  }
0x13d: {  	[sflag:s3] =	ssyncadd.s32 $0xFFFF8000  }
0x13e: {  	_ =	swait.ge [sflag:s5], $0x2000  }
0x13f: {  	[sflag:s5] =	ssyncset.done $0x0  }
0x140: {  	[sflag:s5] =	ssyncadd.s32 $0xFFFFE000  }
0x141: {  	_ =	swait.ge [sflag:s5], $0x2000  }
0x142: {  	[sflag:s5] =	ssyncset.done $0x0  }
0x143: {  	[sflag:s5] =	ssyncadd.s32 $0xFFFFE000  }
0x144: {  	_ =	swait.ge [sflag:s5], $0x2000  }
0x145: {  	[sflag:s5] =	ssyncset.done $0x0  }
0x146: {  	[sflag:s5] =	ssyncadd.s32 $0xFFFFE000  }
0x147: {  	_ =	swait.ge [sflag:s5], $0x2000  }
0x148: {  	[sflag:s5] =	ssyncset.done $0x0  }
0x149: {  	[sflag:s5] =	ssyncadd.s32 $0xFFFFE000  }
0x14a: {  	[tilespmem:s7], [sflag:$0x1] =	stream.indirect.gather [spmem:s2], $0x40, s13, s6, $0xb8;
	[tilespmem:$0x12AA0] =	vst v63  }
0x14b: {  	_ = 	snop  }
0x14c: {  	[tilespmem:s17], [sflag:$0x1] =	stream.indirect.gather [spmem:s2], $0x40, s21, s6, $0xb8;
	[tilespmem:$0x12AA0] =	vst v63  }
0x14d: {  	_ = 	snop  }
0x14e: {  	[tilespmem:s18], [sflag:$0x1] =	stream.indirect.gather [spmem:s2], $0x40, s22, s6, $0xb8;
	[tilespmem:$0x12AA0] =	vst v63  }
0x14f: {  	_ = 	snop  }
0x150: {  	[tilespmem:s19], [sflag:$0x1] =	stream.indirect.gather [spmem:s2], $0x40, s20, s6, $0xb8;
	[tilespmem:$0x12AA0] =	vst v63  }
0x151: {  	s28 =	rddreg [dreg:$0xd]  }
0x152: {  	[hbm4b:s28+s1] =	stream.linear.scatter [tilespmem:s4], [sflag:$0x3], $0x8000, $0x38;
	[tilespmem:$0x12AA0] =	vst v63  }
0x153: {  	_ =	swait.ge [sflag:s3], $0x8000  }
0x154: {  	[sflag:s3] =	ssyncset.done $0x0  }
0x155: {  	[sflag:s3] =	ssyncadd.s32 $0xFFFF8000  }
0x156: {  	_ =	swait.ge [sflag:s9], $0x2000  }
0x157: {  	[sflag:s9] =	ssyncset.done $0x0  }
0x158: {  	[sflag:s9] =	ssyncadd.s32 $0xFFFFE000  }
0x159: {  	_ =	swait.ge [sflag:s9], $0x2000  }
0x15a: {  	[sflag:s9] =	ssyncset.done $0x0  }
0x15b: {  	[sflag:s9] =	ssyncadd.s32 $0xFFFFE000  }
0x15c: {  	_ =	swait.ge [sflag:s9], $0x2000  }
0x15d: {  	[sflag:s9] =	ssyncset.done $0x0  }
0x15e: {  	[sflag:s9] =	ssyncadd.s32 $0xFFFFE000  }
0x15f: {  	_ =	swait.ge [sflag:s9], $0x2000  }
0x160: {  	[sflag:s9] =	ssyncset.done $0x0  }
0x161: {  	[sflag:s9] =	ssyncadd.s32 $0xFFFFE000  }
0x162: {  	[tilespmem:s4], [sflag:$0x2] =	stream.indirect.gather [spmem:s2], $0x40, s8, s6, $0xb8;
	[tilespmem:$0x12AA0] =	vst v63  }
0x163: {  	_ = 	snop  }
0x164: {  	[tilespmem:s10], [sflag:$0x2] =	stream.indirect.gather [spmem:s2], $0x40, s15, s6, $0xb8;
	[tilespmem:$0x12AA0] =	vst v63  }
0x165: {  	_ = 	snop  }
0x166: {  	[tilespmem:s11], [sflag:$0x2] =	stream.indirect.gather [spmem:s2], $0x40, s16, s6, $0xb8;
	[tilespmem:$0x12AA0] =	vst v63  }
0x167: {  	_ = 	snop  }
0x168: {  	[tilespmem:s12], [sflag:$0x2] =	stream.indirect.gather [spmem:s2], $0x40, s31, s6, $0xb8;
	[tilespmem:$0x12AA0] =	vst v63  }
0x169: {  	s29 =	rddreg [dreg:$0xe]  }
0x16a: {  	[hbm4b:s29+s1] =	stream.linear.scatter [tilespmem:s7], [sflag:$0x3], $0x8000, $0x38;
	[tilespmem:$0x12AA0] =	vst v63  }
0x16b: {  	_ =	swait.ge [sflag:s3], $0x8000  }
0x16c: {  	[sflag:s3] =	ssyncset.done $0x0  }
0x16d: {  	[sflag:s3] =	ssyncadd.s32 $0xFFFF8000  }
0x16e: {  	_ =	swait.ge [sflag:s5], $0x2000  }
0x16f: {  	[sflag:s5] =	ssyncset.done $0x0  }
0x170: {  	[sflag:s5] =	ssyncadd.s32 $0xFFFFE000  }
0x171: {  	_ =	swait.ge [sflag:s5], $0x2000  }
0x172: {  	[sflag:s5] =	ssyncset.done $0x0  }
0x173: {  	[sflag:s5] =	ssyncadd.s32 $0xFFFFE000  }
0x174: {  	_ =	swait.ge [sflag:s5], $0x2000  }
0x175: {  	[sflag:s5] =	ssyncset.done $0x0  }
0x176: {  	[sflag:s5] =	ssyncadd.s32 $0xFFFFE000  }
0x177: {  	_ =	swait.ge [sflag:s5], $0x2000  }
0x178: {  	[sflag:s5] =	ssyncset.done $0x0  }
0x179: {  	s31 =	rddreg [dreg:$0xf];
	[sflag:s5] =	ssyncadd.s32 $0xFFFFE000  }
0x17a: {  	[hbm4b:s31+s1] =	stream.linear.scatter [tilespmem:s4], [sflag:$0x3], $0x8000, $0x38;
	[tilespmem:$0x12AA0] =	vst v63  }
0x17b: {  	_ =	swait.ge [sflag:s3], $0x8000  }
0x17c: {  	[sflag:s3] =	ssyncset.done $0x0  }
0x17d: {  	[sflag:s3] =	ssyncadd.s32 $0xFFFF8000  }
0x17e: {  	_ =	sfence.sel $0x180000  }
0x17f: {  	[bflag:$0x0] =	sbarrier.arrive $0xFFFF  }
0x180: {  	_ =	strace $0x9000004A  }
0x181: {  	s0 =	sadd.s32 @!p0 $0x100000, s30;
	[bflag:$0x2] =	sbarrier.arrive $0xFFFF  }
0x182: {  	[sflag:s0] =	ssyncadd.tile.s32 @!p0 $0x1;
	_ =	shalt  }
.LBB2_1:
.Ltmp3:
0x183: {  	(pc) =	sbr.rel .LBB2_6-.Ltmp3, $2  }
0x184: {  	_ =	sdelay $0x2  }
0x185: {  	s31 =	simm.s32 $0x780  }
.LBB2_3:
.Ltmp4:
0x186: {  	(pc) =	sbr.rel .LBB2_6-.Ltmp4, $2  }
0x187: {  	_ =	sdelay $0x2  }
0x188: {  	s31 =	simm.s32 $0x780;
	s30 =	rddreg [dreg:$0x6]  }
.Lfunc_end2:
_tile_overlayer_lowered:
.L_overlay_start_2:
0x189: {  	(tag) =	ssettag $0x2  }
0x18a: {  	s0 =	rddreg [dreg:$0x0];
	s2 =	stileid.u32  }
0x18b: {  	s1 =	rddreg [dreg:$0x1];
	p0 =	sne.s32 s2, $0x0  }
0x18c: {  	s3 =	rddreg [dreg:$0x2];
	[bflag:$0x3] =	sbarrier.arrive $0xFFFF;
	s2 =	simm.s32 @!p0 $0x1C03  }
0x18d: {  	[timem:s3], [sflag:s2] =	dma.local @!p0 [hbm:s0], s1  }
0x18e: {  	s0 =	simm.s32 @!p0 $0x3  }
0x18f: {  	_ =	swait.ge @!p0 [sflag:s0], s1  }
0x190: {  	s1 =	ssub.s32 @!p0 $0x0, s1;
	[sflag:s0] =	ssyncset.done @!p0 $0x0  }
0x191: {  	[sflag:s0] =	ssyncadd.s32 @!p0 s1  }
0x192: {  	[bflag:$0x3] =	sbarrier.arrive $0xFFFF  }
0x193: {  	_ =	shalt  }

</sc_bundles>
